<compile_context>
chip_gen: v7x
topology: tpu7x:2x2x1
jax: 0.10.2.dev20260603
libtpu: 0.0.44.dev20260713+nightly
codegen_flags: <defaults>
</compile_context>

<pallas_src>
import jax
import jax.numpy as jnp
from jax import lax
from jax.experimental import pallas as pl
from jax.experimental.pallas import tpu as pltpu
from jax.experimental.pallas import tpu_sc as plsc

N = 10000
E = 320000
H = 128
NP = 10240
NC = 2
NS = 16
NW = NC * NS
EPT = E // NW
K = 80
CH = EPT // K
RPT = NP // NS

_mesh = plsc.VectorSubcoreMesh(core_axis_name="c", subcore_axis_name="s")
_f32 = jnp.float32


def _deg_body(eflat, z1, degout, degin,
              sidx, didx, ones_v, go_sp, gi_sp, isem, osem):
    c = lax.axis_index("c")
    s = lax.axis_index("s")
    wid = c * NS + s
    base = wid * EPT
    pltpu.sync_copy(z1.at[pl.ds(s * RPT, RPT)], go_sp.at[pl.ds(s * RPT, RPT)])
    pltpu.sync_copy(z1.at[pl.ds(s * RPT, RPT)], gi_sp.at[pl.ds(s * RPT, RPT)])
    for off in range(0, K - 15, 16):
        ones_v[pl.ds(off, 16)] = jnp.ones((16,), _f32)

    def fetch_idx(j, slot):
        pltpu.async_copy(
            eflat.at[pl.ds(base + j * K, K)], sidx.at[slot], isem)
        pltpu.async_copy(
            eflat.at[pl.ds(E + base + j * K, K)], didx.at[slot], isem)

    def wait_idx(j, slot):
        pltpu.make_async_copy(
            eflat.at[pl.ds(base + j * K, K)], sidx.at[slot], isem).wait()
        pltpu.make_async_copy(
            eflat.at[pl.ds(E + base + j * K, K)], didx.at[slot], isem).wait()

    for j in range(8):
        fetch_idx(j, j)
    plsc.subcore_barrier()

    def chunk(j, carry):
        b16 = lax.rem(j, 16)

        @pl.when(j >= 8)
        def _():
            pltpu.make_async_copy(ones_v, go_sp.at[sidx.at[0]], osem).wait()
            pltpu.make_async_copy(ones_v, gi_sp.at[didx.at[0]], osem).wait()

        @pl.when(j + 8 < CH)
        def _():
            fetch_idx(j + 8, lax.rem(j + 8, 16))

        wait_idx(j, b16)
        pltpu.async_copy(ones_v, go_sp.at[sidx.at[b16]], osem, add=True)
        pltpu.async_copy(ones_v, gi_sp.at[didx.at[b16]], osem, add=True)
        return carry

    lax.fori_loop(0, CH, chunk, 0, unroll=False)
    for _ in range(8):
        pltpu.make_async_copy(ones_v, go_sp.at[sidx.at[0]], osem).wait()
        pltpu.make_async_copy(ones_v, gi_sp.at[didx.at[0]], osem).wait()
    plsc.subcore_barrier()

    @pl.when(s == 0)
    def _():
        pltpu.sync_copy(go_sp, degout.at[c])
        pltpu.sync_copy(gi_sp, degin.at[c])


def _deg_call(eflat, z1):
    return pl.kernel(
        _deg_body,
        out_type=(
            jax.ShapeDtypeStruct((NC, NP), _f32),
            jax.ShapeDtypeStruct((NC, NP), _f32),
        ),
        mesh=_mesh,
        scratch_types=dict(
            sidx=pltpu.VMEM((16, K), jnp.int32),
            didx=pltpu.VMEM((16, K), jnp.int32),
            ones_v=pltpu.VMEM((K,), _f32),
            go_sp=pltpu.VMEM_SHARED((NP,), _f32),
            gi_sp=pltpu.VMEM_SHARED((NP,), _f32),
            isem=pltpu.SemaphoreType.DMA,
            osem=pltpu.SemaphoreType.DMA,
        ),
    )(eflat, z1)


def _norm_mm_body(x_ref, w1_ref, dgo_ref, dgi_ref,
                  hsc_ref, nsrc_ref, ndst_ref, ndst1d_ref):
    ones21 = jnp.ones((2, 1), _f32)
    dgo = lax.dot_general(dgo_ref[...], ones21, (((0,), (0,)), ((), ())),
                          preferred_element_type=_f32)
    dgi = lax.dot_general(dgi_ref[...], ones21, (((0,), (0,)), ((), ())),
                          preferred_element_type=_f32)
    nsrc = lax.rsqrt(jnp.maximum(dgo, 1.0))
    ndst = lax.rsqrt(jnp.maximum(dgi, 1.0))
    nsrc_ref[...] = nsrc
    ndst_ref[...] = ndst
    dgi1 = dgi_ref[0] + dgi_ref[1]
    ndst1d_ref[...] = lax.rsqrt(jnp.maximum(dgi1, 1.0))
    xw = jnp.dot(x_ref[...], w1_ref[...], preferred_element_type=_f32)
    hsc_ref[0:N] = xw * nsrc[0:N]
    hsc_ref[N:NP] = jnp.zeros((NP - N, H), _f32)


def _norm_mm_call(x, w1, dgo, dgi):
    return pl.pallas_call(
        _norm_mm_body,
        out_shape=(
            jax.ShapeDtypeStruct((NP, H), _f32),
            jax.ShapeDtypeStruct((NP, 1), _f32),
            jax.ShapeDtypeStruct((NP, 1), _f32),
            jax.ShapeDtypeStruct((NP,), _f32),
        ),
    )(x, w1, dgo, dgi)


def _agg_body(eflat, hsc, ndst1, agg, wout,
              sidx, didx, stage, wvals, acc_sp, w_sp,
              isem, gsem, wsem, ssem, vsem):
    c = lax.axis_index("c")
    s = lax.axis_index("s")
    wid = c * NS + s
    base = wid * EPT

    def zrow(i, carry):
        for kk in range(H // 16):
            stage[0, i, pl.ds(kk * 16, 16)] = jnp.zeros((16,), _f32)
        return carry

    lax.fori_loop(0, K, zrow, 0, unroll=False)
    for off in range(0, K - 15, 16):
        wvals[0, pl.ds(off, 16)] = jnp.zeros((16,), _f32)
    for i in range(RPT // K):
        pltpu.async_copy(
            stage.at[0], acc_sp.at[pl.ds(s * RPT + i * K, K)], ssem)
        pltpu.async_copy(
            wvals.at[0], w_sp.at[pl.ds(s * RPT + i * K, K)], vsem)

    def fetch_idx(j, slot):
        pltpu.async_copy(
            eflat.at[pl.ds(base + j * K, K)], sidx.at[slot], isem)
        pltpu.async_copy(
            eflat.at[pl.ds(E + base + j * K, K)], didx.at[slot], isem)

    def wait_idx(j, slot):
        pltpu.make_async_copy(
            eflat.at[pl.ds(base + j * K, K)], sidx.at[slot], isem).wait()
        pltpu.make_async_copy(
            eflat.at[pl.ds(E + base + j * K, K)], didx.at[slot], isem).wait()

    def issue_gathers(j, slot, b):
        pltpu.async_copy(hsc.at[sidx.at[slot]], stage.at[b], gsem)
        pltpu.async_copy(ndst1.at[didx.at[slot]], wvals.at[b], wsem)

    for j in range(4):
        fetch_idx(j, j)
    for i in range(RPT // K):
        pltpu.make_async_copy(
            stage.at[0], acc_sp.at[pl.ds(s * RPT + i * K, K)], ssem).wait()
        pltpu.make_async_copy(
            wvals.at[0], w_sp.at[pl.ds(s * RPT + i * K, K)], vsem).wait()
    plsc.subcore_barrier()
    for j in range(2):
        wait_idx(j, j)
        issue_gathers(j, j, j)

    def chunk(j, carry):
        b4s = lax.rem(j, 4)
        b8 = lax.rem(j, 8)
        pltpu.make_async_copy(hsc.at[sidx.at[b8]], stage.at[b4s], gsem).wait()
        pltpu.make_async_copy(
            ndst1.at[didx.at[b8]], wvals.at[b4s], wsem).wait()
        pltpu.async_copy(stage.at[b4s], acc_sp.at[didx.at[b8]], ssem,
                         add=True)
        pltpu.async_copy(wvals.at[b4s], w_sp.at[sidx.at[b8]], vsem, add=True)

        @pl.when(j + 4 < CH)
        def _():
            fetch_idx(j + 4, lax.rem(j + 4, 8))

        @pl.when((j + 2 < CH) & (j >= 2))
        def _():
            slot_n = lax.rem(j + 2, 4)
            pltpu.make_async_copy(
                stage.at[slot_n], acc_sp.at[didx.at[b8]], ssem).wait()
            pltpu.make_async_copy(
                wvals.at[slot_n], w_sp.at[sidx.at[b8]], vsem).wait()

        @pl.when(j + 2 < CH)
        def _():
            wait_idx(j + 2, lax.rem(j + 2, 8))
            issue_gathers(j + 2, lax.rem(j + 2, 8), lax.rem(j + 2, 4))

        return carry

    lax.fori_loop(0, CH, chunk, 0, unroll=False)
    for _ in range(4):
        pltpu.make_async_copy(stage.at[0], acc_sp.at[didx.at[0]], ssem).wait()
        pltpu.make_async_copy(wvals.at[0], w_sp.at[sidx.at[0]], vsem).wait()
    plsc.subcore_barrier()

    pltpu.sync_copy(acc_sp.at[pl.ds(s * RPT, RPT)],
                    agg.at[c, pl.ds(s * RPT, RPT)])

    @pl.when(s == 0)
    def _():
        pltpu.sync_copy(w_sp, wout.at[c])


def _agg_call(eflat, hsc, ndst1):
    return pl.kernel(
        _agg_body,
        out_type=(
            jax.ShapeDtypeStruct((NC, NP, H), _f32),
            jax.ShapeDtypeStruct((NC, NP), _f32),
        ),
        mesh=_mesh,
        scratch_types=dict(
            sidx=pltpu.VMEM((8, K), jnp.int32),
            didx=pltpu.VMEM((8, K), jnp.int32),
            stage=pltpu.VMEM((4, K, H), _f32),
            wvals=pltpu.VMEM((4, K), _f32),
            acc_sp=pltpu.VMEM_SHARED((NP, H), _f32),
            w_sp=pltpu.VMEM_SHARED((NP,), _f32),
            isem=pltpu.SemaphoreType.DMA,
            gsem=pltpu.SemaphoreType.DMA,
            wsem=pltpu.SemaphoreType.DMA,
            ssem=pltpu.SemaphoreType.DMA,
            vsem=pltpu.SemaphoreType.DMA,
        ),
    )(eflat, hsc, ndst1)


def _final_body(agg_ref, ndst_ref, nsrc_ref, wp_ref,
                b1_ref, w2_ref, b2_ref, wc_ref, bc_ref, out_ref):
    agg = agg_ref[0] + agg_ref[1]
    h1 = jnp.maximum(agg * ndst_ref[...] + b1_ref[...], 0.0)
    ones21 = jnp.ones((2, 1), _f32)
    wsum = lax.dot_general(wp_ref[...], ones21, (((0,), (0,)), ((), ())),
                           preferred_element_type=_f32)
    real = (lax.broadcasted_iota(jnp.int32, (NP, 1), 0) < N).astype(_f32)
    coeff = wsum * nsrc_ref[...] * real
    u = lax.dot_general(coeff, h1, (((0,), (0,)), ((), ())),
                        preferred_element_type=_f32)
    hg = jnp.dot(u, w2_ref[...], preferred_element_type=_f32) * (1.0 / N)
    hg = hg + b2_ref[...]
    out_ref[...] = jnp.dot(hg, wc_ref[...], preferred_element_type=_f32) \
        + bc_ref[...]


def _final_call(agg, ndst, nsrc, wp, b1, w2, b2, wc, bc):
    return pl.pallas_call(
        _final_body,
        out_shape=jax.ShapeDtypeStruct((1, 10), _f32),
    )(agg, ndst, nsrc, wp, b1, w2, b2, wc, bc)


@jax.jit
def kernel(in_feat, edge_index, W1, b1, W2, b2, Wc, bc):
    eflat = edge_index.reshape(2 * E)
    z1 = jnp.zeros((NP,), _f32)

    degout, degin = _deg_call(eflat, z1)
    hsc, nsrc, ndst, ndst1d = _norm_mm_call(in_feat, W1, degout, degin)
    agg, w_parts = _agg_call(eflat, hsc, ndst1d)
    return _final_call(agg, ndst, nsrc, w_parts,
                       b1.reshape(1, H), W2, b2.reshape(1, H),
                       Wc.reshape(H, 10), bc.reshape(1, 10))

# --- scband reference (transcript-rebuilt; emitter-appended) ---
"""Pipeline reference for scband-gcn2-47124381171999 (READ-ONLY COPY).

The authoritative reference and input builder live on the scoring server;
editing this copy changes nothing except your own understanding.
"""

import jax, jax.numpy as jnp
import numpy as np

N = 10000
E = 320000
D_IN = 128
H = 128
C = 10

def setup_inputs(seed: int = 0):
    key = jax.random.key(seed)
    ks = jax.random.split(key, 8)
    in_feat = jax.random.normal(ks[0], (N, D_IN), dtype=jnp.float32)
    edge_index = jax.random.randint(ks[1], (2, E), 0, N, dtype=jnp.int32)
    s1 = 1.0 / np.sqrt(D_IN)
    W1 = jax.random.uniform(ks[2], (D_IN, H), minval=-s1, maxval=s1, dtype=jnp.float32)
    b1 = jnp.zeros((H,), dtype=jnp.float32)
    s2 = 1.0 / np.sqrt(H)
    W2 = jax.random.uniform(ks[3], (H, H), minval=-s2, maxval=s2, dtype=jnp.float32)
    b2 = jnp.zeros((H,), dtype=jnp.float32)
    Wc = jax.random.uniform(ks[4], (H, C), minval=-s2, maxval=s2, dtype=jnp.float32)
    bc = jax.random.uniform(ks[5], (C,), minval=-s2, maxval=s2, dtype=jnp.float32)
    return {"in_feat": in_feat, "edge_index": edge_index, "W1": W1, "b1": b1, "W2": W2, "b2": b2, "Wc": Wc, "bc": bc}

def _graph_conv(x, src, dst, W, b):
    # DGL GraphConv with norm='both': D_out^{-1/2} on src feats, sum-aggregate, D_in^{-1/2} on dst, then bias
    deg_out = jnp.zeros((N,), dtype=jnp.float32).at[src].add(1.0)
    deg_in = jnp.zeros((N,), dtype=jnp.float32).at[dst].add(1.0)
    norm_src = jnp.power(jnp.clip(deg_out, 1.0, None), -0.5)
    norm_dst = jnp.power(jnp.clip(deg_in, 1.0, None), -0.5)
    h = x * norm_src[:, None]
    h = h @ W
    msgs = jnp.take(h, src, axis=0)
    agg = jnp.zeros((N, h.shape[1]), dtype=jnp.float32).at[dst].add(msgs)
    agg = agg * norm_dst[:, None]
    return agg + b

def reference(in_feat, edge_index, W1, b1, W2, b2, Wc, bc):
    src = edge_index[0]
    dst = edge_index[1]
    h = _graph_conv(in_feat, src, dst, W1, b1)
    h = jax.nn.relu(h)
    h = _graph_conv(h, src, dst, W2, b2)
    hg = jnp.mean(h, axis=0, keepdims=True)  # dgl.mean_nodes over single graph -> [1, H]
    return hg @ Wc + bc

if __name__ == "__main__":
    import jax
    _d = setup_inputs()
    print(jax.jit(kernel)(*tuple(_d.values())))

</pallas_src>

<mosaic_0001>
#map = affine_map<(d0, d1) -> (0)>
#map1 = affine_map<(d0, d1) -> (0, 0)>
module attributes {stable_mosaic.version = 14 : i64} {
  func.func @_deg_body(%arg0: i32, %arg1: i32, %arg2: memref<640000xi32, #tpu.memory_space<hbm>>, %arg3: memref<10240xf32, #tpu.memory_space<hbm>>, %arg4: memref<2x10240xf32, #tpu.memory_space<hbm>>, %arg5: memref<2x10240xf32, #tpu.memory_space<hbm>>, %arg6: memref<16x80xi32, #tpu.memory_space<vmem>>, %arg7: memref<10240xf32, #tpu.memory_space<vmem_shared>>, %arg8: memref<10240xf32, #tpu.memory_space<vmem_shared>>, %arg9: memref<!tpu.dma_semaphore, #tpu.memory_space<semaphore_mem>>, %arg10: memref<80xf32, #tpu.memory_space<vmem>>, %arg11: memref<!tpu.dma_semaphore, #tpu.memory_space<semaphore_mem>>, %arg12: memref<16x80xi32, #tpu.memory_space<vmem>>) attributes {dimension_semantics = [#tpu.dimension_semantics<core_parallel>, #tpu.dimension_semantics<subcore_parallel>], iteration_bounds = array<i64: 2, 16>, scalar_prefetch = 0 : i64, scratch_operands = 7 : i64, tpu.core_type = #tpu.core_type<sc_vector_subcore>, window_params = [{transform_indices = #map}, {transform_indices = #map}, {transform_indices = #map1}, {transform_indices = #map1}]} {
    %mul3A = arith.constant 16 : i32
    %mul3A_0 = arith.muli %arg0, %mul3A : i32
    %add3A = arith.addi %mul3A_0, %arg1 : i32
    %mul3A_1 = arith.constant 10000 : i32
    %mul3A_2 = arith.muli %add3A, %mul3A_1 : i32
    %mul3A_3 = arith.constant 640 : i32
    %mul3A_4 = arith.muli %arg1, %mul3A_3 : i32
    %mul3A_5 = arith.constant 640 : i32
    %mul3A_6 = arith.muli %arg1, %mul3A_5 : i32
    "tpu.region"() ({
      %run_scoped3A = tpu.sem_alloc : memref<!tpu.dma_semaphore, #tpu.memory_space<semaphore_mem>>
      %dma_start3A_333 = tpu.memref_slice %arg8[%mul3A_6] : memref<10240xf32, #tpu.memory_space<vmem_shared>> -> memref<640xf32, #tpu.memory_space<vmem_shared>>
      %dma_start3A_334 = tpu.memref_slice %arg3[%mul3A_4] : memref<10240xf32, #tpu.memory_space<hbm>> -> memref<640xf32, #tpu.memory_space<hbm>>
      tpu.enqueue_dma source(%dma_start3A_334 : memref<640xf32, #tpu.memory_space<hbm>>) target(%dma_start3A_333 : memref<640xf32, #tpu.memory_space<vmem_shared>>) target_semaphore(%run_scoped3A : memref<!tpu.dma_semaphore, #tpu.memory_space<semaphore_mem>>)
      %dma_wait3A_335 = tpu.memref_slice %arg8[%mul3A_6] : memref<10240xf32, #tpu.memory_space<vmem_shared>> -> memref<640xf32, #tpu.memory_space<vmem_shared>>
      %dma_wait3A_336 = tpu.memref_slice %arg3[%mul3A_4] : memref<10240xf32, #tpu.memory_space<hbm>> -> memref<640xf32, #tpu.memory_space<hbm>>
      tpu.wait_dma2 semaphore(%run_scoped3A : memref<!tpu.dma_semaphore, #tpu.memory_space<semaphore_mem>>) src(%dma_wait3A_336 : memref<640xf32, #tpu.memory_space<hbm>>) dst(%dma_wait3A_335 : memref<640xf32, #tpu.memory_space<vmem_shared>>)
      tpu.yield
    }) : () -> ()
    %mul3A_7 = arith.constant 640 : i32
    %mul3A_8 = arith.muli %arg1, %mul3A_7 : i32
    %mul3A_9 = arith.constant 640 : i32
    %mul3A_10 = arith.muli %arg1, %mul3A_9 : i32
    "tpu.region"() ({
      %run_scoped3A = tpu.sem_alloc : memref<!tpu.dma_semaphore, #tpu.memory_space<semaphore_mem>>
      %dma_start3A_333 = tpu.memref_slice %arg7[%mul3A_10] : memref<10240xf32, #tpu.memory_space<vmem_shared>> -> memref<640xf32, #tpu.memory_space<vmem_shared>>
      %dma_start3A_334 = tpu.memref_slice %arg3[%mul3A_8] : memref<10240xf32, #tpu.memory_space<hbm>> -> memref<640xf32, #tpu.memory_space<hbm>>
      tpu.enqueue_dma source(%dma_start3A_334 : memref<640xf32, #tpu.memory_space<hbm>>) target(%dma_start3A_333 : memref<640xf32, #tpu.memory_space<vmem_shared>>) target_semaphore(%run_scoped3A : memref<!tpu.dma_semaphore, #tpu.memory_space<semaphore_mem>>)
      %dma_wait3A_335 = tpu.memref_slice %arg7[%mul3A_10] : memref<10240xf32, #tpu.memory_space<vmem_shared>> -> memref<640xf32, #tpu.memory_space<vmem_shared>>
      %dma_wait3A_336 = tpu.memref_slice %arg3[%mul3A_8] : memref<10240xf32, #tpu.memory_space<hbm>> -> memref<640xf32, #tpu.memory_space<hbm>>
      tpu.wait_dma2 semaphore(%run_scoped3A : memref<!tpu.dma_semaphore, #tpu.memory_space<semaphore_mem>>) src(%dma_wait3A_336 : memref<640xf32, #tpu.memory_space<hbm>>) dst(%dma_wait3A_335 : memref<640xf32, #tpu.memory_space<vmem_shared>>)
      tpu.yield
    }) : () -> ()
    %broadcast_in_dim3A = arith.constant 1.000000e+00 : f32
    %broadcast_in_dim3A_11 = vector.broadcast %broadcast_in_dim3A : f32 to vector<16xf32>
    %swap3A = arith.constant 0 : index
    %swap3A_12 = tpu.vector_load %arg10[%swap3A] {strides = array<i32>} : memref<80xf32, #tpu.memory_space<vmem>>, vector<16xf32>,
    %swap3A_13 = vector.shape_cast %swap3A_12 : vector<16xf32> to vector<16xf32>
    %swap3A_14 = vector.shape_cast %broadcast_in_dim3A_11 : vector<16xf32> to vector<16xf32>
    tpu.vector_store %arg10[%swap3A], %swap3A_14 {strides = array<i32>} : memref<80xf32, #tpu.memory_space<vmem>>, vector<16xf32>,
    %broadcast_in_dim3A_15 = arith.constant 1.000000e+00 : f32
    %broadcast_in_dim3A_16 = vector.broadcast %broadcast_in_dim3A_15 : f32 to vector<16xf32>
    %swap3A_17 = arith.constant 16 : index
    %swap3A_18 = tpu.vector_load %arg10[%swap3A_17] {strides = array<i32>} : memref<80xf32, #tpu.memory_space<vmem>>, vector<16xf32>,
    %swap3A_19 = vector.shape_cast %swap3A_18 : vector<16xf32> to vector<16xf32>
    %swap3A_20 = vector.shape_cast %broadcast_in_dim3A_16 : vector<16xf32> to vector<16xf32>
    tpu.vector_store %arg10[%swap3A_17], %swap3A_20 {strides = array<i32>} : memref<80xf32, #tpu.memory_space<vmem>>, vector<16xf32>,
    %broadcast_in_dim3A_21 = arith.constant 1.000000e+00 : f32
    %broadcast_in_dim3A_22 = vector.broadcast %broadcast_in_dim3A_21 : f32 to vector<16xf32>
    %swap3A_23 = arith.constant 32 : index
    %swap3A_24 = tpu.vector_load %arg10[%swap3A_23] {strides = array<i32>} : memref<80xf32, #tpu.memory_space<vmem>>, vector<16xf32>,
    %swap3A_25 = vector.shape_cast %swap3A_24 : vector<16xf32> to vector<16xf32>
    %swap3A_26 = vector.shape_cast %broadcast_in_dim3A_22 : vector<16xf32> to vector<16xf32>
    tpu.vector_store %arg10[%swap3A_23], %swap3A_26 {strides = array<i32>} : memref<80xf32, #tpu.memory_space<vmem>>, vector<16xf32>,
    %broadcast_in_dim3A_27 = arith.constant 1.000000e+00 : f32
    %broadcast_in_dim3A_28 = vector.broadcast %broadcast_in_dim3A_27 : f32 to vector<16xf32>
    %swap3A_29 = arith.constant 48 : index
    %swap3A_30 = tpu.vector_load %arg10[%swap3A_29] {strides = array<i32>} : memref<80xf32, #tpu.memory_space<vmem>>, vector<16xf32>,
    %swap3A_31 = vector.shape_cast %swap3A_30 : vector<16xf32> to vector<16xf32>
    %swap3A_32 = vector.shape_cast %broadcast_in_dim3A_28 : vector<16xf32> to vector<16xf32>
    tpu.vector_store %arg10[%swap3A_29], %swap3A_32 {strides = array<i32>} : memref<80xf32, #tpu.memory_space<vmem>>, vector<16xf32>,
    %broadcast_in_dim3A_33 = arith.constant 1.000000e+00 : f32
    %broadcast_in_dim3A_34 = vector.broadcast %broadcast_in_dim3A_33 : f32 to vector<16xf32>
    %swap3A_35 = arith.constant 64 : index
    %swap3A_36 = tpu.vector_load %arg10[%swap3A_35] {strides = array<i32>} : memref<80xf32, #tpu.memory_space<vmem>>, vector<16xf32>,
    %swap3A_37 = vector.shape_cast %swap3A_36 : vector<16xf32> to vector<16xf32>
    %swap3A_38 = vector.shape_cast %broadcast_in_dim3A_34 : vector<16xf32> to vector<16xf32>
    tpu.vector_store %arg10[%swap3A_35], %swap3A_38 {strides = array<i32>} : memref<80xf32, #tpu.memory_space<vmem>>, vector<16xf32>,
    %add3A_39 = arith.constant 0 : i32
    %add3A_40 = arith.addi %mul3A_2, %add3A_39 : i32
    %dma_start3A = arith.constant 0 : i32
    %dma_start3A_41 = arith.constant 0 : i32
    %dma_start3A_42 = tpu.memref_slice %arg12[%dma_start3A, %dma_start3A_41] : memref<16x80xi32, #tpu.memory_space<vmem>> -> memref<1x80xi32, #tpu.memory_space<vmem>>
    %dma_start3A_43 = tpu.memref_squeeze %dma_start3A_42 : memref<1x80xi32, #tpu.memory_space<vmem>> -> memref<80xi32, #tpu.memory_space<vmem>>
    %dma_start3A_44 = tpu.memref_slice %arg2[%add3A_40] : memref<640000xi32, #tpu.memory_space<hbm>> -> memref<80xi32, #tpu.memory_space<hbm>>
    %dma_start3A_45 = arith.constant 0 : i32
    %dma_start3A_46 = tpu.memref_slice %arg12[%dma_start3A, %dma_start3A_45] : memref<16x80xi32, #tpu.memory_space<vmem>> -> memref<1x80xi32, #tpu.memory_space<vmem>>
    %dma_start3A_47 = tpu.memref_squeeze %dma_start3A_46 : memref<1x80xi32, #tpu.memory_space<vmem>> -> memref<80xi32, #tpu.memory_space<vmem>>
    %dma_start3A_48 = tpu.memref_slice %arg2[%add3A_40] : memref<640000xi32, #tpu.memory_space<hbm>> -> memref<80xi32, #tpu.memory_space<hbm>>
    tpu.enqueue_dma source(%dma_start3A_48 : memref<80xi32, #tpu.memory_space<hbm>>) target(%dma_start3A_47 : memref<80xi32, #tpu.memory_space<vmem>>) target_semaphore(%arg9 : memref<!tpu.dma_semaphore, #tpu.memory_space<semaphore_mem>>)
    %add3A_49 = arith.constant 320000 : i32
    %add3A_50 = arith.addi %add3A_49, %mul3A_2 : i32
    %add3A_51 = arith.constant 0 : i32
    %add3A_52 = arith.addi %add3A_50, %add3A_51 : i32
    %dma_start3A_53 = arith.constant 0 : i32
    %dma_start3A_54 = arith.constant 0 : i32
    %dma_start3A_55 = tpu.memref_slice %arg6[%dma_start3A_53, %dma_start3A_54] : memref<16x80xi32, #tpu.memory_space<vmem>> -> memref<1x80xi32, #tpu.memory_space<vmem>>
    %dma_start3A_56 = tpu.memref_squeeze %dma_start3A_55 : memref<1x80xi32, #tpu.memory_space<vmem>> -> memref<80xi32, #tpu.memory_space<vmem>>
    %dma_start3A_57 = tpu.memref_slice %arg2[%add3A_52] : memref<640000xi32, #tpu.memory_space<hbm>> -> memref<80xi32, #tpu.memory_space<hbm>>
    %dma_start3A_58 = arith.constant 0 : i32
    %dma_start3A_59 = tpu.memref_slice %arg6[%dma_start3A_53, %dma_start3A_58] : memref<16x80xi32, #tpu.memory_space<vmem>> -> memref<1x80xi32, #tpu.memory_space<vmem>>
    %dma_start3A_60 = tpu.memref_squeeze %dma_start3A_59 : memref<1x80xi32, #tpu.memory_space<vmem>> -> memref<80xi32, #tpu.memory_space<vmem>>
    %dma_start3A_61 = tpu.memref_slice %arg2[%add3A_52] : memref<640000xi32, #tpu.memory_space<hbm>> -> memref<80xi32, #tpu.memory_space<hbm>>
    tpu.enqueue_dma source(%dma_start3A_61 : memref<80xi32, #tpu.memory_space<hbm>>) target(%dma_start3A_60 : memref<80xi32, #tpu.memory_space<vmem>>) target_semaphore(%arg9 : memref<!tpu.dma_semaphore, #tpu.memory_space<semaphore_mem>>)
    %add3A_62 = arith.constant 80 : i32
    %add3A_63 = arith.addi %mul3A_2, %add3A_62 : i32
    %dma_start3A_64 = arith.constant 1 : i32
    %dma_start3A_65 = arith.constant 0 : i32
    %dma_start3A_66 = tpu.memref_slice %arg12[%dma_start3A_64, %dma_start3A_65] : memref<16x80xi32, #tpu.memory_space<vmem>> -> memref<1x80xi32, #tpu.memory_space<vmem>>
    %dma_start3A_67 = tpu.memref_squeeze %dma_start3A_66 : memref<1x80xi32, #tpu.memory_space<vmem>> -> memref<80xi32, #tpu.memory_space<vmem>>
    %dma_start3A_68 = tpu.memref_slice %arg2[%add3A_63] : memref<640000xi32, #tpu.memory_space<hbm>> -> memref<80xi32, #tpu.memory_space<hbm>>
    %dma_start3A_69 = arith.constant 0 : i32
    %dma_start3A_70 = tpu.memref_slice %arg12[%dma_start3A_64, %dma_start3A_69] : memref<16x80xi32, #tpu.memory_space<vmem>> -> memref<1x80xi32, #tpu.memory_space<vmem>>
    %dma_start3A_71 = tpu.memref_squeeze %dma_start3A_70 : memref<1x80xi32, #tpu.memory_space<vmem>> -> memref<80xi32, #tpu.memory_space<vmem>>
    %dma_start3A_72 = tpu.memref_slice %arg2[%add3A_63] : memref<640000xi32, #tpu.memory_space<hbm>> -> memref<80xi32, #tpu.memory_space<hbm>>
    tpu.enqueue_dma source(%dma_start3A_72 : memref<80xi32, #tpu.memory_space<hbm>>) target(%dma_start3A_71 : memref<80xi32, #tpu.memory_space<vmem>>) target_semaphore(%arg9 : memref<!tpu.dma_semaphore, #tpu.memory_space<semaphore_mem>>)
    %add3A_73 = arith.constant 320000 : i32
    %add3A_74 = arith.addi %add3A_73, %mul3A_2 : i32
    %add3A_75 = arith.constant 80 : i32
    %add3A_76 = arith.addi %add3A_74, %add3A_75 : i32
    %dma_start3A_77 = arith.constant 1 : i32
    %dma_start3A_78 = arith.constant 0 : i32
    %dma_start3A_79 = tpu.memref_slice %arg6[%dma_start3A_77, %dma_start3A_78] : memref<16x80xi32, #tpu.memory_space<vmem>> -> memref<1x80xi32, #tpu.memory_space<vmem>>
    %dma_start3A_80 = tpu.memref_squeeze %dma_start3A_79 : memref<1x80xi32, #tpu.memory_space<vmem>> -> memref<80xi32, #tpu.memory_space<vmem>>
    %dma_start3A_81 = tpu.memref_slice %arg2[%add3A_76] : memref<640000xi32, #tpu.memory_space<hbm>> -> memref<80xi32, #tpu.memory_space<hbm>>
    %dma_start3A_82 = arith.constant 0 : i32
    %dma_start3A_83 = tpu.memref_slice %arg6[%dma_start3A_77, %dma_start3A_82] : memref<16x80xi32, #tpu.memory_space<vmem>> -> memref<1x80xi32, #tpu.memory_space<vmem>>
    %dma_start3A_84 = tpu.memref_squeeze %dma_start3A_83 : memref<1x80xi32, #tpu.memory_space<vmem>> -> memref<80xi32, #tpu.memory_space<vmem>>
    %dma_start3A_85 = tpu.memref_slice %arg2[%add3A_76] : memref<640000xi32, #tpu.memory_space<hbm>> -> memref<80xi32, #tpu.memory_space<hbm>>
    tpu.enqueue_dma source(%dma_start3A_85 : memref<80xi32, #tpu.memory_space<hbm>>) target(%dma_start3A_84 : memref<80xi32, #tpu.memory_space<vmem>>) target_semaphore(%arg9 : memref<!tpu.dma_semaphore, #tpu.memory_space<semaphore_mem>>)
    %add3A_86 = arith.constant 160 : i32
    %add3A_87 = arith.addi %mul3A_2, %add3A_86 : i32
    %dma_start3A_88 = arith.constant 2 : i32
    %dma_start3A_89 = arith.constant 0 : i32
    %dma_start3A_90 = tpu.memref_slice %arg12[%dma_start3A_88, %dma_start3A_89] : memref<16x80xi32, #tpu.memory_space<vmem>> -> memref<1x80xi32, #tpu.memory_space<vmem>>
    %dma_start3A_91 = tpu.memref_squeeze %dma_start3A_90 : memref<1x80xi32, #tpu.memory_space<vmem>> -> memref<80xi32, #tpu.memory_space<vmem>>
    %dma_start3A_92 = tpu.memref_slice %arg2[%add3A_87] : memref<640000xi32, #tpu.memory_space<hbm>> -> memref<80xi32, #tpu.memory_space<hbm>>
    %dma_start3A_93 = arith.constant 0 : i32
    %dma_start3A_94 = tpu.memref_slice %arg12[%dma_start3A_88, %dma_start3A_93] : memref<16x80xi32, #tpu.memory_space<vmem>> -> memref<1x80xi32, #tpu.memory_space<vmem>>
    %dma_start3A_95 = tpu.memref_squeeze %dma_start3A_94 : memref<1x80xi32, #tpu.memory_space<vmem>> -> memref<80xi32, #tpu.memory_space<vmem>>
    %dma_start3A_96 = tpu.memref_slice %arg2[%add3A_87] : memref<640000xi32, #tpu.memory_space<hbm>> -> memref<80xi32, #tpu.memory_space<hbm>>
    tpu.enqueue_dma source(%dma_start3A_96 : memref<80xi32, #tpu.memory_space<hbm>>) target(%dma_start3A_95 : memref<80xi32, #tpu.memory_space<vmem>>) target_semaphore(%arg9 : memref<!tpu.dma_semaphore, #tpu.memory_space<semaphore_mem>>)
    %add3A_97 = arith.constant 320000 : i32
    %add3A_98 = arith.addi %add3A_97, %mul3A_2 : i32
    %add3A_99 = arith.constant 160 : i32
    %add3A_100 = arith.addi %add3A_98, %add3A_99 : i32
    %dma_start3A_101 = arith.constant 2 : i32
    %dma_start3A_102 = arith.constant 0 : i32
    %dma_start3A_103 = tpu.memref_slice %arg6[%dma_start3A_101, %dma_start3A_102] : memref<16x80xi32, #tpu.memory_space<vmem>> -> memref<1x80xi32, #tpu.memory_space<vmem>>
    %dma_start3A_104 = tpu.memref_squeeze %dma_start3A_103 : memref<1x80xi32, #tpu.memory_space<vmem>> -> memref<80xi32, #tpu.memory_space<vmem>>
    %dma_start3A_105 = tpu.memref_slice %arg2[%add3A_100] : memref<640000xi32, #tpu.memory_space<hbm>> -> memref<80xi32, #tpu.memory_space<hbm>>
    %dma_start3A_106 = arith.constant 0 : i32
    %dma_start3A_107 = tpu.memref_slice %arg6[%dma_start3A_101, %dma_start3A_106] : memref<16x80xi32, #tpu.memory_space<vmem>> -> memref<1x80xi32, #tpu.memory_space<vmem>>
    %dma_start3A_108 = tpu.memref_squeeze %dma_start3A_107 : memref<1x80xi32, #tpu.memory_space<vmem>> -> memref<80xi32, #tpu.memory_space<vmem>>
    %dma_start3A_109 = tpu.memref_slice %arg2[%add3A_100] : memref<640000xi32, #tpu.memory_space<hbm>> -> memref<80xi32, #tpu.memory_space<hbm>>
    tpu.enqueue_dma source(%dma_start3A_109 : memref<80xi32, #tpu.memory_space<hbm>>) target(%dma_start3A_108 : memref<80xi32, #tpu.memory_space<vmem>>) target_semaphore(%arg9 : memref<!tpu.dma_semaphore, #tpu.memory_space<semaphore_mem>>)
    %add3A_110 = arith.constant 240 : i32
    %add3A_111 = arith.addi %mul3A_2, %add3A_110 : i32
    %dma_start3A_112 = arith.constant 3 : i32
    %dma_start3A_113 = arith.constant 0 : i32
    %dma_start3A_114 = tpu.memref_slice %arg12[%dma_start3A_112, %dma_start3A_113] : memref<16x80xi32, #tpu.memory_space<vmem>> -> memref<1x80xi32, #tpu.memory_space<vmem>>
    %dma_start3A_115 = tpu.memref_squeeze %dma_start3A_114 : memref<1x80xi32, #tpu.memory_space<vmem>> -> memref<80xi32, #tpu.memory_space<vmem>>
    %dma_start3A_116 = tpu.memref_slice %arg2[%add3A_111] : memref<640000xi32, #tpu.memory_space<hbm>> -> memref<80xi32, #tpu.memory_space<hbm>>
    %dma_start3A_117 = arith.constant 0 : i32
    %dma_start3A_118 = tpu.memref_slice %arg12[%dma_start3A_112, %dma_start3A_117] : memref<16x80xi32, #tpu.memory_space<vmem>> -> memref<1x80xi32, #tpu.memory_space<vmem>>
    %dma_start3A_119 = tpu.memref_squeeze %dma_start3A_118 : memref<1x80xi32, #tpu.memory_space<vmem>> -> memref<80xi32, #tpu.memory_space<vmem>>
    %dma_start3A_120 = tpu.memref_slice %arg2[%add3A_111] : memref<640000xi32, #tpu.memory_space<hbm>> -> memref<80xi32, #tpu.memory_space<hbm>>
    tpu.enqueue_dma source(%dma_start3A_120 : memref<80xi32, #tpu.memory_space<hbm>>) target(%dma_start3A_119 : memref<80xi32, #tpu.memory_space<vmem>>) target_semaphore(%arg9 : memref<!tpu.dma_semaphore, #tpu.memory_space<semaphore_mem>>)
    %add3A_121 = arith.constant 320000 : i32
    %add3A_122 = arith.addi %add3A_121, %mul3A_2 : i32
    %add3A_123 = arith.constant 240 : i32
    %add3A_124 = arith.addi %add3A_122, %add3A_123 : i32
    %dma_start3A_125 = arith.constant 3 : i32
    %dma_start3A_126 = arith.constant 0 : i32
    %dma_start3A_127 = tpu.memref_slice %arg6[%dma_start3A_125, %dma_start3A_126] : memref<16x80xi32, #tpu.memory_space<vmem>> -> memref<1x80xi32, #tpu.memory_space<vmem>>
    %dma_start3A_128 = tpu.memref_squeeze %dma_start3A_127 : memref<1x80xi32, #tpu.memory_space<vmem>> -> memref<80xi32, #tpu.memory_space<vmem>>
    %dma_start3A_129 = tpu.memref_slice %arg2[%add3A_124] : memref<640000xi32, #tpu.memory_space<hbm>> -> memref<80xi32, #tpu.memory_space<hbm>>
    %dma_start3A_130 = arith.constant 0 : i32
    %dma_start3A_131 = tpu.memref_slice %arg6[%dma_start3A_125, %dma_start3A_130] : memref<16x80xi32, #tpu.memory_space<vmem>> -> memref<1x80xi32, #tpu.memory_space<vmem>>
    %dma_start3A_132 = tpu.memref_squeeze %dma_start3A_131 : memref<1x80xi32, #tpu.memory_space<vmem>> -> memref<80xi32, #tpu.memory_space<vmem>>
    %dma_start3A_133 = tpu.memref_slice %arg2[%add3A_124] : memref<640000xi32, #tpu.memory_space<hbm>> -> memref<80xi32, #tpu.memory_space<hbm>>
    tpu.enqueue_dma source(%dma_start3A_133 : memref<80xi32, #tpu.memory_space<hbm>>) target(%dma_start3A_132 : memref<80xi32, #tpu.memory_space<vmem>>) target_semaphore(%arg9 : memref<!tpu.dma_semaphore, #tpu.memory_space<semaphore_mem>>)
    %add3A_134 = arith.constant 320 : i32
    %add3A_135 = arith.addi %mul3A_2, %add3A_134 : i32
    %dma_start3A_136 = arith.constant 4 : i32
    %dma_start3A_137 = arith.constant 0 : i32
    %dma_start3A_138 = tpu.memref_slice %arg12[%dma_start3A_136, %dma_start3A_137] : memref<16x80xi32, #tpu.memory_space<vmem>> -> memref<1x80xi32, #tpu.memory_space<vmem>>
    %dma_start3A_139 = tpu.memref_squeeze %dma_start3A_138 : memref<1x80xi32, #tpu.memory_space<vmem>> -> memref<80xi32, #tpu.memory_space<vmem>>
    %dma_start3A_140 = tpu.memref_slice %arg2[%add3A_135] : memref<640000xi32, #tpu.memory_space<hbm>> -> memref<80xi32, #tpu.memory_space<hbm>>
    %dma_start3A_141 = arith.constant 0 : i32
    %dma_start3A_142 = tpu.memref_slice %arg12[%dma_start3A_136, %dma_start3A_141] : memref<16x80xi32, #tpu.memory_space<vmem>> -> memref<1x80xi32, #tpu.memory_space<vmem>>
    %dma_start3A_143 = tpu.memref_squeeze %dma_start3A_142 : memref<1x80xi32, #tpu.memory_space<vmem>> -> memref<80xi32, #tpu.memory_space<vmem>>
    %dma_start3A_144 = tpu.memref_slice %arg2[%add3A_135] : memref<640000xi32, #tpu.memory_space<hbm>> -> memref<80xi32, #tpu.memory_space<hbm>>
    tpu.enqueue_dma source(%dma_start3A_144 : memref<80xi32, #tpu.memory_space<hbm>>) target(%dma_start3A_143 : memref<80xi32, #tpu.memory_space<vmem>>) target_semaphore(%arg9 : memref<!tpu.dma_semaphore, #tpu.memory_space<semaphore_mem>>)
    %add3A_145 = arith.constant 320000 : i32
    %add3A_146 = arith.addi %add3A_145, %mul3A_2 : i32
    %add3A_147 = arith.constant 320 : i32
    %add3A_148 = arith.addi %add3A_146, %add3A_147 : i32
    %dma_start3A_149 = arith.constant 4 : i32
    %dma_start3A_150 = arith.constant 0 : i32
    %dma_start3A_151 = tpu.memref_slice %arg6[%dma_start3A_149, %dma_start3A_150] : memref<16x80xi32, #tpu.memory_space<vmem>> -> memref<1x80xi32, #tpu.memory_space<vmem>>
    %dma_start3A_152 = tpu.memref_squeeze %dma_start3A_151 : memref<1x80xi32, #tpu.memory_space<vmem>> -> memref<80xi32, #tpu.memory_space<vmem>>
    %dma_start3A_153 = tpu.memref_slice %arg2[%add3A_148] : memref<640000xi32, #tpu.memory_space<hbm>> -> memref<80xi32, #tpu.memory_space<hbm>>
    %dma_start3A_154 = arith.constant 0 : i32
    %dma_start3A_155 = tpu.memref_slice %arg6[%dma_start3A_149, %dma_start3A_154] : memref<16x80xi32, #tpu.memory_space<vmem>> -> memref<1x80xi32, #tpu.memory_space<vmem>>
    %dma_start3A_156 = tpu.memref_squeeze %dma_start3A_155 : memref<1x80xi32, #tpu.memory_space<vmem>> -> memref<80xi32, #tpu.memory_space<vmem>>
    %dma_start3A_157 = tpu.memref_slice %arg2[%add3A_148] : memref<640000xi32, #tpu.memory_space<hbm>> -> memref<80xi32, #tpu.memory_space<hbm>>
    tpu.enqueue_dma source(%dma_start3A_157 : memref<80xi32, #tpu.memory_space<hbm>>) target(%dma_start3A_156 : memref<80xi32, #tpu.memory_space<vmem>>) target_semaphore(%arg9 : memref<!tpu.dma_semaphore, #tpu.memory_space<semaphore_mem>>)
    %add3A_158 = arith.constant 400 : i32
    %add3A_159 = arith.addi %mul3A_2, %add3A_158 : i32
    %dma_start3A_160 = arith.constant 5 : i32
    %dma_start3A_161 = arith.constant 0 : i32
    %dma_start3A_162 = tpu.memref_slice %arg12[%dma_start3A_160, %dma_start3A_161] : memref<16x80xi32, #tpu.memory_space<vmem>> -> memref<1x80xi32, #tpu.memory_space<vmem>>
    %dma_start3A_163 = tpu.memref_squeeze %dma_start3A_162 : memref<1x80xi32, #tpu.memory_space<vmem>> -> memref<80xi32, #tpu.memory_space<vmem>>
    %dma_start3A_164 = tpu.memref_slice %arg2[%add3A_159] : memref<640000xi32, #tpu.memory_space<hbm>> -> memref<80xi32, #tpu.memory_space<hbm>>
    %dma_start3A_165 = arith.constant 0 : i32
    %dma_start3A_166 = tpu.memref_slice %arg12[%dma_start3A_160, %dma_start3A_165] : memref<16x80xi32, #tpu.memory_space<vmem>> -> memref<1x80xi32, #tpu.memory_space<vmem>>
    %dma_start3A_167 = tpu.memref_squeeze %dma_start3A_166 : memref<1x80xi32, #tpu.memory_space<vmem>> -> memref<80xi32, #tpu.memory_space<vmem>>
    %dma_start3A_168 = tpu.memref_slice %arg2[%add3A_159] : memref<640000xi32, #tpu.memory_space<hbm>> -> memref<80xi32, #tpu.memory_space<hbm>>
    tpu.enqueue_dma source(%dma_start3A_168 : memref<80xi32, #tpu.memory_space<hbm>>) target(%dma_start3A_167 : memref<80xi32, #tpu.memory_space<vmem>>) target_semaphore(%arg9 : memref<!tpu.dma_semaphore, #tpu.memory_space<semaphore_mem>>)
    %add3A_169 = arith.constant 320000 : i32
    %add3A_170 = arith.addi %add3A_169, %mul3A_2 : i32
    %add3A_171 = arith.constant 400 : i32
    %add3A_172 = arith.addi %add3A_170, %add3A_171 : i32
    %dma_start3A_173 = arith.constant 5 : i32
    %dma_start3A_174 = arith.constant 0 : i32
    %dma_start3A_175 = tpu.memref_slice %arg6[%dma_start3A_173, %dma_start3A_174] : memref<16x80xi32, #tpu.memory_space<vmem>> -> memref<1x80xi32, #tpu.memory_space<vmem>>
    %dma_start3A_176 = tpu.memref_squeeze %dma_start3A_175 : memref<1x80xi32, #tpu.memory_space<vmem>> -> memref<80xi32, #tpu.memory_space<vmem>>
    %dma_start3A_177 = tpu.memref_slice %arg2[%add3A_172] : memref<640000xi32, #tpu.memory_space<hbm>> -> memref<80xi32, #tpu.memory_space<hbm>>
    %dma_start3A_178 = arith.constant 0 : i32
    %dma_start3A_179 = tpu.memref_slice %arg6[%dma_start3A_173, %dma_start3A_178] : memref<16x80xi32, #tpu.memory_space<vmem>> -> memref<1x80xi32, #tpu.memory_space<vmem>>
    %dma_start3A_180 = tpu.memref_squeeze %dma_start3A_179 : memref<1x80xi32, #tpu.memory_space<vmem>> -> memref<80xi32, #tpu.memory_space<vmem>>
    %dma_start3A_181 = tpu.memref_slice %arg2[%add3A_172] : memref<640000xi32, #tpu.memory_space<hbm>> -> memref<80xi32, #tpu.memory_space<hbm>>
    tpu.enqueue_dma source(%dma_start3A_181 : memref<80xi32, #tpu.memory_space<hbm>>) target(%dma_start3A_180 : memref<80xi32, #tpu.memory_space<vmem>>) target_semaphore(%arg9 : memref<!tpu.dma_semaphore, #tpu.memory_space<semaphore_mem>>)
    %add3A_182 = arith.constant 480 : i32
    %add3A_183 = arith.addi %mul3A_2, %add3A_182 : i32
    %dma_start3A_184 = arith.constant 6 : i32
    %dma_start3A_185 = arith.constant 0 : i32
    %dma_start3A_186 = tpu.memref_slice %arg12[%dma_start3A_184, %dma_start3A_185] : memref<16x80xi32, #tpu.memory_space<vmem>> -> memref<1x80xi32, #tpu.memory_space<vmem>>
    %dma_start3A_187 = tpu.memref_squeeze %dma_start3A_186 : memref<1x80xi32, #tpu.memory_space<vmem>> -> memref<80xi32, #tpu.memory_space<vmem>>
    %dma_start3A_188 = tpu.memref_slice %arg2[%add3A_183] : memref<640000xi32, #tpu.memory_space<hbm>> -> memref<80xi32, #tpu.memory_space<hbm>>
    %dma_start3A_189 = arith.constant 0 : i32
    %dma_start3A_190 = tpu.memref_slice %arg12[%dma_start3A_184, %dma_start3A_189] : memref<16x80xi32, #tpu.memory_space<vmem>> -> memref<1x80xi32, #tpu.memory_space<vmem>>
    %dma_start3A_191 = tpu.memref_squeeze %dma_start3A_190 : memref<1x80xi32, #tpu.memory_space<vmem>> -> memref<80xi32, #tpu.memory_space<vmem>>
    %dma_start3A_192 = tpu.memref_slice %arg2[%add3A_183] : memref<640000xi32, #tpu.memory_space<hbm>> -> memref<80xi32, #tpu.memory_space<hbm>>
    tpu.enqueue_dma source(%dma_start3A_192 : memref<80xi32, #tpu.memory_space<hbm>>) target(%dma_start3A_191 : memref<80xi32, #tpu.memory_space<vmem>>) target_semaphore(%arg9 : memref<!tpu.dma_semaphore, #tpu.memory_space<semaphore_mem>>)
    %add3A_193 = arith.constant 320000 : i32
    %add3A_194 = arith.addi %add3A_193, %mul3A_2 : i32
    %add3A_195 = arith.constant 480 : i32
    %add3A_196 = arith.addi %add3A_194, %add3A_195 : i32
    %dma_start3A_197 = arith.constant 6 : i32
    %dma_start3A_198 = arith.constant 0 : i32
    %dma_start3A_199 = tpu.memref_slice %arg6[%dma_start3A_197, %dma_start3A_198] : memref<16x80xi32, #tpu.memory_space<vmem>> -> memref<1x80xi32, #tpu.memory_space<vmem>>
    %dma_start3A_200 = tpu.memref_squeeze %dma_start3A_199 : memref<1x80xi32, #tpu.memory_space<vmem>> -> memref<80xi32, #tpu.memory_space<vmem>>
    %dma_start3A_201 = tpu.memref_slice %arg2[%add3A_196] : memref<640000xi32, #tpu.memory_space<hbm>> -> memref<80xi32, #tpu.memory_space<hbm>>
    %dma_start3A_202 = arith.constant 0 : i32
    %dma_start3A_203 = tpu.memref_slice %arg6[%dma_start3A_197, %dma_start3A_202] : memref<16x80xi32, #tpu.memory_space<vmem>> -> memref<1x80xi32, #tpu.memory_space<vmem>>
    %dma_start3A_204 = tpu.memref_squeeze %dma_start3A_203 : memref<1x80xi32, #tpu.memory_space<vmem>> -> memref<80xi32, #tpu.memory_space<vmem>>
    %dma_start3A_205 = tpu.memref_slice %arg2[%add3A_196] : memref<640000xi32, #tpu.memory_space<hbm>> -> memref<80xi32, #tpu.memory_space<hbm>>
    tpu.enqueue_dma source(%dma_start3A_205 : memref<80xi32, #tpu.memory_space<hbm>>) target(%dma_start3A_204 : memref<80xi32, #tpu.memory_space<vmem>>) target_semaphore(%arg9 : memref<!tpu.dma_semaphore, #tpu.memory_space<semaphore_mem>>)
    %add3A_206 = arith.constant 560 : i32
    %add3A_207 = arith.addi %mul3A_2, %add3A_206 : i32
    %dma_start3A_208 = arith.constant 7 : i32
    %dma_start3A_209 = arith.constant 0 : i32
    %dma_start3A_210 = tpu.memref_slice %arg12[%dma_start3A_208, %dma_start3A_209] : memref<16x80xi32, #tpu.memory_space<vmem>> -> memref<1x80xi32, #tpu.memory_space<vmem>>
    %dma_start3A_211 = tpu.memref_squeeze %dma_start3A_210 : memref<1x80xi32, #tpu.memory_space<vmem>> -> memref<80xi32, #tpu.memory_space<vmem>>
    %dma_start3A_212 = tpu.memref_slice %arg2[%add3A_207] : memref<640000xi32, #tpu.memory_space<hbm>> -> memref<80xi32, #tpu.memory_space<hbm>>
    %dma_start3A_213 = arith.constant 0 : i32
    %dma_start3A_214 = tpu.memref_slice %arg12[%dma_start3A_208, %dma_start3A_213] : memref<16x80xi32, #tpu.memory_space<vmem>> -> memref<1x80xi32, #tpu.memory_space<vmem>>
    %dma_start3A_215 = tpu.memref_squeeze %dma_start3A_214 : memref<1x80xi32, #tpu.memory_space<vmem>> -> memref<80xi32, #tpu.memory_space<vmem>>
    %dma_start3A_216 = tpu.memref_slice %arg2[%add3A_207] : memref<640000xi32, #tpu.memory_space<hbm>> -> memref<80xi32, #tpu.memory_space<hbm>>
    tpu.enqueue_dma source(%dma_start3A_216 : memref<80xi32, #tpu.memory_space<hbm>>) target(%dma_start3A_215 : memref<80xi32, #tpu.memory_space<vmem>>) target_semaphore(%arg9 : memref<!tpu.dma_semaphore, #tpu.memory_space<semaphore_mem>>)
    %add3A_217 = arith.constant 320000 : i32
    %add3A_218 = arith.addi %add3A_217, %mul3A_2 : i32
    %add3A_219 = arith.constant 560 : i32
    %add3A_220 = arith.addi %add3A_218, %add3A_219 : i32
    %dma_start3A_221 = arith.constant 7 : i32
    %dma_start3A_222 = arith.constant 0 : i32
    %dma_start3A_223 = tpu.memref_slice %arg6[%dma_start3A_221, %dma_start3A_222] : memref<16x80xi32, #tpu.memory_space<vmem>> -> memref<1x80xi32, #tpu.memory_space<vmem>>
    %dma_start3A_224 = tpu.memref_squeeze %dma_start3A_223 : memref<1x80xi32, #tpu.memory_space<vmem>> -> memref<80xi32, #tpu.memory_space<vmem>>
    %dma_start3A_225 = tpu.memref_slice %arg2[%add3A_220] : memref<640000xi32, #tpu.memory_space<hbm>> -> memref<80xi32, #tpu.memory_space<hbm>>
    %dma_start3A_226 = arith.constant 0 : i32
    %dma_start3A_227 = tpu.memref_slice %arg6[%dma_start3A_221, %dma_start3A_226] : memref<16x80xi32, #tpu.memory_space<vmem>> -> memref<1x80xi32, #tpu.memory_space<vmem>>
    %dma_start3A_228 = tpu.memref_squeeze %dma_start3A_227 : memref<1x80xi32, #tpu.memory_space<vmem>> -> memref<80xi32, #tpu.memory_space<vmem>>
    %dma_start3A_229 = tpu.memref_slice %arg2[%add3A_220] : memref<640000xi32, #tpu.memory_space<hbm>> -> memref<80xi32, #tpu.memory_space<hbm>>
    tpu.enqueue_dma source(%dma_start3A_229 : memref<80xi32, #tpu.memory_space<hbm>>) target(%dma_start3A_228 : memref<80xi32, #tpu.memory_space<vmem>>) target_semaphore(%arg9 : memref<!tpu.dma_semaphore, #tpu.memory_space<semaphore_mem>>)
    %barrier3A = arith.constant 0 : index
    tpu.barrier barrier_id(%barrier3A)
    %scan3A = arith.constant 0 : i32
    %scan3A_230 = arith.constant 0 : i32
    %scan3A_231 = arith.constant 125 : i32
    %scan3A_232 = arith.addi %scan3A_230, %scan3A_231 : i32
    %scan3A_233 = arith.constant 1 : i32
    scf.for %scan3A_333 = %scan3A_230 to %scan3A_232 step %scan3A_233  : i32 {
      %rem3A = arith.constant 16 : i32
      %rem3A_334 = arith.remsi %scan3A_333, %rem3A : i32
      %ge3A = arith.constant 8 : i32
      %ge3A_335 = arith.cmpi sge, %scan3A_333, %ge3A : i32
      %convert_element_type3A_336 = arith.extui %ge3A_335 : i1 to i32
      %cond3A_337 = arith.constant 0 : i32
      %cond3A_338 = arith.cmpi ne, %convert_element_type3A_336, %cond3A_337 : i32
      scf.if %cond3A_338 {
        %dma_wait3A_379 = arith.constant 0 : i32
        %dma_wait3A_380 = arith.constant 0 : i32
        %dma_wait3A_381 = tpu.memref_slice %arg12[%dma_wait3A_379, %dma_wait3A_380] : memref<16x80xi32, #tpu.memory_space<vmem>> -> memref<1x80xi32, #tpu.memory_space<vmem>>
        %dma_wait3A_382 = tpu.memref_squeeze %dma_wait3A_381 : memref<1x80xi32, #tpu.memory_space<vmem>> -> memref<80xi32, #tpu.memory_space<vmem>>
        %dma_wait3A_383 = arith.constant 0 : i32
        %dma_wait3A_384 = tpu.memref_slice %arg8[%dma_wait3A_383] : memref<10240xf32, #tpu.memory_space<vmem_shared>> -> memref<10240xf32, #tpu.memory_space<vmem_shared>>
        tpu.wait_indirect_dma semaphore(%arg11 : memref<!tpu.dma_semaphore, #tpu.memory_space<semaphore_mem>>) src(%arg10 : memref<80xf32, #tpu.memory_space<vmem>>) dst(%dma_wait3A_384 : memref<10240xf32, #tpu.memory_space<vmem_shared>>)
        %dma_wait3A_385 = arith.constant 0 : i32
        %dma_wait3A_386 = arith.constant 0 : i32
        %dma_wait3A_387 = tpu.memref_slice %arg6[%dma_wait3A_385, %dma_wait3A_386] : memref<16x80xi32, #tpu.memory_space<vmem>> -> memref<1x80xi32, #tpu.memory_space<vmem>>
        %dma_wait3A_388 = tpu.memref_squeeze %dma_wait3A_387 : memref<1x80xi32, #tpu.memory_space<vmem>> -> memref<80xi32, #tpu.memory_space<vmem>>
        %dma_wait3A_389 = arith.constant 0 : i32
        %dma_wait3A_390 = tpu.memref_slice %arg7[%dma_wait3A_389] : memref<10240xf32, #tpu.memory_space<vmem_shared>> -> memref<10240xf32, #tpu.memory_space<vmem_shared>>
        tpu.wait_indirect_dma semaphore(%arg11 : memref<!tpu.dma_semaphore, #tpu.memory_space<semaphore_mem>>) src(%arg10 : memref<80xf32, #tpu.memory_space<vmem>>) dst(%dma_wait3A_390 : memref<10240xf32, #tpu.memory_space<vmem_shared>>)
      } else {
      }
      %add3A_339 = arith.constant 8 : i32
      %add3A_340 = arith.addi %scan3A_333, %add3A_339 : i32
      %lt3A = arith.constant 125 : i32
      %lt3A_341 = arith.cmpi slt, %add3A_340, %lt3A : i32
      %convert_element_type3A_342 = arith.extui %lt3A_341 : i1 to i32
      %cond3A_343 = arith.constant 0 : i32
      %cond3A_344 = arith.cmpi ne, %convert_element_type3A_342, %cond3A_343 : i32
      scf.if %cond3A_344 {
        %add3A_379 = arith.constant 8 : i32
        %add3A_380 = arith.addi %scan3A_333, %add3A_379 : i32
        %add3A_381 = arith.constant 8 : i32
        %add3A_382 = arith.addi %scan3A_333, %add3A_381 : i32
        %rem3A_383 = arith.constant 16 : i32
        %rem3A_384 = arith.remsi %add3A_382, %rem3A_383 : i32
        %mul3A_385 = arith.constant 80 : i32
        %mul3A_386 = arith.muli %add3A_380, %mul3A_385 : i32
        %add3A_387 = arith.addi %mul3A_2, %mul3A_386 : i32
        %dma_start3A_388 = arith.constant 0 : i32
        %dma_start3A_389 = tpu.memref_slice %arg12[%rem3A_384, %dma_start3A_388] : memref<16x80xi32, #tpu.memory_space<vmem>> -> memref<1x80xi32, #tpu.memory_space<vmem>>
        %dma_start3A_390 = tpu.memref_squeeze %dma_start3A_389 : memref<1x80xi32, #tpu.memory_space<vmem>> -> memref<80xi32, #tpu.memory_space<vmem>>
        %dma_start3A_391 = tpu.memref_slice %arg2[%add3A_387] : memref<640000xi32, #tpu.memory_space<hbm>> -> memref<80xi32, #tpu.memory_space<hbm>>
        %dma_start3A_392 = arith.constant 0 : i32
        %dma_start3A_393 = tpu.memref_slice %arg12[%rem3A_384, %dma_start3A_392] : memref<16x80xi32, #tpu.memory_space<vmem>> -> memref<1x80xi32, #tpu.memory_space<vmem>>
        %dma_start3A_394 = tpu.memref_squeeze %dma_start3A_393 : memref<1x80xi32, #tpu.memory_space<vmem>> -> memref<80xi32, #tpu.memory_space<vmem>>
        %dma_start3A_395 = tpu.memref_slice %arg2[%add3A_387] : memref<640000xi32, #tpu.memory_space<hbm>> -> memref<80xi32, #tpu.memory_space<hbm>>
        tpu.enqueue_dma source(%dma_start3A_395 : memref<80xi32, #tpu.memory_space<hbm>>) target(%dma_start3A_394 : memref<80xi32, #tpu.memory_space<vmem>>) target_semaphore(%arg9 : memref<!tpu.dma_semaphore, #tpu.memory_space<semaphore_mem>>)
        %add3A_396 = arith.constant 320000 : i32
        %add3A_397 = arith.addi %add3A_396, %mul3A_2 : i32
        %mul3A_398 = arith.constant 80 : i32
        %mul3A_399 = arith.muli %add3A_380, %mul3A_398 : i32
        %add3A_400 = arith.addi %add3A_397, %mul3A_399 : i32
        %dma_start3A_401 = arith.constant 0 : i32
        %dma_start3A_402 = tpu.memref_slice %arg6[%rem3A_384, %dma_start3A_401] : memref<16x80xi32, #tpu.memory_space<vmem>> -> memref<1x80xi32, #tpu.memory_space<vmem>>
        %dma_start3A_403 = tpu.memref_squeeze %dma_start3A_402 : memref<1x80xi32, #tpu.memory_space<vmem>> -> memref<80xi32, #tpu.memory_space<vmem>>
        %dma_start3A_404 = tpu.memref_slice %arg2[%add3A_400] : memref<640000xi32, #tpu.memory_space<hbm>> -> memref<80xi32, #tpu.memory_space<hbm>>
        %dma_start3A_405 = arith.constant 0 : i32
        %dma_start3A_406 = tpu.memref_slice %arg6[%rem3A_384, %dma_start3A_405] : memref<16x80xi32, #tpu.memory_space<vmem>> -> memref<1x80xi32, #tpu.memory_space<vmem>>
        %dma_start3A_407 = tpu.memref_squeeze %dma_start3A_406 : memref<1x80xi32, #tpu.memory_space<vmem>> -> memref<80xi32, #tpu.memory_space<vmem>>
        %dma_start3A_408 = tpu.memref_slice %arg2[%add3A_400] : memref<640000xi32, #tpu.memory_space<hbm>> -> memref<80xi32, #tpu.memory_space<hbm>>
        tpu.enqueue_dma source(%dma_start3A_408 : memref<80xi32, #tpu.memory_space<hbm>>) target(%dma_start3A_407 : memref<80xi32, #tpu.memory_space<vmem>>) target_semaphore(%arg9 : memref<!tpu.dma_semaphore, #tpu.memory_space<semaphore_mem>>)
      } else {
      }
      %mul3A_345 = arith.constant 80 : i32
      %mul3A_346 = arith.muli %scan3A_333, %mul3A_345 : i32
      %add3A_347 = arith.addi %mul3A_2, %mul3A_346 : i32
      %dma_wait3A_348 = arith.constant 0 : i32
      %dma_wait3A_349 = tpu.memref_slice %arg12[%rem3A_334, %dma_wait3A_348] : memref<16x80xi32, #tpu.memory_space<vmem>> -> memref<1x80xi32, #tpu.memory_space<vmem>>
      %dma_wait3A_350 = tpu.memref_squeeze %dma_wait3A_349 : memref<1x80xi32, #tpu.memory_space<vmem>> -> memref<80xi32, #tpu.memory_space<vmem>>
      %dma_wait3A_351 = tpu.memref_slice %arg2[%add3A_347] : memref<640000xi32, #tpu.memory_space<hbm>> -> memref<80xi32, #tpu.memory_space<hbm>>
      %dma_wait3A_352 = arith.constant 0 : i32
      %dma_wait3A_353 = tpu.memref_slice %arg12[%rem3A_334, %dma_wait3A_352] : memref<16x80xi32, #tpu.memory_space<vmem>> -> memref<1x80xi32, #tpu.memory_space<vmem>>
      %dma_wait3A_354 = tpu.memref_squeeze %dma_wait3A_353 : memref<1x80xi32, #tpu.memory_space<vmem>> -> memref<80xi32, #tpu.memory_space<vmem>>
      %dma_wait3A_355 = tpu.memref_slice %arg2[%add3A_347] : memref<640000xi32, #tpu.memory_space<hbm>> -> memref<80xi32, #tpu.memory_space<hbm>>
      tpu.wait_dma2 semaphore(%arg9 : memref<!tpu.dma_semaphore, #tpu.memory_space<semaphore_mem>>) src(%dma_wait3A_355 : memref<80xi32, #tpu.memory_space<hbm>>) dst(%dma_wait3A_354 : memref<80xi32, #tpu.memory_space<vmem>>)
      %add3A_356 = arith.constant 320000 : i32
      %add3A_357 = arith.addi %add3A_356, %mul3A_2 : i32
      %mul3A_358 = arith.constant 80 : i32
      %mul3A_359 = arith.muli %scan3A_333, %mul3A_358 : i32
      %add3A_360 = arith.addi %add3A_357, %mul3A_359 : i32
      %dma_wait3A_361 = arith.constant 0 : i32
      %dma_wait3A_362 = tpu.memref_slice %arg6[%rem3A_334, %dma_wait3A_361] : memref<16x80xi32, #tpu.memory_space<vmem>> -> memref<1x80xi32, #tpu.memory_space<vmem>>
      %dma_wait3A_363 = tpu.memref_squeeze %dma_wait3A_362 : memref<1x80xi32, #tpu.memory_space<vmem>> -> memref<80xi32, #tpu.memory_space<vmem>>
      %dma_wait3A_364 = tpu.memref_slice %arg2[%add3A_360] : memref<640000xi32, #tpu.memory_space<hbm>> -> memref<80xi32, #tpu.memory_space<hbm>>
      %dma_wait3A_365 = arith.constant 0 : i32
      %dma_wait3A_366 = tpu.memref_slice %arg6[%rem3A_334, %dma_wait3A_365] : memref<16x80xi32, #tpu.memory_space<vmem>> -> memref<1x80xi32, #tpu.memory_space<vmem>>
      %dma_wait3A_367 = tpu.memref_squeeze %dma_wait3A_366 : memref<1x80xi32, #tpu.memory_space<vmem>> -> memref<80xi32, #tpu.memory_space<vmem>>
      %dma_wait3A_368 = tpu.memref_slice %arg2[%add3A_360] : memref<640000xi32, #tpu.memory_space<hbm>> -> memref<80xi32, #tpu.memory_space<hbm>>
      tpu.wait_dma2 semaphore(%arg9 : memref<!tpu.dma_semaphore, #tpu.memory_space<semaphore_mem>>) src(%dma_wait3A_368 : memref<80xi32, #tpu.memory_space<hbm>>) dst(%dma_wait3A_367 : memref<80xi32, #tpu.memory_space<vmem>>)
      %dma_start3A_369 = arith.constant 0 : i32
      %dma_start3A_370 = tpu.memref_slice %arg12[%rem3A_334, %dma_start3A_369] : memref<16x80xi32, #tpu.memory_space<vmem>> -> memref<1x80xi32, #tpu.memory_space<vmem>>
      %dma_start3A_371 = tpu.memref_squeeze %dma_start3A_370 : memref<1x80xi32, #tpu.memory_space<vmem>> -> memref<80xi32, #tpu.memory_space<vmem>>
      %dma_start3A_372 = arith.constant 0 : i32
      %dma_start3A_373 = tpu.memref_slice %arg8[%dma_start3A_372] : memref<10240xf32, #tpu.memory_space<vmem_shared>> -> memref<10240xf32, #tpu.memory_space<vmem_shared>>
      tpu.enqueue_indirect_dma source(%arg10 : memref<80xf32, #tpu.memory_space<vmem>>) target(%dma_start3A_373 : memref<10240xf32, #tpu.memory_space<vmem_shared>>) offsets(%dma_start3A_371 : memref<80xi32, #tpu.memory_space<vmem>>) semaphore(%arg11 : memref<!tpu.dma_semaphore, #tpu.memory_space<semaphore_mem>>) {add = true}
      %dma_start3A_374 = arith.constant 0 : i32
      %dma_start3A_375 = tpu.memref_slice %arg6[%rem3A_334, %dma_start3A_374] : memref<16x80xi32, #tpu.memory_space<vmem>> -> memref<1x80xi32, #tpu.memory_space<vmem>>
      %dma_start3A_376 = tpu.memref_squeeze %dma_start3A_375 : memref<1x80xi32, #tpu.memory_space<vmem>> -> memref<80xi32, #tpu.memory_space<vmem>>
      %dma_start3A_377 = arith.constant 0 : i32
      %dma_start3A_378 = tpu.memref_slice %arg7[%dma_start3A_377] : memref<10240xf32, #tpu.memory_space<vmem_shared>> -> memref<10240xf32, #tpu.memory_space<vmem_shared>>
      tpu.enqueue_indirect_dma source(%arg10 : memref<80xf32, #tpu.memory_space<vmem>>) target(%dma_start3A_378 : memref<10240xf32, #tpu.memory_space<vmem_shared>>) offsets(%dma_start3A_376 : memref<80xi32, #tpu.memory_space<vmem>>) semaphore(%arg11 : memref<!tpu.dma_semaphore, #tpu.memory_space<semaphore_mem>>) {add = true}
    }
    %scan3A_234 = arith.constant 125 : i32
    %dma_wait3A = arith.constant 0 : i32
    %dma_wait3A_235 = arith.constant 0 : i32
    %dma_wait3A_236 = tpu.memref_slice %arg12[%dma_wait3A, %dma_wait3A_235] : memref<16x80xi32, #tpu.memory_space<vmem>> -> memref<1x80xi32, #tpu.memory_space<vmem>>
    %dma_wait3A_237 = tpu.memref_squeeze %dma_wait3A_236 : memref<1x80xi32, #tpu.memory_space<vmem>> -> memref<80xi32, #tpu.memory_space<vmem>>
    %dma_wait3A_238 = arith.constant 0 : i32
    %dma_wait3A_239 = tpu.memref_slice %arg8[%dma_wait3A_238] : memref<10240xf32, #tpu.memory_space<vmem_shared>> -> memref<10240xf32, #tpu.memory_space<vmem_shared>>
    tpu.wait_indirect_dma semaphore(%arg11 : memref<!tpu.dma_semaphore, #tpu.memory_space<semaphore_mem>>) src(%arg10 : memref<80xf32, #tpu.memory_space<vmem>>) dst(%dma_wait3A_239 : memref<10240xf32, #tpu.memory_space<vmem_shared>>)
    %dma_wait3A_240 = arith.constant 0 : i32
    %dma_wait3A_241 = arith.constant 0 : i32
    %dma_wait3A_242 = tpu.memref_slice %arg6[%dma_wait3A_240, %dma_wait3A_241] : memref<16x80xi32, #tpu.memory_space<vmem>> -> memref<1x80xi32, #tpu.memory_space<vmem>>
    %dma_wait3A_243 = tpu.memref_squeeze %dma_wait3A_242 : memref<1x80xi32, #tpu.memory_space<vmem>> -> memref<80xi32, #tpu.memory_space<vmem>>
    %dma_wait3A_244 = arith.constant 0 : i32
    %dma_wait3A_245 = tpu.memref_slice %arg7[%dma_wait3A_244] : memref<10240xf32, #tpu.memory_space<vmem_shared>> -> memref<10240xf32, #tpu.memory_space<vmem_shared>>
    tpu.wait_indirect_dma semaphore(%arg11 : memref<!tpu.dma_semaphore, #tpu.memory_space<semaphore_mem>>) src(%arg10 : memref<80xf32, #tpu.memory_space<vmem>>) dst(%dma_wait3A_245 : memref<10240xf32, #tpu.memory_space<vmem_shared>>)
    %dma_wait3A_246 = arith.constant 0 : i32
    %dma_wait3A_247 = arith.constant 0 : i32
    %dma_wait3A_248 = tpu.memref_slice %arg12[%dma_wait3A_246, %dma_wait3A_247] : memref<16x80xi32, #tpu.memory_space<vmem>> -> memref<1x80xi32, #tpu.memory_space<vmem>>
    %dma_wait3A_249 = tpu.memref_squeeze %dma_wait3A_248 : memref<1x80xi32, #tpu.memory_space<vmem>> -> memref<80xi32, #tpu.memory_space<vmem>>
    %dma_wait3A_250 = arith.constant 0 : i32
    %dma_wait3A_251 = tpu.memref_slice %arg8[%dma_wait3A_250] : memref<10240xf32, #tpu.memory_space<vmem_shared>> -> memref<10240xf32, #tpu.memory_space<vmem_shared>>
    tpu.wait_indirect_dma semaphore(%arg11 : memref<!tpu.dma_semaphore, #tpu.memory_space<semaphore_mem>>) src(%arg10 : memref<80xf32, #tpu.memory_space<vmem>>) dst(%dma_wait3A_251 : memref<10240xf32, #tpu.memory_space<vmem_shared>>)
    %dma_wait3A_252 = arith.constant 0 : i32
    %dma_wait3A_253 = arith.constant 0 : i32
    %dma_wait3A_254 = tpu.memref_slice %arg6[%dma_wait3A_252, %dma_wait3A_253] : memref<16x80xi32, #tpu.memory_space<vmem>> -> memref<1x80xi32, #tpu.memory_space<vmem>>
    %dma_wait3A_255 = tpu.memref_squeeze %dma_wait3A_254 : memref<1x80xi32, #tpu.memory_space<vmem>> -> memref<80xi32, #tpu.memory_space<vmem>>
    %dma_wait3A_256 = arith.constant 0 : i32
    %dma_wait3A_257 = tpu.memref_slice %arg7[%dma_wait3A_256] : memref<10240xf32, #tpu.memory_space<vmem_shared>> -> memref<10240xf32, #tpu.memory_space<vmem_shared>>
    tpu.wait_indirect_dma semaphore(%arg11 : memref<!tpu.dma_semaphore, #tpu.memory_space<semaphore_mem>>) src(%arg10 : memref<80xf32, #tpu.memory_space<vmem>>) dst(%dma_wait3A_257 : memref<10240xf32, #tpu.memory_space<vmem_shared>>)
    %dma_wait3A_258 = arith.constant 0 : i32
    %dma_wait3A_259 = arith.constant 0 : i32
    %dma_wait3A_260 = tpu.memref_slice %arg12[%dma_wait3A_258, %dma_wait3A_259] : memref<16x80xi32, #tpu.memory_space<vmem>> -> memref<1x80xi32, #tpu.memory_space<vmem>>
    %dma_wait3A_261 = tpu.memref_squeeze %dma_wait3A_260 : memref<1x80xi32, #tpu.memory_space<vmem>> -> memref<80xi32, #tpu.memory_space<vmem>>
    %dma_wait3A_262 = arith.constant 0 : i32
    %dma_wait3A_263 = tpu.memref_slice %arg8[%dma_wait3A_262] : memref<10240xf32, #tpu.memory_space<vmem_shared>> -> memref<10240xf32, #tpu.memory_space<vmem_shared>>
    tpu.wait_indirect_dma semaphore(%arg11 : memref<!tpu.dma_semaphore, #tpu.memory_space<semaphore_mem>>) src(%arg10 : memref<80xf32, #tpu.memory_space<vmem>>) dst(%dma_wait3A_263 : memref<10240xf32, #tpu.memory_space<vmem_shared>>)
    %dma_wait3A_264 = arith.constant 0 : i32
    %dma_wait3A_265 = arith.constant 0 : i32
    %dma_wait3A_266 = tpu.memref_slice %arg6[%dma_wait3A_264, %dma_wait3A_265] : memref<16x80xi32, #tpu.memory_space<vmem>> -> memref<1x80xi32, #tpu.memory_space<vmem>>
    %dma_wait3A_267 = tpu.memref_squeeze %dma_wait3A_266 : memref<1x80xi32, #tpu.memory_space<vmem>> -> memref<80xi32, #tpu.memory_space<vmem>>
    %dma_wait3A_268 = arith.constant 0 : i32
    %dma_wait3A_269 = tpu.memref_slice %arg7[%dma_wait3A_268] : memref<10240xf32, #tpu.memory_space<vmem_shared>> -> memref<10240xf32, #tpu.memory_space<vmem_shared>>
    tpu.wait_indirect_dma semaphore(%arg11 : memref<!tpu.dma_semaphore, #tpu.memory_space<semaphore_mem>>) src(%arg10 : memref<80xf32, #tpu.memory_space<vmem>>) dst(%dma_wait3A_269 : memref<10240xf32, #tpu.memory_space<vmem_shared>>)
    %dma_wait3A_270 = arith.constant 0 : i32
    %dma_wait3A_271 = arith.constant 0 : i32
    %dma_wait3A_272 = tpu.memref_slice %arg12[%dma_wait3A_270, %dma_wait3A_271] : memref<16x80xi32, #tpu.memory_space<vmem>> -> memref<1x80xi32, #tpu.memory_space<vmem>>
    %dma_wait3A_273 = tpu.memref_squeeze %dma_wait3A_272 : memref<1x80xi32, #tpu.memory_space<vmem>> -> memref<80xi32, #tpu.memory_space<vmem>>
    %dma_wait3A_274 = arith.constant 0 : i32
    %dma_wait3A_275 = tpu.memref_slice %arg8[%dma_wait3A_274] : memref<10240xf32, #tpu.memory_space<vmem_shared>> -> memref<10240xf32, #tpu.memory_space<vmem_shared>>
    tpu.wait_indirect_dma semaphore(%arg11 : memref<!tpu.dma_semaphore, #tpu.memory_space<semaphore_mem>>) src(%arg10 : memref<80xf32, #tpu.memory_space<vmem>>) dst(%dma_wait3A_275 : memref<10240xf32, #tpu.memory_space<vmem_shared>>)
    %dma_wait3A_276 = arith.constant 0 : i32
    %dma_wait3A_277 = arith.constant 0 : i32
    %dma_wait3A_278 = tpu.memref_slice %arg6[%dma_wait3A_276, %dma_wait3A_277] : memref<16x80xi32, #tpu.memory_space<vmem>> -> memref<1x80xi32, #tpu.memory_space<vmem>>
    %dma_wait3A_279 = tpu.memref_squeeze %dma_wait3A_278 : memref<1x80xi32, #tpu.memory_space<vmem>> -> memref<80xi32, #tpu.memory_space<vmem>>
    %dma_wait3A_280 = arith.constant 0 : i32
    %dma_wait3A_281 = tpu.memref_slice %arg7[%dma_wait3A_280] : memref<10240xf32, #tpu.memory_space<vmem_shared>> -> memref<10240xf32, #tpu.memory_space<vmem_shared>>
    tpu.wait_indirect_dma semaphore(%arg11 : memref<!tpu.dma_semaphore, #tpu.memory_space<semaphore_mem>>) src(%arg10 : memref<80xf32, #tpu.memory_space<vmem>>) dst(%dma_wait3A_281 : memref<10240xf32, #tpu.memory_space<vmem_shared>>)
    %dma_wait3A_282 = arith.constant 0 : i32
    %dma_wait3A_283 = arith.constant 0 : i32
    %dma_wait3A_284 = tpu.memref_slice %arg12[%dma_wait3A_282, %dma_wait3A_283] : memref<16x80xi32, #tpu.memory_space<vmem>> -> memref<1x80xi32, #tpu.memory_space<vmem>>
    %dma_wait3A_285 = tpu.memref_squeeze %dma_wait3A_284 : memref<1x80xi32, #tpu.memory_space<vmem>> -> memref<80xi32, #tpu.memory_space<vmem>>
    %dma_wait3A_286 = arith.constant 0 : i32
    %dma_wait3A_287 = tpu.memref_slice %arg8[%dma_wait3A_286] : memref<10240xf32, #tpu.memory_space<vmem_shared>> -> memref<10240xf32, #tpu.memory_space<vmem_shared>>
    tpu.wait_indirect_dma semaphore(%arg11 : memref<!tpu.dma_semaphore, #tpu.memory_space<semaphore_mem>>) src(%arg10 : memref<80xf32, #tpu.memory_space<vmem>>) dst(%dma_wait3A_287 : memref<10240xf32, #tpu.memory_space<vmem_shared>>)
    %dma_wait3A_288 = arith.constant 0 : i32
    %dma_wait3A_289 = arith.constant 0 : i32
    %dma_wait3A_290 = tpu.memref_slice %arg6[%dma_wait3A_288, %dma_wait3A_289] : memref<16x80xi32, #tpu.memory_space<vmem>> -> memref<1x80xi32, #tpu.memory_space<vmem>>
    %dma_wait3A_291 = tpu.memref_squeeze %dma_wait3A_290 : memref<1x80xi32, #tpu.memory_space<vmem>> -> memref<80xi32, #tpu.memory_space<vmem>>
    %dma_wait3A_292 = arith.constant 0 : i32
    %dma_wait3A_293 = tpu.memref_slice %arg7[%dma_wait3A_292] : memref<10240xf32, #tpu.memory_space<vmem_shared>> -> memref<10240xf32, #tpu.memory_space<vmem_shared>>
    tpu.wait_indirect_dma semaphore(%arg11 : memref<!tpu.dma_semaphore, #tpu.memory_space<semaphore_mem>>) src(%arg10 : memref<80xf32, #tpu.memory_space<vmem>>) dst(%dma_wait3A_293 : memref<10240xf32, #tpu.memory_space<vmem_shared>>)
    %dma_wait3A_294 = arith.constant 0 : i32
    %dma_wait3A_295 = arith.constant 0 : i32
    %dma_wait3A_296 = tpu.memref_slice %arg12[%dma_wait3A_294, %dma_wait3A_295] : memref<16x80xi32, #tpu.memory_space<vmem>> -> memref<1x80xi32, #tpu.memory_space<vmem>>
    %dma_wait3A_297 = tpu.memref_squeeze %dma_wait3A_296 : memref<1x80xi32, #tpu.memory_space<vmem>> -> memref<80xi32, #tpu.memory_space<vmem>>
    %dma_wait3A_298 = arith.constant 0 : i32
    %dma_wait3A_299 = tpu.memref_slice %arg8[%dma_wait3A_298] : memref<10240xf32, #tpu.memory_space<vmem_shared>> -> memref<10240xf32, #tpu.memory_space<vmem_shared>>
    tpu.wait_indirect_dma semaphore(%arg11 : memref<!tpu.dma_semaphore, #tpu.memory_space<semaphore_mem>>) src(%arg10 : memref<80xf32, #tpu.memory_space<vmem>>) dst(%dma_wait3A_299 : memref<10240xf32, #tpu.memory_space<vmem_shared>>)
    %dma_wait3A_300 = arith.constant 0 : i32
    %dma_wait3A_301 = arith.constant 0 : i32
    %dma_wait3A_302 = tpu.memref_slice %arg6[%dma_wait3A_300, %dma_wait3A_301] : memref<16x80xi32, #tpu.memory_space<vmem>> -> memref<1x80xi32, #tpu.memory_space<vmem>>
    %dma_wait3A_303 = tpu.memref_squeeze %dma_wait3A_302 : memref<1x80xi32, #tpu.memory_space<vmem>> -> memref<80xi32, #tpu.memory_space<vmem>>
    %dma_wait3A_304 = arith.constant 0 : i32
    %dma_wait3A_305 = tpu.memref_slice %arg7[%dma_wait3A_304] : memref<10240xf32, #tpu.memory_space<vmem_shared>> -> memref<10240xf32, #tpu.memory_space<vmem_shared>>
    tpu.wait_indirect_dma semaphore(%arg11 : memref<!tpu.dma_semaphore, #tpu.memory_space<semaphore_mem>>) src(%arg10 : memref<80xf32, #tpu.memory_space<vmem>>) dst(%dma_wait3A_305 : memref<10240xf32, #tpu.memory_space<vmem_shared>>)
    %dma_wait3A_306 = arith.constant 0 : i32
    %dma_wait3A_307 = arith.constant 0 : i32
    %dma_wait3A_308 = tpu.memref_slice %arg12[%dma_wait3A_306, %dma_wait3A_307] : memref<16x80xi32, #tpu.memory_space<vmem>> -> memref<1x80xi32, #tpu.memory_space<vmem>>
    %dma_wait3A_309 = tpu.memref_squeeze %dma_wait3A_308 : memref<1x80xi32, #tpu.memory_space<vmem>> -> memref<80xi32, #tpu.memory_space<vmem>>
    %dma_wait3A_310 = arith.constant 0 : i32
    %dma_wait3A_311 = tpu.memref_slice %arg8[%dma_wait3A_310] : memref<10240xf32, #tpu.memory_space<vmem_shared>> -> memref<10240xf32, #tpu.memory_space<vmem_shared>>
    tpu.wait_indirect_dma semaphore(%arg11 : memref<!tpu.dma_semaphore, #tpu.memory_space<semaphore_mem>>) src(%arg10 : memref<80xf32, #tpu.memory_space<vmem>>) dst(%dma_wait3A_311 : memref<10240xf32, #tpu.memory_space<vmem_shared>>)
    %dma_wait3A_312 = arith.constant 0 : i32
    %dma_wait3A_313 = arith.constant 0 : i32
    %dma_wait3A_314 = tpu.memref_slice %arg6[%dma_wait3A_312, %dma_wait3A_313] : memref<16x80xi32, #tpu.memory_space<vmem>> -> memref<1x80xi32, #tpu.memory_space<vmem>>
    %dma_wait3A_315 = tpu.memref_squeeze %dma_wait3A_314 : memref<1x80xi32, #tpu.memory_space<vmem>> -> memref<80xi32, #tpu.memory_space<vmem>>
    %dma_wait3A_316 = arith.constant 0 : i32
    %dma_wait3A_317 = tpu.memref_slice %arg7[%dma_wait3A_316] : memref<10240xf32, #tpu.memory_space<vmem_shared>> -> memref<10240xf32, #tpu.memory_space<vmem_shared>>
    tpu.wait_indirect_dma semaphore(%arg11 : memref<!tpu.dma_semaphore, #tpu.memory_space<semaphore_mem>>) src(%arg10 : memref<80xf32, #tpu.memory_space<vmem>>) dst(%dma_wait3A_317 : memref<10240xf32, #tpu.memory_space<vmem_shared>>)
    %dma_wait3A_318 = arith.constant 0 : i32
    %dma_wait3A_319 = arith.constant 0 : i32
    %dma_wait3A_320 = tpu.memref_slice %arg12[%dma_wait3A_318, %dma_wait3A_319] : memref<16x80xi32, #tpu.memory_space<vmem>> -> memref<1x80xi32, #tpu.memory_space<vmem>>
    %dma_wait3A_321 = tpu.memref_squeeze %dma_wait3A_320 : memref<1x80xi32, #tpu.memory_space<vmem>> -> memref<80xi32, #tpu.memory_space<vmem>>
    %dma_wait3A_322 = arith.constant 0 : i32
    %dma_wait3A_323 = tpu.memref_slice %arg8[%dma_wait3A_322] : memref<10240xf32, #tpu.memory_space<vmem_shared>> -> memref<10240xf32, #tpu.memory_space<vmem_shared>>
    tpu.wait_indirect_dma semaphore(%arg11 : memref<!tpu.dma_semaphore, #tpu.memory_space<semaphore_mem>>) src(%arg10 : memref<80xf32, #tpu.memory_space<vmem>>) dst(%dma_wait3A_323 : memref<10240xf32, #tpu.memory_space<vmem_shared>>)
    %dma_wait3A_324 = arith.constant 0 : i32
    %dma_wait3A_325 = arith.constant 0 : i32
    %dma_wait3A_326 = tpu.memref_slice %arg6[%dma_wait3A_324, %dma_wait3A_325] : memref<16x80xi32, #tpu.memory_space<vmem>> -> memref<1x80xi32, #tpu.memory_space<vmem>>
    %dma_wait3A_327 = tpu.memref_squeeze %dma_wait3A_326 : memref<1x80xi32, #tpu.memory_space<vmem>> -> memref<80xi32, #tpu.memory_space<vmem>>
    %dma_wait3A_328 = arith.constant 0 : i32
    %dma_wait3A_329 = tpu.memref_slice %arg7[%dma_wait3A_328] : memref<10240xf32, #tpu.memory_space<vmem_shared>> -> memref<10240xf32, #tpu.memory_space<vmem_shared>>
    tpu.wait_indirect_dma semaphore(%arg11 : memref<!tpu.dma_semaphore, #tpu.memory_space<semaphore_mem>>) src(%arg10 : memref<80xf32, #tpu.memory_space<vmem>>) dst(%dma_wait3A_329 : memref<10240xf32, #tpu.memory_space<vmem_shared>>)
    %barrier3A_330 = arith.constant 0 : index
    tpu.barrier barrier_id(%barrier3A_330)
    %eq3A = arith.constant 0 : i32
    %eq3A_331 = arith.cmpi eq, %arg1, %eq3A : i32
    %convert_element_type3A = arith.extui %eq3A_331 : i1 to i32
    %cond3A = arith.constant 0 : i32
    %cond3A_332 = arith.cmpi ne, %convert_element_type3A, %cond3A : i32
    scf.if %cond3A_332 {
      "tpu.region"() ({
        %run_scoped3A = tpu.sem_alloc : memref<!tpu.dma_semaphore, #tpu.memory_space<semaphore_mem>>
        %dma_start3A_333 = arith.constant 0 : i32
        %dma_start3A_334 = tpu.memref_slice %arg4[%arg0, %dma_start3A_333] : memref<2x10240xf32, #tpu.memory_space<hbm>> -> memref<1x10240xf32, #tpu.memory_space<hbm>>
        %dma_start3A_335 = tpu.memref_squeeze %dma_start3A_334 : memref<1x10240xf32, #tpu.memory_space<hbm>> -> memref<10240xf32, #tpu.memory_space<hbm>>
        tpu.enqueue_dma source(%arg8 : memref<10240xf32, #tpu.memory_space<vmem_shared>>) target(%dma_start3A_335 : memref<10240xf32, #tpu.memory_space<hbm>>) target_semaphore(%run_scoped3A : memref<!tpu.dma_semaphore, #tpu.memory_space<semaphore_mem>>)
        %dma_wait3A_336 = arith.constant 0 : i32
        %dma_wait3A_337 = tpu.memref_slice %arg4[%arg0, %dma_wait3A_336] : memref<2x10240xf32, #tpu.memory_space<hbm>> -> memref<1x10240xf32, #tpu.memory_space<hbm>>
        %dma_wait3A_338 = tpu.memref_squeeze %dma_wait3A_337 : memref<1x10240xf32, #tpu.memory_space<hbm>> -> memref<10240xf32, #tpu.memory_space<hbm>>
        tpu.wait_dma2 semaphore(%run_scoped3A : memref<!tpu.dma_semaphore, #tpu.memory_space<semaphore_mem>>) src(%arg8 : memref<10240xf32, #tpu.memory_space<vmem_shared>>) dst(%dma_wait3A_338 : memref<10240xf32, #tpu.memory_space<hbm>>)
        tpu.yield
      }) : () -> ()
      "tpu.region"() ({
        %run_scoped3A = tpu.sem_alloc : memref<!tpu.dma_semaphore, #tpu.memory_space<semaphore_mem>>
        %dma_start3A_333 = arith.constant 0 : i32
        %dma_start3A_334 = tpu.memref_slice %arg5[%arg0, %dma_start3A_333] : memref<2x10240xf32, #tpu.memory_space<hbm>> -> memref<1x10240xf32, #tpu.memory_space<hbm>>
        %dma_start3A_335 = tpu.memref_squeeze %dma_start3A_334 : memref<1x10240xf32, #tpu.memory_space<hbm>> -> memref<10240xf32, #tpu.memory_space<hbm>>
        tpu.enqueue_dma source(%arg7 : memref<10240xf32, #tpu.memory_space<vmem_shared>>) target(%dma_start3A_335 : memref<10240xf32, #tpu.memory_space<hbm>>) target_semaphore(%run_scoped3A : memref<!tpu.dma_semaphore, #tpu.memory_space<semaphore_mem>>)
        %dma_wait3A_336 = arith.constant 0 : i32
        %dma_wait3A_337 = tpu.memref_slice %arg5[%arg0, %dma_wait3A_336] : memref<2x10240xf32, #tpu.memory_space<hbm>> -> memref<1x10240xf32, #tpu.memory_space<hbm>>
        %dma_wait3A_338 = tpu.memref_squeeze %dma_wait3A_337 : memref<1x10240xf32, #tpu.memory_space<hbm>> -> memref<10240xf32, #tpu.memory_space<hbm>>
        tpu.wait_dma2 semaphore(%run_scoped3A : memref<!tpu.dma_semaphore, #tpu.memory_space<semaphore_mem>>) src(%arg7 : memref<10240xf32, #tpu.memory_space<vmem_shared>>) dst(%dma_wait3A_338 : memref<10240xf32, #tpu.memory_space<hbm>>)
        tpu.yield
      }) : () -> ()
    } else {
    }
    return
  }
}

#map = affine_map<(d0, d1) -> (0)>
#map1 = affine_map<(d0, d1) -> (0, 0)>
#map2 = affine_map<(d0, d1) -> (0, 0, 0)>
module attributes {stable_mosaic.version = 14 : i64} {
  func.func @_agg_body(%arg0: i32, %arg1: i32, %arg2: memref<640000xi32, #tpu.memory_space<hbm>>, %arg3: memref<10240x128xf32, #tpu.memory_space<hbm>>, %arg4: memref<10240xf32, #tpu.memory_space<hbm>>, %arg5: memref<2x10240x128xf32, #tpu.memory_space<hbm>>, %arg6: memref<2x10240xf32, #tpu.memory_space<hbm>>, %arg7: memref<10240x128xf32, #tpu.memory_space<vmem_shared>>, %arg8: memref<8x80xi32, #tpu.memory_space<vmem>>, %arg9: memref<!tpu.dma_semaphore, #tpu.memory_space<semaphore_mem>>, %arg10: memref<!tpu.dma_semaphore, #tpu.memory_space<semaphore_mem>>, %arg11: memref<8x80xi32, #tpu.memory_space<vmem>>, %arg12: memref<!tpu.dma_semaphore, #tpu.memory_space<semaphore_mem>>, %arg13: memref<4x80x128xf32, #tpu.memory_space<vmem>>, %arg14: memref<!tpu.dma_semaphore, #tpu.memory_space<semaphore_mem>>, %arg15: memref<10240xf32, #tpu.memory_space<vmem_shared>>, %arg16: memref<!tpu.dma_semaphore, #tpu.memory_space<semaphore_mem>>, %arg17: memref<4x80xf32, #tpu.memory_space<vmem>>) attributes {dimension_semantics = [#tpu.dimension_semantics<core_parallel>, #tpu.dimension_semantics<subcore_parallel>], iteration_bounds = array<i64: 2, 16>, scalar_prefetch = 0 : i64, scratch_operands = 11 : i64, tpu.core_type = #tpu.core_type<sc_vector_subcore>, window_params = [{transform_indices = #map}, {transform_indices = #map1}, {transform_indices = #map}, {transform_indices = #map2}, {transform_indices = #map1}]} {
    %mul3A = arith.constant 16 : i32
    %mul3A_0 = arith.muli %arg0, %mul3A : i32
    %add3A = arith.addi %mul3A_0, %arg1 : i32
    %mul3A_1 = arith.constant 10000 : i32
    %mul3A_2 = arith.muli %add3A, %mul3A_1 : i32
    %scan3A = arith.constant 0 : i32
    %scan3A_3 = arith.constant 0 : i32
    %scan3A_4 = arith.constant 80 : i32
    %scan3A_5 = arith.addi %scan3A_3, %scan3A_4 : i32
    %scan3A_6 = arith.constant 1 : i32
    scf.for %scan3A_813 = %scan3A_3 to %scan3A_5 step %scan3A_6  : i32 {
      %broadcast_in_dim3A_814 = arith.constant 0.000000e+00 : f32
      %broadcast_in_dim3A_815 = vector.broadcast %broadcast_in_dim3A_814 : f32 to vector<16xf32>
      %swap3A_816 = arith.constant 0 : i32
      %swap3A_817 = arith.index_cast %swap3A_816 : i32 to index
      %swap3A_818 = arith.index_cast %scan3A_813 : i32 to index
      %swap3A_819 = arith.constant 0 : index
      %swap3A_820 = tpu.vector_load %arg13[%swap3A_817, %swap3A_818, %swap3A_819] {strides = array<i32>} : memref<4x80x128xf32, #tpu.memory_space<vmem>>, vector<1x1x16xf32>,
      %swap3A_821 = vector.shape_cast %swap3A_820 : vector<1x1x16xf32> to vector<16xf32>
      %swap3A_822 = vector.shape_cast %broadcast_in_dim3A_815 : vector<16xf32> to vector<1x1x16xf32>
      tpu.vector_store %arg13[%swap3A_817, %swap3A_818, %swap3A_819], %swap3A_822 {strides = array<i32>} : memref<4x80x128xf32, #tpu.memory_space<vmem>>, vector<1x1x16xf32>,
      %broadcast_in_dim3A_823 = arith.constant 0.000000e+00 : f32
      %broadcast_in_dim3A_824 = vector.broadcast %broadcast_in_dim3A_823 : f32 to vector<16xf32>
      %swap3A_825 = arith.constant 0 : i32
      %swap3A_826 = arith.index_cast %swap3A_825 : i32 to index
      %swap3A_827 = arith.index_cast %scan3A_813 : i32 to index
      %swap3A_828 = arith.constant 16 : index
      %swap3A_829 = tpu.vector_load %arg13[%swap3A_826, %swap3A_827, %swap3A_828] {strides = array<i32>} : memref<4x80x128xf32, #tpu.memory_space<vmem>>, vector<1x1x16xf32>,
      %swap3A_830 = vector.shape_cast %swap3A_829 : vector<1x1x16xf32> to vector<16xf32>
      %swap3A_831 = vector.shape_cast %broadcast_in_dim3A_824 : vector<16xf32> to vector<1x1x16xf32>
      tpu.vector_store %arg13[%swap3A_826, %swap3A_827, %swap3A_828], %swap3A_831 {strides = array<i32>} : memref<4x80x128xf32, #tpu.memory_space<vmem>>, vector<1x1x16xf32>,
      %broadcast_in_dim3A_832 = arith.constant 0.000000e+00 : f32
      %broadcast_in_dim3A_833 = vector.broadcast %broadcast_in_dim3A_832 : f32 to vector<16xf32>
      %swap3A_834 = arith.constant 0 : i32
      %swap3A_835 = arith.index_cast %swap3A_834 : i32 to index
      %swap3A_836 = arith.index_cast %scan3A_813 : i32 to index
      %swap3A_837 = arith.constant 32 : index
      %swap3A_838 = tpu.vector_load %arg13[%swap3A_835, %swap3A_836, %swap3A_837] {strides = array<i32>} : memref<4x80x128xf32, #tpu.memory_space<vmem>>, vector<1x1x16xf32>,
      %swap3A_839 = vector.shape_cast %swap3A_838 : vector<1x1x16xf32> to vector<16xf32>
      %swap3A_840 = vector.shape_cast %broadcast_in_dim3A_833 : vector<16xf32> to vector<1x1x16xf32>
      tpu.vector_store %arg13[%swap3A_835, %swap3A_836, %swap3A_837], %swap3A_840 {strides = array<i32>} : memref<4x80x128xf32, #tpu.memory_space<vmem>>, vector<1x1x16xf32>,
      %broadcast_in_dim3A_841 = arith.constant 0.000000e+00 : f32
      %broadcast_in_dim3A_842 = vector.broadcast %broadcast_in_dim3A_841 : f32 to vector<16xf32>
      %swap3A_843 = arith.constant 0 : i32
      %swap3A_844 = arith.index_cast %swap3A_843 : i32 to index
      %swap3A_845 = arith.index_cast %scan3A_813 : i32 to index
      %swap3A_846 = arith.constant 48 : index
      %swap3A_847 = tpu.vector_load %arg13[%swap3A_844, %swap3A_845, %swap3A_846] {strides = array<i32>} : memref<4x80x128xf32, #tpu.memory_space<vmem>>, vector<1x1x16xf32>,
      %swap3A_848 = vector.shape_cast %swap3A_847 : vector<1x1x16xf32> to vector<16xf32>
      %swap3A_849 = vector.shape_cast %broadcast_in_dim3A_842 : vector<16xf32> to vector<1x1x16xf32>
      tpu.vector_store %arg13[%swap3A_844, %swap3A_845, %swap3A_846], %swap3A_849 {strides = array<i32>} : memref<4x80x128xf32, #tpu.memory_space<vmem>>, vector<1x1x16xf32>,
      %broadcast_in_dim3A_850 = arith.constant 0.000000e+00 : f32
      %broadcast_in_dim3A_851 = vector.broadcast %broadcast_in_dim3A_850 : f32 to vector<16xf32>
      %swap3A_852 = arith.constant 0 : i32
      %swap3A_853 = arith.index_cast %swap3A_852 : i32 to index
      %swap3A_854 = arith.index_cast %scan3A_813 : i32 to index
      %swap3A_855 = arith.constant 64 : index
      %swap3A_856 = tpu.vector_load %arg13[%swap3A_853, %swap3A_854, %swap3A_855] {strides = array<i32>} : memref<4x80x128xf32, #tpu.memory_space<vmem>>, vector<1x1x16xf32>,
      %swap3A_857 = vector.shape_cast %swap3A_856 : vector<1x1x16xf32> to vector<16xf32>
      %swap3A_858 = vector.shape_cast %broadcast_in_dim3A_851 : vector<16xf32> to vector<1x1x16xf32>
      tpu.vector_store %arg13[%swap3A_853, %swap3A_854, %swap3A_855], %swap3A_858 {strides = array<i32>} : memref<4x80x128xf32, #tpu.memory_space<vmem>>, vector<1x1x16xf32>,
      %broadcast_in_dim3A_859 = arith.constant 0.000000e+00 : f32
      %broadcast_in_dim3A_860 = vector.broadcast %broadcast_in_dim3A_859 : f32 to vector<16xf32>
      %swap3A_861 = arith.constant 0 : i32
      %swap3A_862 = arith.index_cast %swap3A_861 : i32 to index
      %swap3A_863 = arith.index_cast %scan3A_813 : i32 to index
      %swap3A_864 = arith.constant 80 : index
      %swap3A_865 = tpu.vector_load %arg13[%swap3A_862, %swap3A_863, %swap3A_864] {strides = array<i32>} : memref<4x80x128xf32, #tpu.memory_space<vmem>>, vector<1x1x16xf32>,
      %swap3A_866 = vector.shape_cast %swap3A_865 : vector<1x1x16xf32> to vector<16xf32>
      %swap3A_867 = vector.shape_cast %broadcast_in_dim3A_860 : vector<16xf32> to vector<1x1x16xf32>
      tpu.vector_store %arg13[%swap3A_862, %swap3A_863, %swap3A_864], %swap3A_867 {strides = array<i32>} : memref<4x80x128xf32, #tpu.memory_space<vmem>>, vector<1x1x16xf32>,
      %broadcast_in_dim3A_868 = arith.constant 0.000000e+00 : f32
      %broadcast_in_dim3A_869 = vector.broadcast %broadcast_in_dim3A_868 : f32 to vector<16xf32>
      %swap3A_870 = arith.constant 0 : i32
      %swap3A_871 = arith.index_cast %swap3A_870 : i32 to index
      %swap3A_872 = arith.index_cast %scan3A_813 : i32 to index
      %swap3A_873 = arith.constant 96 : index
      %swap3A_874 = tpu.vector_load %arg13[%swap3A_871, %swap3A_872, %swap3A_873] {strides = array<i32>} : memref<4x80x128xf32, #tpu.memory_space<vmem>>, vector<1x1x16xf32>,
      %swap3A_875 = vector.shape_cast %swap3A_874 : vector<1x1x16xf32> to vector<16xf32>
      %swap3A_876 = vector.shape_cast %broadcast_in_dim3A_869 : vector<16xf32> to vector<1x1x16xf32>
      tpu.vector_store %arg13[%swap3A_871, %swap3A_872, %swap3A_873], %swap3A_876 {strides = array<i32>} : memref<4x80x128xf32, #tpu.memory_space<vmem>>, vector<1x1x16xf32>,
      %broadcast_in_dim3A_877 = arith.constant 0.000000e+00 : f32
      %broadcast_in_dim3A_878 = vector.broadcast %broadcast_in_dim3A_877 : f32 to vector<16xf32>
      %swap3A_879 = arith.constant 0 : i32
      %swap3A_880 = arith.index_cast %swap3A_879 : i32 to index
      %swap3A_881 = arith.index_cast %scan3A_813 : i32 to index
      %swap3A_882 = arith.constant 112 : index
      %swap3A_883 = tpu.vector_load %arg13[%swap3A_880, %swap3A_881, %swap3A_882] {strides = array<i32>} : memref<4x80x128xf32, #tpu.memory_space<vmem>>, vector<1x1x16xf32>,
      %swap3A_884 = vector.shape_cast %swap3A_883 : vector<1x1x16xf32> to vector<16xf32>
      %swap3A_885 = vector.shape_cast %broadcast_in_dim3A_878 : vector<16xf32> to vector<1x1x16xf32>
      tpu.vector_store %arg13[%swap3A_880, %swap3A_881, %swap3A_882], %swap3A_885 {strides = array<i32>} : memref<4x80x128xf32, #tpu.memory_space<vmem>>, vector<1x1x16xf32>,
    }
    %scan3A_7 = arith.constant 80 : i32
    %broadcast_in_dim3A = arith.constant 0.000000e+00 : f32
    %broadcast_in_dim3A_8 = vector.broadcast %broadcast_in_dim3A : f32 to vector<16xf32>
    %swap3A = arith.constant 0 : i32
    %swap3A_9 = arith.index_cast %swap3A : i32 to index
    %swap3A_10 = arith.constant 0 : index
    %swap3A_11 = tpu.vector_load %arg17[%swap3A_9, %swap3A_10] {strides = array<i32>} : memref<4x80xf32, #tpu.memory_space<vmem>>, vector<1x16xf32>,
    %swap3A_12 = vector.shape_cast %swap3A_11 : vector<1x16xf32> to vector<16xf32>
    %swap3A_13 = vector.shape_cast %broadcast_in_dim3A_8 : vector<16xf32> to vector<1x16xf32>
    tpu.vector_store %arg17[%swap3A_9, %swap3A_10], %swap3A_13 {strides = array<i32>} : memref<4x80xf32, #tpu.memory_space<vmem>>, vector<1x16xf32>,
    %broadcast_in_dim3A_14 = arith.constant 0.000000e+00 : f32
    %broadcast_in_dim3A_15 = vector.broadcast %broadcast_in_dim3A_14 : f32 to vector<16xf32>
    %swap3A_16 = arith.constant 0 : i32
    %swap3A_17 = arith.index_cast %swap3A_16 : i32 to index
    %swap3A_18 = arith.constant 16 : index
    %swap3A_19 = tpu.vector_load %arg17[%swap3A_17, %swap3A_18] {strides = array<i32>} : memref<4x80xf32, #tpu.memory_space<vmem>>, vector<1x16xf32>,
    %swap3A_20 = vector.shape_cast %swap3A_19 : vector<1x16xf32> to vector<16xf32>
    %swap3A_21 = vector.shape_cast %broadcast_in_dim3A_15 : vector<16xf32> to vector<1x16xf32>
    tpu.vector_store %arg17[%swap3A_17, %swap3A_18], %swap3A_21 {strides = array<i32>} : memref<4x80xf32, #tpu.memory_space<vmem>>, vector<1x16xf32>,
    %broadcast_in_dim3A_22 = arith.constant 0.000000e+00 : f32
    %broadcast_in_dim3A_23 = vector.broadcast %broadcast_in_dim3A_22 : f32 to vector<16xf32>
    %swap3A_24 = arith.constant 0 : i32
    %swap3A_25 = arith.index_cast %swap3A_24 : i32 to index
    %swap3A_26 = arith.constant 32 : index
    %swap3A_27 = tpu.vector_load %arg17[%swap3A_25, %swap3A_26] {strides = array<i32>} : memref<4x80xf32, #tpu.memory_space<vmem>>, vector<1x16xf32>,
    %swap3A_28 = vector.shape_cast %swap3A_27 : vector<1x16xf32> to vector<16xf32>
    %swap3A_29 = vector.shape_cast %broadcast_in_dim3A_23 : vector<16xf32> to vector<1x16xf32>
    tpu.vector_store %arg17[%swap3A_25, %swap3A_26], %swap3A_29 {strides = array<i32>} : memref<4x80xf32, #tpu.memory_space<vmem>>, vector<1x16xf32>,
    %broadcast_in_dim3A_30 = arith.constant 0.000000e+00 : f32
    %broadcast_in_dim3A_31 = vector.broadcast %broadcast_in_dim3A_30 : f32 to vector<16xf32>
    %swap3A_32 = arith.constant 0 : i32
    %swap3A_33 = arith.index_cast %swap3A_32 : i32 to index
    %swap3A_34 = arith.constant 48 : index
    %swap3A_35 = tpu.vector_load %arg17[%swap3A_33, %swap3A_34] {strides = array<i32>} : memref<4x80xf32, #tpu.memory_space<vmem>>, vector<1x16xf32>,
    %swap3A_36 = vector.shape_cast %swap3A_35 : vector<1x16xf32> to vector<16xf32>
    %swap3A_37 = vector.shape_cast %broadcast_in_dim3A_31 : vector<16xf32> to vector<1x16xf32>
    tpu.vector_store %arg17[%swap3A_33, %swap3A_34], %swap3A_37 {strides = array<i32>} : memref<4x80xf32, #tpu.memory_space<vmem>>, vector<1x16xf32>,
    %broadcast_in_dim3A_38 = arith.constant 0.000000e+00 : f32
    %broadcast_in_dim3A_39 = vector.broadcast %broadcast_in_dim3A_38 : f32 to vector<16xf32>
    %swap3A_40 = arith.constant 0 : i32
    %swap3A_41 = arith.index_cast %swap3A_40 : i32 to index
    %swap3A_42 = arith.constant 64 : index
    %swap3A_43 = tpu.vector_load %arg17[%swap3A_41, %swap3A_42] {strides = array<i32>} : memref<4x80xf32, #tpu.memory_space<vmem>>, vector<1x16xf32>,
    %swap3A_44 = vector.shape_cast %swap3A_43 : vector<1x16xf32> to vector<16xf32>
    %swap3A_45 = vector.shape_cast %broadcast_in_dim3A_39 : vector<16xf32> to vector<1x16xf32>
    tpu.vector_store %arg17[%swap3A_41, %swap3A_42], %swap3A_45 {strides = array<i32>} : memref<4x80xf32, #tpu.memory_space<vmem>>, vector<1x16xf32>,
    %mul3A_46 = arith.constant 640 : i32
    %mul3A_47 = arith.muli %arg1, %mul3A_46 : i32
    %add3A_48 = arith.constant 0 : i32
    %add3A_49 = arith.addi %mul3A_47, %add3A_48 : i32
    %dma_start3A = arith.constant 0 : i32
    %dma_start3A_50 = arith.constant 0 : i32
    %dma_start3A_51 = arith.constant 0 : i32
    %dma_start3A_52 = tpu.memref_slice %arg13[%dma_start3A, %dma_start3A_50, %dma_start3A_51] : memref<4x80x128xf32, #tpu.memory_space<vmem>> -> memref<1x80x128xf32, #tpu.memory_space<vmem>>
    %dma_start3A_53 = tpu.memref_squeeze %dma_start3A_52 : memref<1x80x128xf32, #tpu.memory_space<vmem>> -> memref<80x128xf32, #tpu.memory_space<vmem>>
    %dma_start3A_54 = arith.constant 0 : i32
    %dma_start3A_55 = tpu.memref_slice %arg7[%add3A_49, %dma_start3A_54] : memref<10240x128xf32, #tpu.memory_space<vmem_shared>> -> memref<80x128xf32, #tpu.memory_space<vmem_shared>>
    %dma_start3A_56 = arith.constant 0 : i32
    %dma_start3A_57 = tpu.memref_slice %arg7[%add3A_49, %dma_start3A_56] : memref<10240x128xf32, #tpu.memory_space<vmem_shared>> -> memref<80x128xf32, #tpu.memory_space<vmem_shared>>
    %dma_start3A_58 = arith.constant 0 : i32
    %dma_start3A_59 = arith.constant 0 : i32
    %dma_start3A_60 = tpu.memref_slice %arg13[%dma_start3A, %dma_start3A_58, %dma_start3A_59] : memref<4x80x128xf32, #tpu.memory_space<vmem>> -> memref<1x80x128xf32, #tpu.memory_space<vmem>>
    %dma_start3A_61 = tpu.memref_squeeze %dma_start3A_60 : memref<1x80x128xf32, #tpu.memory_space<vmem>> -> memref<80x128xf32, #tpu.memory_space<vmem>>
    tpu.enqueue_dma source(%dma_start3A_61 : memref<80x128xf32, #tpu.memory_space<vmem>>) target(%dma_start3A_57 : memref<80x128xf32, #tpu.memory_space<vmem_shared>>) target_semaphore(%arg12 : memref<!tpu.dma_semaphore, #tpu.memory_space<semaphore_mem>>)
    %mul3A_62 = arith.constant 640 : i32
    %mul3A_63 = arith.muli %arg1, %mul3A_62 : i32
    %add3A_64 = arith.constant 0 : i32
    %add3A_65 = arith.addi %mul3A_63, %add3A_64 : i32
    %dma_start3A_66 = arith.constant 0 : i32
    %dma_start3A_67 = arith.constant 0 : i32
    %dma_start3A_68 = tpu.memref_slice %arg17[%dma_start3A_66, %dma_start3A_67] : memref<4x80xf32, #tpu.memory_space<vmem>> -> memref<1x80xf32, #tpu.memory_space<vmem>>
    %dma_start3A_69 = tpu.memref_squeeze %dma_start3A_68 : memref<1x80xf32, #tpu.memory_space<vmem>> -> memref<80xf32, #tpu.memory_space<vmem>>
    %dma_start3A_70 = tpu.memref_slice %arg15[%add3A_65] : memref<10240xf32, #tpu.memory_space<vmem_shared>> -> memref<80xf32, #tpu.memory_space<vmem_shared>>
    %dma_start3A_71 = tpu.memref_slice %arg15[%add3A_65] : memref<10240xf32, #tpu.memory_space<vmem_shared>> -> memref<80xf32, #tpu.memory_space<vmem_shared>>
    %dma_start3A_72 = arith.constant 0 : i32
    %dma_start3A_73 = tpu.memref_slice %arg17[%dma_start3A_66, %dma_start3A_72] : memref<4x80xf32, #tpu.memory_space<vmem>> -> memref<1x80xf32, #tpu.memory_space<vmem>>
    %dma_start3A_74 = tpu.memref_squeeze %dma_start3A_73 : memref<1x80xf32, #tpu.memory_space<vmem>> -> memref<80xf32, #tpu.memory_space<vmem>>
    tpu.enqueue_dma source(%dma_start3A_74 : memref<80xf32, #tpu.memory_space<vmem>>) target(%dma_start3A_71 : memref<80xf32, #tpu.memory_space<vmem_shared>>) target_semaphore(%arg14 : memref<!tpu.dma_semaphore, #tpu.memory_space<semaphore_mem>>)
    %mul3A_75 = arith.constant 640 : i32
    %mul3A_76 = arith.muli %arg1, %mul3A_75 : i32
    %add3A_77 = arith.constant 80 : i32
    %add3A_78 = arith.addi %mul3A_76, %add3A_77 : i32
    %dma_start3A_79 = arith.constant 0 : i32
    %dma_start3A_80 = arith.constant 0 : i32
    %dma_start3A_81 = arith.constant 0 : i32
    %dma_start3A_82 = tpu.memref_slice %arg13[%dma_start3A_79, %dma_start3A_80, %dma_start3A_81] : memref<4x80x128xf32, #tpu.memory_space<vmem>> -> memref<1x80x128xf32, #tpu.memory_space<vmem>>
    %dma_start3A_83 = tpu.memref_squeeze %dma_start3A_82 : memref<1x80x128xf32, #tpu.memory_space<vmem>> -> memref<80x128xf32, #tpu.memory_space<vmem>>
    %dma_start3A_84 = arith.constant 0 : i32
    %dma_start3A_85 = tpu.memref_slice %arg7[%add3A_78, %dma_start3A_84] : memref<10240x128xf32, #tpu.memory_space<vmem_shared>> -> memref<80x128xf32, #tpu.memory_space<vmem_shared>>
    %dma_start3A_86 = arith.constant 0 : i32
    %dma_start3A_87 = tpu.memref_slice %arg7[%add3A_78, %dma_start3A_86] : memref<10240x128xf32, #tpu.memory_space<vmem_shared>> -> memref<80x128xf32, #tpu.memory_space<vmem_shared>>
    %dma_start3A_88 = arith.constant 0 : i32
    %dma_start3A_89 = arith.constant 0 : i32
    %dma_start3A_90 = tpu.memref_slice %arg13[%dma_start3A_79, %dma_start3A_88, %dma_start3A_89] : memref<4x80x128xf32, #tpu.memory_space<vmem>> -> memref<1x80x128xf32, #tpu.memory_space<vmem>>
    %dma_start3A_91 = tpu.memref_squeeze %dma_start3A_90 : memref<1x80x128xf32, #tpu.memory_space<vmem>> -> memref<80x128xf32, #tpu.memory_space<vmem>>
    tpu.enqueue_dma source(%dma_start3A_91 : memref<80x128xf32, #tpu.memory_space<vmem>>) target(%dma_start3A_87 : memref<80x128xf32, #tpu.memory_space<vmem_shared>>) target_semaphore(%arg12 : memref<!tpu.dma_semaphore, #tpu.memory_space<semaphore_mem>>)
    %mul3A_92 = arith.constant 640 : i32
    %mul3A_93 = arith.muli %arg1, %mul3A_92 : i32
    %add3A_94 = arith.constant 80 : i32
    %add3A_95 = arith.addi %mul3A_93, %add3A_94 : i32
    %dma_start3A_96 = arith.constant 0 : i32
    %dma_start3A_97 = arith.constant 0 : i32
    %dma_start3A_98 = tpu.memref_slice %arg17[%dma_start3A_96, %dma_start3A_97] : memref<4x80xf32, #tpu.memory_space<vmem>> -> memref<1x80xf32, #tpu.memory_space<vmem>>
    %dma_start3A_99 = tpu.memref_squeeze %dma_start3A_98 : memref<1x80xf32, #tpu.memory_space<vmem>> -> memref<80xf32, #tpu.memory_space<vmem>>
    %dma_start3A_100 = tpu.memref_slice %arg15[%add3A_95] : memref<10240xf32, #tpu.memory_space<vmem_shared>> -> memref<80xf32, #tpu.memory_space<vmem_shared>>
    %dma_start3A_101 = tpu.memref_slice %arg15[%add3A_95] : memref<10240xf32, #tpu.memory_space<vmem_shared>> -> memref<80xf32, #tpu.memory_space<vmem_shared>>
    %dma_start3A_102 = arith.constant 0 : i32
    %dma_start3A_103 = tpu.memref_slice %arg17[%dma_start3A_96, %dma_start3A_102] : memref<4x80xf32, #tpu.memory_space<vmem>> -> memref<1x80xf32, #tpu.memory_space<vmem>>
    %dma_start3A_104 = tpu.memref_squeeze %dma_start3A_103 : memref<1x80xf32, #tpu.memory_space<vmem>> -> memref<80xf32, #tpu.memory_space<vmem>>
    tpu.enqueue_dma source(%dma_start3A_104 : memref<80xf32, #tpu.memory_space<vmem>>) target(%dma_start3A_101 : memref<80xf32, #tpu.memory_space<vmem_shared>>) target_semaphore(%arg14 : memref<!tpu.dma_semaphore, #tpu.memory_space<semaphore_mem>>)
    %mul3A_105 = arith.constant 640 : i32
    %mul3A_106 = arith.muli %arg1, %mul3A_105 : i32
    %add3A_107 = arith.constant 160 : i32
    %add3A_108 = arith.addi %mul3A_106, %add3A_107 : i32
    %dma_start3A_109 = arith.constant 0 : i32
    %dma_start3A_110 = arith.constant 0 : i32
    %dma_start3A_111 = arith.constant 0 : i32
    %dma_start3A_112 = tpu.memref_slice %arg13[%dma_start3A_109, %dma_start3A_110, %dma_start3A_111] : memref<4x80x128xf32, #tpu.memory_space<vmem>> -> memref<1x80x128xf32, #tpu.memory_space<vmem>>
    %dma_start3A_113 = tpu.memref_squeeze %dma_start3A_112 : memref<1x80x128xf32, #tpu.memory_space<vmem>> -> memref<80x128xf32, #tpu.memory_space<vmem>>
    %dma_start3A_114 = arith.constant 0 : i32
    %dma_start3A_115 = tpu.memref_slice %arg7[%add3A_108, %dma_start3A_114] : memref<10240x128xf32, #tpu.memory_space<vmem_shared>> -> memref<80x128xf32, #tpu.memory_space<vmem_shared>>
    %dma_start3A_116 = arith.constant 0 : i32
    %dma_start3A_117 = tpu.memref_slice %arg7[%add3A_108, %dma_start3A_116] : memref<10240x128xf32, #tpu.memory_space<vmem_shared>> -> memref<80x128xf32, #tpu.memory_space<vmem_shared>>
    %dma_start3A_118 = arith.constant 0 : i32
    %dma_start3A_119 = arith.constant 0 : i32
    %dma_start3A_120 = tpu.memref_slice %arg13[%dma_start3A_109, %dma_start3A_118, %dma_start3A_119] : memref<4x80x128xf32, #tpu.memory_space<vmem>> -> memref<1x80x128xf32, #tpu.memory_space<vmem>>
    %dma_start3A_121 = tpu.memref_squeeze %dma_start3A_120 : memref<1x80x128xf32, #tpu.memory_space<vmem>> -> memref<80x128xf32, #tpu.memory_space<vmem>>
    tpu.enqueue_dma source(%dma_start3A_121 : memref<80x128xf32, #tpu.memory_space<vmem>>) target(%dma_start3A_117 : memref<80x128xf32, #tpu.memory_space<vmem_shared>>) target_semaphore(%arg12 : memref<!tpu.dma_semaphore, #tpu.memory_space<semaphore_mem>>)
    %mul3A_122 = arith.constant 640 : i32
    %mul3A_123 = arith.muli %arg1, %mul3A_122 : i32
    %add3A_124 = arith.constant 160 : i32
    %add3A_125 = arith.addi %mul3A_123, %add3A_124 : i32
    %dma_start3A_126 = arith.constant 0 : i32
    %dma_start3A_127 = arith.constant 0 : i32
    %dma_start3A_128 = tpu.memref_slice %arg17[%dma_start3A_126, %dma_start3A_127] : memref<4x80xf32, #tpu.memory_space<vmem>> -> memref<1x80xf32, #tpu.memory_space<vmem>>
    %dma_start3A_129 = tpu.memref_squeeze %dma_start3A_128 : memref<1x80xf32, #tpu.memory_space<vmem>> -> memref<80xf32, #tpu.memory_space<vmem>>
    %dma_start3A_130 = tpu.memref_slice %arg15[%add3A_125] : memref<10240xf32, #tpu.memory_space<vmem_shared>> -> memref<80xf32, #tpu.memory_space<vmem_shared>>
    %dma_start3A_131 = tpu.memref_slice %arg15[%add3A_125] : memref<10240xf32, #tpu.memory_space<vmem_shared>> -> memref<80xf32, #tpu.memory_space<vmem_shared>>
    %dma_start3A_132 = arith.constant 0 : i32
    %dma_start3A_133 = tpu.memref_slice %arg17[%dma_start3A_126, %dma_start3A_132] : memref<4x80xf32, #tpu.memory_space<vmem>> -> memref<1x80xf32, #tpu.memory_space<vmem>>
    %dma_start3A_134 = tpu.memref_squeeze %dma_start3A_133 : memref<1x80xf32, #tpu.memory_space<vmem>> -> memref<80xf32, #tpu.memory_space<vmem>>
    tpu.enqueue_dma source(%dma_start3A_134 : memref<80xf32, #tpu.memory_space<vmem>>) target(%dma_start3A_131 : memref<80xf32, #tpu.memory_space<vmem_shared>>) target_semaphore(%arg14 : memref<!tpu.dma_semaphore, #tpu.memory_space<semaphore_mem>>)
    %mul3A_135 = arith.constant 640 : i32
    %mul3A_136 = arith.muli %arg1, %mul3A_135 : i32
    %add3A_137 = arith.constant 240 : i32
    %add3A_138 = arith.addi %mul3A_136, %add3A_137 : i32
    %dma_start3A_139 = arith.constant 0 : i32
    %dma_start3A_140 = arith.constant 0 : i32
    %dma_start3A_141 = arith.constant 0 : i32
    %dma_start3A_142 = tpu.memref_slice %arg13[%dma_start3A_139, %dma_start3A_140, %dma_start3A_141] : memref<4x80x128xf32, #tpu.memory_space<vmem>> -> memref<1x80x128xf32, #tpu.memory_space<vmem>>
    %dma_start3A_143 = tpu.memref_squeeze %dma_start3A_142 : memref<1x80x128xf32, #tpu.memory_space<vmem>> -> memref<80x128xf32, #tpu.memory_space<vmem>>
    %dma_start3A_144 = arith.constant 0 : i32
    %dma_start3A_145 = tpu.memref_slice %arg7[%add3A_138, %dma_start3A_144] : memref<10240x128xf32, #tpu.memory_space<vmem_shared>> -> memref<80x128xf32, #tpu.memory_space<vmem_shared>>
    %dma_start3A_146 = arith.constant 0 : i32
    %dma_start3A_147 = tpu.memref_slice %arg7[%add3A_138, %dma_start3A_146] : memref<10240x128xf32, #tpu.memory_space<vmem_shared>> -> memref<80x128xf32, #tpu.memory_space<vmem_shared>>
    %dma_start3A_148 = arith.constant 0 : i32
    %dma_start3A_149 = arith.constant 0 : i32
    %dma_start3A_150 = tpu.memref_slice %arg13[%dma_start3A_139, %dma_start3A_148, %dma_start3A_149] : memref<4x80x128xf32, #tpu.memory_space<vmem>> -> memref<1x80x128xf32, #tpu.memory_space<vmem>>
    %dma_start3A_151 = tpu.memref_squeeze %dma_start3A_150 : memref<1x80x128xf32, #tpu.memory_space<vmem>> -> memref<80x128xf32, #tpu.memory_space<vmem>>
    tpu.enqueue_dma source(%dma_start3A_151 : memref<80x128xf32, #tpu.memory_space<vmem>>) target(%dma_start3A_147 : memref<80x128xf32, #tpu.memory_space<vmem_shared>>) target_semaphore(%arg12 : memref<!tpu.dma_semaphore, #tpu.memory_space<semaphore_mem>>)
    %mul3A_152 = arith.constant 640 : i32
    %mul3A_153 = arith.muli %arg1, %mul3A_152 : i32
    %add3A_154 = arith.constant 240 : i32
    %add3A_155 = arith.addi %mul3A_153, %add3A_154 : i32
    %dma_start3A_156 = arith.constant 0 : i32
    %dma_start3A_157 = arith.constant 0 : i32
    %dma_start3A_158 = tpu.memref_slice %arg17[%dma_start3A_156, %dma_start3A_157] : memref<4x80xf32, #tpu.memory_space<vmem>> -> memref<1x80xf32, #tpu.memory_space<vmem>>
    %dma_start3A_159 = tpu.memref_squeeze %dma_start3A_158 : memref<1x80xf32, #tpu.memory_space<vmem>> -> memref<80xf32, #tpu.memory_space<vmem>>
    %dma_start3A_160 = tpu.memref_slice %arg15[%add3A_155] : memref<10240xf32, #tpu.memory_space<vmem_shared>> -> memref<80xf32, #tpu.memory_space<vmem_shared>>
    %dma_start3A_161 = tpu.memref_slice %arg15[%add3A_155] : memref<10240xf32, #tpu.memory_space<vmem_shared>> -> memref<80xf32, #tpu.memory_space<vmem_shared>>
    %dma_start3A_162 = arith.constant 0 : i32
    %dma_start3A_163 = tpu.memref_slice %arg17[%dma_start3A_156, %dma_start3A_162] : memref<4x80xf32, #tpu.memory_space<vmem>> -> memref<1x80xf32, #tpu.memory_space<vmem>>
    %dma_start3A_164 = tpu.memref_squeeze %dma_start3A_163 : memref<1x80xf32, #tpu.memory_space<vmem>> -> memref<80xf32, #tpu.memory_space<vmem>>
    tpu.enqueue_dma source(%dma_start3A_164 : memref<80xf32, #tpu.memory_space<vmem>>) target(%dma_start3A_161 : memref<80xf32, #tpu.memory_space<vmem_shared>>) target_semaphore(%arg14 : memref<!tpu.dma_semaphore, #tpu.memory_space<semaphore_mem>>)
    %mul3A_165 = arith.constant 640 : i32
    %mul3A_166 = arith.muli %arg1, %mul3A_165 : i32
    %add3A_167 = arith.constant 320 : i32
    %add3A_168 = arith.addi %mul3A_166, %add3A_167 : i32
    %dma_start3A_169 = arith.constant 0 : i32
    %dma_start3A_170 = arith.constant 0 : i32
    %dma_start3A_171 = arith.constant 0 : i32
    %dma_start3A_172 = tpu.memref_slice %arg13[%dma_start3A_169, %dma_start3A_170, %dma_start3A_171] : memref<4x80x128xf32, #tpu.memory_space<vmem>> -> memref<1x80x128xf32, #tpu.memory_space<vmem>>
    %dma_start3A_173 = tpu.memref_squeeze %dma_start3A_172 : memref<1x80x128xf32, #tpu.memory_space<vmem>> -> memref<80x128xf32, #tpu.memory_space<vmem>>
    %dma_start3A_174 = arith.constant 0 : i32
    %dma_start3A_175 = tpu.memref_slice %arg7[%add3A_168, %dma_start3A_174] : memref<10240x128xf32, #tpu.memory_space<vmem_shared>> -> memref<80x128xf32, #tpu.memory_space<vmem_shared>>
    %dma_start3A_176 = arith.constant 0 : i32
    %dma_start3A_177 = tpu.memref_slice %arg7[%add3A_168, %dma_start3A_176] : memref<10240x128xf32, #tpu.memory_space<vmem_shared>> -> memref<80x128xf32, #tpu.memory_space<vmem_shared>>
    %dma_start3A_178 = arith.constant 0 : i32
    %dma_start3A_179 = arith.constant 0 : i32
    %dma_start3A_180 = tpu.memref_slice %arg13[%dma_start3A_169, %dma_start3A_178, %dma_start3A_179] : memref<4x80x128xf32, #tpu.memory_space<vmem>> -> memref<1x80x128xf32, #tpu.memory_space<vmem>>
    %dma_start3A_181 = tpu.memref_squeeze %dma_start3A_180 : memref<1x80x128xf32, #tpu.memory_space<vmem>> -> memref<80x128xf32, #tpu.memory_space<vmem>>
    tpu.enqueue_dma source(%dma_start3A_181 : memref<80x128xf32, #tpu.memory_space<vmem>>) target(%dma_start3A_177 : memref<80x128xf32, #tpu.memory_space<vmem_shared>>) target_semaphore(%arg12 : memref<!tpu.dma_semaphore, #tpu.memory_space<semaphore_mem>>)
    %mul3A_182 = arith.constant 640 : i32
    %mul3A_183 = arith.muli %arg1, %mul3A_182 : i32
    %add3A_184 = arith.constant 320 : i32
    %add3A_185 = arith.addi %mul3A_183, %add3A_184 : i32
    %dma_start3A_186 = arith.constant 0 : i32
    %dma_start3A_187 = arith.constant 0 : i32
    %dma_start3A_188 = tpu.memref_slice %arg17[%dma_start3A_186, %dma_start3A_187] : memref<4x80xf32, #tpu.memory_space<vmem>> -> memref<1x80xf32, #tpu.memory_space<vmem>>
    %dma_start3A_189 = tpu.memref_squeeze %dma_start3A_188 : memref<1x80xf32, #tpu.memory_space<vmem>> -> memref<80xf32, #tpu.memory_space<vmem>>
    %dma_start3A_190 = tpu.memref_slice %arg15[%add3A_185] : memref<10240xf32, #tpu.memory_space<vmem_shared>> -> memref<80xf32, #tpu.memory_space<vmem_shared>>
    %dma_start3A_191 = tpu.memref_slice %arg15[%add3A_185] : memref<10240xf32, #tpu.memory_space<vmem_shared>> -> memref<80xf32, #tpu.memory_space<vmem_shared>>
    %dma_start3A_192 = arith.constant 0 : i32
    %dma_start3A_193 = tpu.memref_slice %arg17[%dma_start3A_186, %dma_start3A_192] : memref<4x80xf32, #tpu.memory_space<vmem>> -> memref<1x80xf32, #tpu.memory_space<vmem>>
    %dma_start3A_194 = tpu.memref_squeeze %dma_start3A_193 : memref<1x80xf32, #tpu.memory_space<vmem>> -> memref<80xf32, #tpu.memory_space<vmem>>
    tpu.enqueue_dma source(%dma_start3A_194 : memref<80xf32, #tpu.memory_space<vmem>>) target(%dma_start3A_191 : memref<80xf32, #tpu.memory_space<vmem_shared>>) target_semaphore(%arg14 : memref<!tpu.dma_semaphore, #tpu.memory_space<semaphore_mem>>)
    %mul3A_195 = arith.constant 640 : i32
    %mul3A_196 = arith.muli %arg1, %mul3A_195 : i32
    %add3A_197 = arith.constant 400 : i32
    %add3A_198 = arith.addi %mul3A_196, %add3A_197 : i32
    %dma_start3A_199 = arith.constant 0 : i32
    %dma_start3A_200 = arith.constant 0 : i32
    %dma_start3A_201 = arith.constant 0 : i32
    %dma_start3A_202 = tpu.memref_slice %arg13[%dma_start3A_199, %dma_start3A_200, %dma_start3A_201] : memref<4x80x128xf32, #tpu.memory_space<vmem>> -> memref<1x80x128xf32, #tpu.memory_space<vmem>>
    %dma_start3A_203 = tpu.memref_squeeze %dma_start3A_202 : memref<1x80x128xf32, #tpu.memory_space<vmem>> -> memref<80x128xf32, #tpu.memory_space<vmem>>
    %dma_start3A_204 = arith.constant 0 : i32
    %dma_start3A_205 = tpu.memref_slice %arg7[%add3A_198, %dma_start3A_204] : memref<10240x128xf32, #tpu.memory_space<vmem_shared>> -> memref<80x128xf32, #tpu.memory_space<vmem_shared>>
    %dma_start3A_206 = arith.constant 0 : i32
    %dma_start3A_207 = tpu.memref_slice %arg7[%add3A_198, %dma_start3A_206] : memref<10240x128xf32, #tpu.memory_space<vmem_shared>> -> memref<80x128xf32, #tpu.memory_space<vmem_shared>>
    %dma_start3A_208 = arith.constant 0 : i32
    %dma_start3A_209 = arith.constant 0 : i32
    %dma_start3A_210 = tpu.memref_slice %arg13[%dma_start3A_199, %dma_start3A_208, %dma_start3A_209] : memref<4x80x128xf32, #tpu.memory_space<vmem>> -> memref<1x80x128xf32, #tpu.memory_space<vmem>>
    %dma_start3A_211 = tpu.memref_squeeze %dma_start3A_210 : memref<1x80x128xf32, #tpu.memory_space<vmem>> -> memref<80x128xf32, #tpu.memory_space<vmem>>
    tpu.enqueue_dma source(%dma_start3A_211 : memref<80x128xf32, #tpu.memory_space<vmem>>) target(%dma_start3A_207 : memref<80x128xf32, #tpu.memory_space<vmem_shared>>) target_semaphore(%arg12 : memref<!tpu.dma_semaphore, #tpu.memory_space<semaphore_mem>>)
    %mul3A_212 = arith.constant 640 : i32
    %mul3A_213 = arith.muli %arg1, %mul3A_212 : i32
    %add3A_214 = arith.constant 400 : i32
    %add3A_215 = arith.addi %mul3A_213, %add3A_214 : i32
    %dma_start3A_216 = arith.constant 0 : i32
    %dma_start3A_217 = arith.constant 0 : i32
    %dma_start3A_218 = tpu.memref_slice %arg17[%dma_start3A_216, %dma_start3A_217] : memref<4x80xf32, #tpu.memory_space<vmem>> -> memref<1x80xf32, #tpu.memory_space<vmem>>
    %dma_start3A_219 = tpu.memref_squeeze %dma_start3A_218 : memref<1x80xf32, #tpu.memory_space<vmem>> -> memref<80xf32, #tpu.memory_space<vmem>>
    %dma_start3A_220 = tpu.memref_slice %arg15[%add3A_215] : memref<10240xf32, #tpu.memory_space<vmem_shared>> -> memref<80xf32, #tpu.memory_space<vmem_shared>>
    %dma_start3A_221 = tpu.memref_slice %arg15[%add3A_215] : memref<10240xf32, #tpu.memory_space<vmem_shared>> -> memref<80xf32, #tpu.memory_space<vmem_shared>>
    %dma_start3A_222 = arith.constant 0 : i32
    %dma_start3A_223 = tpu.memref_slice %arg17[%dma_start3A_216, %dma_start3A_222] : memref<4x80xf32, #tpu.memory_space<vmem>> -> memref<1x80xf32, #tpu.memory_space<vmem>>
    %dma_start3A_224 = tpu.memref_squeeze %dma_start3A_223 : memref<1x80xf32, #tpu.memory_space<vmem>> -> memref<80xf32, #tpu.memory_space<vmem>>
    tpu.enqueue_dma source(%dma_start3A_224 : memref<80xf32, #tpu.memory_space<vmem>>) target(%dma_start3A_221 : memref<80xf32, #tpu.memory_space<vmem_shared>>) target_semaphore(%arg14 : memref<!tpu.dma_semaphore, #tpu.memory_space<semaphore_mem>>)
    %mul3A_225 = arith.constant 640 : i32
    %mul3A_226 = arith.muli %arg1, %mul3A_225 : i32
    %add3A_227 = arith.constant 480 : i32
    %add3A_228 = arith.addi %mul3A_226, %add3A_227 : i32
    %dma_start3A_229 = arith.constant 0 : i32
    %dma_start3A_230 = arith.constant 0 : i32
    %dma_start3A_231 = arith.constant 0 : i32
    %dma_start3A_232 = tpu.memref_slice %arg13[%dma_start3A_229, %dma_start3A_230, %dma_start3A_231] : memref<4x80x128xf32, #tpu.memory_space<vmem>> -> memref<1x80x128xf32, #tpu.memory_space<vmem>>
    %dma_start3A_233 = tpu.memref_squeeze %dma_start3A_232 : memref<1x80x128xf32, #tpu.memory_space<vmem>> -> memref<80x128xf32, #tpu.memory_space<vmem>>
    %dma_start3A_234 = arith.constant 0 : i32
    %dma_start3A_235 = tpu.memref_slice %arg7[%add3A_228, %dma_start3A_234] : memref<10240x128xf32, #tpu.memory_space<vmem_shared>> -> memref<80x128xf32, #tpu.memory_space<vmem_shared>>
    %dma_start3A_236 = arith.constant 0 : i32
    %dma_start3A_237 = tpu.memref_slice %arg7[%add3A_228, %dma_start3A_236] : memref<10240x128xf32, #tpu.memory_space<vmem_shared>> -> memref<80x128xf32, #tpu.memory_space<vmem_shared>>
    %dma_start3A_238 = arith.constant 0 : i32
    %dma_start3A_239 = arith.constant 0 : i32
    %dma_start3A_240 = tpu.memref_slice %arg13[%dma_start3A_229, %dma_start3A_238, %dma_start3A_239] : memref<4x80x128xf32, #tpu.memory_space<vmem>> -> memref<1x80x128xf32, #tpu.memory_space<vmem>>
    %dma_start3A_241 = tpu.memref_squeeze %dma_start3A_240 : memref<1x80x128xf32, #tpu.memory_space<vmem>> -> memref<80x128xf32, #tpu.memory_space<vmem>>
    tpu.enqueue_dma source(%dma_start3A_241 : memref<80x128xf32, #tpu.memory_space<vmem>>) target(%dma_start3A_237 : memref<80x128xf32, #tpu.memory_space<vmem_shared>>) target_semaphore(%arg12 : memref<!tpu.dma_semaphore, #tpu.memory_space<semaphore_mem>>)
    %mul3A_242 = arith.constant 640 : i32
    %mul3A_243 = arith.muli %arg1, %mul3A_242 : i32
    %add3A_244 = arith.constant 480 : i32
    %add3A_245 = arith.addi %mul3A_243, %add3A_244 : i32
    %dma_start3A_246 = arith.constant 0 : i32
    %dma_start3A_247 = arith.constant 0 : i32
    %dma_start3A_248 = tpu.memref_slice %arg17[%dma_start3A_246, %dma_start3A_247] : memref<4x80xf32, #tpu.memory_space<vmem>> -> memref<1x80xf32, #tpu.memory_space<vmem>>
    %dma_start3A_249 = tpu.memref_squeeze %dma_start3A_248 : memref<1x80xf32, #tpu.memory_space<vmem>> -> memref<80xf32, #tpu.memory_space<vmem>>
    %dma_start3A_250 = tpu.memref_slice %arg15[%add3A_245] : memref<10240xf32, #tpu.memory_space<vmem_shared>> -> memref<80xf32, #tpu.memory_space<vmem_shared>>
    %dma_start3A_251 = tpu.memref_slice %arg15[%add3A_245] : memref<10240xf32, #tpu.memory_space<vmem_shared>> -> memref<80xf32, #tpu.memory_space<vmem_shared>>
    %dma_start3A_252 = arith.constant 0 : i32
    %dma_start3A_253 = tpu.memref_slice %arg17[%dma_start3A_246, %dma_start3A_252] : memref<4x80xf32, #tpu.memory_space<vmem>> -> memref<1x80xf32, #tpu.memory_space<vmem>>
    %dma_start3A_254 = tpu.memref_squeeze %dma_start3A_253 : memref<1x80xf32, #tpu.memory_space<vmem>> -> memref<80xf32, #tpu.memory_space<vmem>>
    tpu.enqueue_dma source(%dma_start3A_254 : memref<80xf32, #tpu.memory_space<vmem>>) target(%dma_start3A_251 : memref<80xf32, #tpu.memory_space<vmem_shared>>) target_semaphore(%arg14 : memref<!tpu.dma_semaphore, #tpu.memory_space<semaphore_mem>>)
    %mul3A_255 = arith.constant 640 : i32
    %mul3A_256 = arith.muli %arg1, %mul3A_255 : i32
    %add3A_257 = arith.constant 560 : i32
    %add3A_258 = arith.addi %mul3A_256, %add3A_257 : i32
    %dma_start3A_259 = arith.constant 0 : i32
    %dma_start3A_260 = arith.constant 0 : i32
    %dma_start3A_261 = arith.constant 0 : i32
    %dma_start3A_262 = tpu.memref_slice %arg13[%dma_start3A_259, %dma_start3A_260, %dma_start3A_261] : memref<4x80x128xf32, #tpu.memory_space<vmem>> -> memref<1x80x128xf32, #tpu.memory_space<vmem>>
    %dma_start3A_263 = tpu.memref_squeeze %dma_start3A_262 : memref<1x80x128xf32, #tpu.memory_space<vmem>> -> memref<80x128xf32, #tpu.memory_space<vmem>>
    %dma_start3A_264 = arith.constant 0 : i32
    %dma_start3A_265 = tpu.memref_slice %arg7[%add3A_258, %dma_start3A_264] : memref<10240x128xf32, #tpu.memory_space<vmem_shared>> -> memref<80x128xf32, #tpu.memory_space<vmem_shared>>
    %dma_start3A_266 = arith.constant 0 : i32
    %dma_start3A_267 = tpu.memref_slice %arg7[%add3A_258, %dma_start3A_266] : memref<10240x128xf32, #tpu.memory_space<vmem_shared>> -> memref<80x128xf32, #tpu.memory_space<vmem_shared>>
    %dma_start3A_268 = arith.constant 0 : i32
    %dma_start3A_269 = arith.constant 0 : i32
    %dma_start3A_270 = tpu.memref_slice %arg13[%dma_start3A_259, %dma_start3A_268, %dma_start3A_269] : memref<4x80x128xf32, #tpu.memory_space<vmem>> -> memref<1x80x128xf32, #tpu.memory_space<vmem>>
    %dma_start3A_271 = tpu.memref_squeeze %dma_start3A_270 : memref<1x80x128xf32, #tpu.memory_space<vmem>> -> memref<80x128xf32, #tpu.memory_space<vmem>>
    tpu.enqueue_dma source(%dma_start3A_271 : memref<80x128xf32, #tpu.memory_space<vmem>>) target(%dma_start3A_267 : memref<80x128xf32, #tpu.memory_space<vmem_shared>>) target_semaphore(%arg12 : memref<!tpu.dma_semaphore, #tpu.memory_space<semaphore_mem>>)
    %mul3A_272 = arith.constant 640 : i32
    %mul3A_273 = arith.muli %arg1, %mul3A_272 : i32
    %add3A_274 = arith.constant 560 : i32
    %add3A_275 = arith.addi %mul3A_273, %add3A_274 : i32
    %dma_start3A_276 = arith.constant 0 : i32
    %dma_start3A_277 = arith.constant 0 : i32
    %dma_start3A_278 = tpu.memref_slice %arg17[%dma_start3A_276, %dma_start3A_277] : memref<4x80xf32, #tpu.memory_space<vmem>> -> memref<1x80xf32, #tpu.memory_space<vmem>>
    %dma_start3A_279 = tpu.memref_squeeze %dma_start3A_278 : memref<1x80xf32, #tpu.memory_space<vmem>> -> memref<80xf32, #tpu.memory_space<vmem>>
    %dma_start3A_280 = tpu.memref_slice %arg15[%add3A_275] : memref<10240xf32, #tpu.memory_space<vmem_shared>> -> memref<80xf32, #tpu.memory_space<vmem_shared>>
    %dma_start3A_281 = tpu.memref_slice %arg15[%add3A_275] : memref<10240xf32, #tpu.memory_space<vmem_shared>> -> memref<80xf32, #tpu.memory_space<vmem_shared>>
    %dma_start3A_282 = arith.constant 0 : i32
    %dma_start3A_283 = tpu.memref_slice %arg17[%dma_start3A_276, %dma_start3A_282] : memref<4x80xf32, #tpu.memory_space<vmem>> -> memref<1x80xf32, #tpu.memory_space<vmem>>
    %dma_start3A_284 = tpu.memref_squeeze %dma_start3A_283 : memref<1x80xf32, #tpu.memory_space<vmem>> -> memref<80xf32, #tpu.memory_space<vmem>>
    tpu.enqueue_dma source(%dma_start3A_284 : memref<80xf32, #tpu.memory_space<vmem>>) target(%dma_start3A_281 : memref<80xf32, #tpu.memory_space<vmem_shared>>) target_semaphore(%arg14 : memref<!tpu.dma_semaphore, #tpu.memory_space<semaphore_mem>>)
    %add3A_285 = arith.constant 0 : i32
    %add3A_286 = arith.addi %mul3A_2, %add3A_285 : i32
    %dma_start3A_287 = arith.constant 0 : i32
    %dma_start3A_288 = arith.constant 0 : i32
    %dma_start3A_289 = tpu.memref_slice %arg11[%dma_start3A_287, %dma_start3A_288] : memref<8x80xi32, #tpu.memory_space<vmem>> -> memref<1x80xi32, #tpu.memory_space<vmem>>
    %dma_start3A_290 = tpu.memref_squeeze %dma_start3A_289 : memref<1x80xi32, #tpu.memory_space<vmem>> -> memref<80xi32, #tpu.memory_space<vmem>>
    %dma_start3A_291 = tpu.memref_slice %arg2[%add3A_286] : memref<640000xi32, #tpu.memory_space<hbm>> -> memref<80xi32, #tpu.memory_space<hbm>>
    %dma_start3A_292 = arith.constant 0 : i32
    %dma_start3A_293 = tpu.memref_slice %arg11[%dma_start3A_287, %dma_start3A_292] : memref<8x80xi32, #tpu.memory_space<vmem>> -> memref<1x80xi32, #tpu.memory_space<vmem>>
    %dma_start3A_294 = tpu.memref_squeeze %dma_start3A_293 : memref<1x80xi32, #tpu.memory_space<vmem>> -> memref<80xi32, #tpu.memory_space<vmem>>
    %dma_start3A_295 = tpu.memref_slice %arg2[%add3A_286] : memref<640000xi32, #tpu.memory_space<hbm>> -> memref<80xi32, #tpu.memory_space<hbm>>
    tpu.enqueue_dma source(%dma_start3A_295 : memref<80xi32, #tpu.memory_space<hbm>>) target(%dma_start3A_294 : memref<80xi32, #tpu.memory_space<vmem>>) target_semaphore(%arg10 : memref<!tpu.dma_semaphore, #tpu.memory_space<semaphore_mem>>)
    %add3A_296 = arith.constant 320000 : i32
    %add3A_297 = arith.addi %add3A_296, %mul3A_2 : i32
    %add3A_298 = arith.constant 0 : i32
    %add3A_299 = arith.addi %add3A_297, %add3A_298 : i32
    %dma_start3A_300 = arith.constant 0 : i32
    %dma_start3A_301 = arith.constant 0 : i32
    %dma_start3A_302 = tpu.memref_slice %arg8[%dma_start3A_300, %dma_start3A_301] : memref<8x80xi32, #tpu.memory_space<vmem>> -> memref<1x80xi32, #tpu.memory_space<vmem>>
    %dma_start3A_303 = tpu.memref_squeeze %dma_start3A_302 : memref<1x80xi32, #tpu.memory_space<vmem>> -> memref<80xi32, #tpu.memory_space<vmem>>
    %dma_start3A_304 = tpu.memref_slice %arg2[%add3A_299] : memref<640000xi32, #tpu.memory_space<hbm>> -> memref<80xi32, #tpu.memory_space<hbm>>
    %dma_start3A_305 = arith.constant 0 : i32
    %dma_start3A_306 = tpu.memref_slice %arg8[%dma_start3A_300, %dma_start3A_305] : memref<8x80xi32, #tpu.memory_space<vmem>> -> memref<1x80xi32, #tpu.memory_space<vmem>>
    %dma_start3A_307 = tpu.memref_squeeze %dma_start3A_306 : memref<1x80xi32, #tpu.memory_space<vmem>> -> memref<80xi32, #tpu.memory_space<vmem>>
    %dma_start3A_308 = tpu.memref_slice %arg2[%add3A_299] : memref<640000xi32, #tpu.memory_space<hbm>> -> memref<80xi32, #tpu.memory_space<hbm>>
    tpu.enqueue_dma source(%dma_start3A_308 : memref<80xi32, #tpu.memory_space<hbm>>) target(%dma_start3A_307 : memref<80xi32, #tpu.memory_space<vmem>>) target_semaphore(%arg10 : memref<!tpu.dma_semaphore, #tpu.memory_space<semaphore_mem>>)
    %add3A_309 = arith.constant 80 : i32
    %add3A_310 = arith.addi %mul3A_2, %add3A_309 : i32
    %dma_start3A_311 = arith.constant 1 : i32
    %dma_start3A_312 = arith.constant 0 : i32
    %dma_start3A_313 = tpu.memref_slice %arg11[%dma_start3A_311, %dma_start3A_312] : memref<8x80xi32, #tpu.memory_space<vmem>> -> memref<1x80xi32, #tpu.memory_space<vmem>>
    %dma_start3A_314 = tpu.memref_squeeze %dma_start3A_313 : memref<1x80xi32, #tpu.memory_space<vmem>> -> memref<80xi32, #tpu.memory_space<vmem>>
    %dma_start3A_315 = tpu.memref_slice %arg2[%add3A_310] : memref<640000xi32, #tpu.memory_space<hbm>> -> memref<80xi32, #tpu.memory_space<hbm>>
    %dma_start3A_316 = arith.constant 0 : i32
    %dma_start3A_317 = tpu.memref_slice %arg11[%dma_start3A_311, %dma_start3A_316] : memref<8x80xi32, #tpu.memory_space<vmem>> -> memref<1x80xi32, #tpu.memory_space<vmem>>
    %dma_start3A_318 = tpu.memref_squeeze %dma_start3A_317 : memref<1x80xi32, #tpu.memory_space<vmem>> -> memref<80xi32, #tpu.memory_space<vmem>>
    %dma_start3A_319 = tpu.memref_slice %arg2[%add3A_310] : memref<640000xi32, #tpu.memory_space<hbm>> -> memref<80xi32, #tpu.memory_space<hbm>>
    tpu.enqueue_dma source(%dma_start3A_319 : memref<80xi32, #tpu.memory_space<hbm>>) target(%dma_start3A_318 : memref<80xi32, #tpu.memory_space<vmem>>) target_semaphore(%arg10 : memref<!tpu.dma_semaphore, #tpu.memory_space<semaphore_mem>>)
    %add3A_320 = arith.constant 320000 : i32
    %add3A_321 = arith.addi %add3A_320, %mul3A_2 : i32
    %add3A_322 = arith.constant 80 : i32
    %add3A_323 = arith.addi %add3A_321, %add3A_322 : i32
    %dma_start3A_324 = arith.constant 1 : i32
    %dma_start3A_325 = arith.constant 0 : i32
    %dma_start3A_326 = tpu.memref_slice %arg8[%dma_start3A_324, %dma_start3A_325] : memref<8x80xi32, #tpu.memory_space<vmem>> -> memref<1x80xi32, #tpu.memory_space<vmem>>
    %dma_start3A_327 = tpu.memref_squeeze %dma_start3A_326 : memref<1x80xi32, #tpu.memory_space<vmem>> -> memref<80xi32, #tpu.memory_space<vmem>>
    %dma_start3A_328 = tpu.memref_slice %arg2[%add3A_323] : memref<640000xi32, #tpu.memory_space<hbm>> -> memref<80xi32, #tpu.memory_space<hbm>>
    %dma_start3A_329 = arith.constant 0 : i32
    %dma_start3A_330 = tpu.memref_slice %arg8[%dma_start3A_324, %dma_start3A_329] : memref<8x80xi32, #tpu.memory_space<vmem>> -> memref<1x80xi32, #tpu.memory_space<vmem>>
    %dma_start3A_331 = tpu.memref_squeeze %dma_start3A_330 : memref<1x80xi32, #tpu.memory_space<vmem>> -> memref<80xi32, #tpu.memory_space<vmem>>
    %dma_start3A_332 = tpu.memref_slice %arg2[%add3A_323] : memref<640000xi32, #tpu.memory_space<hbm>> -> memref<80xi32, #tpu.memory_space<hbm>>
    tpu.enqueue_dma source(%dma_start3A_332 : memref<80xi32, #tpu.memory_space<hbm>>) target(%dma_start3A_331 : memref<80xi32, #tpu.memory_space<vmem>>) target_semaphore(%arg10 : memref<!tpu.dma_semaphore, #tpu.memory_space<semaphore_mem>>)
    %add3A_333 = arith.constant 160 : i32
    %add3A_334 = arith.addi %mul3A_2, %add3A_333 : i32
    %dma_start3A_335 = arith.constant 2 : i32
    %dma_start3A_336 = arith.constant 0 : i32
    %dma_start3A_337 = tpu.memref_slice %arg11[%dma_start3A_335, %dma_start3A_336] : memref<8x80xi32, #tpu.memory_space<vmem>> -> memref<1x80xi32, #tpu.memory_space<vmem>>
    %dma_start3A_338 = tpu.memref_squeeze %dma_start3A_337 : memref<1x80xi32, #tpu.memory_space<vmem>> -> memref<80xi32, #tpu.memory_space<vmem>>
    %dma_start3A_339 = tpu.memref_slice %arg2[%add3A_334] : memref<640000xi32, #tpu.memory_space<hbm>> -> memref<80xi32, #tpu.memory_space<hbm>>
    %dma_start3A_340 = arith.constant 0 : i32
    %dma_start3A_341 = tpu.memref_slice %arg11[%dma_start3A_335, %dma_start3A_340] : memref<8x80xi32, #tpu.memory_space<vmem>> -> memref<1x80xi32, #tpu.memory_space<vmem>>
    %dma_start3A_342 = tpu.memref_squeeze %dma_start3A_341 : memref<1x80xi32, #tpu.memory_space<vmem>> -> memref<80xi32, #tpu.memory_space<vmem>>
    %dma_start3A_343 = tpu.memref_slice %arg2[%add3A_334] : memref<640000xi32, #tpu.memory_space<hbm>> -> memref<80xi32, #tpu.memory_space<hbm>>
    tpu.enqueue_dma source(%dma_start3A_343 : memref<80xi32, #tpu.memory_space<hbm>>) target(%dma_start3A_342 : memref<80xi32, #tpu.memory_space<vmem>>) target_semaphore(%arg10 : memref<!tpu.dma_semaphore, #tpu.memory_space<semaphore_mem>>)
    %add3A_344 = arith.constant 320000 : i32
    %add3A_345 = arith.addi %add3A_344, %mul3A_2 : i32
    %add3A_346 = arith.constant 160 : i32
    %add3A_347 = arith.addi %add3A_345, %add3A_346 : i32
    %dma_start3A_348 = arith.constant 2 : i32
    %dma_start3A_349 = arith.constant 0 : i32
    %dma_start3A_350 = tpu.memref_slice %arg8[%dma_start3A_348, %dma_start3A_349] : memref<8x80xi32, #tpu.memory_space<vmem>> -> memref<1x80xi32, #tpu.memory_space<vmem>>
    %dma_start3A_351 = tpu.memref_squeeze %dma_start3A_350 : memref<1x80xi32, #tpu.memory_space<vmem>> -> memref<80xi32, #tpu.memory_space<vmem>>
    %dma_start3A_352 = tpu.memref_slice %arg2[%add3A_347] : memref<640000xi32, #tpu.memory_space<hbm>> -> memref<80xi32, #tpu.memory_space<hbm>>
    %dma_start3A_353 = arith.constant 0 : i32
    %dma_start3A_354 = tpu.memref_slice %arg8[%dma_start3A_348, %dma_start3A_353] : memref<8x80xi32, #tpu.memory_space<vmem>> -> memref<1x80xi32, #tpu.memory_space<vmem>>
    %dma_start3A_355 = tpu.memref_squeeze %dma_start3A_354 : memref<1x80xi32, #tpu.memory_space<vmem>> -> memref<80xi32, #tpu.memory_space<vmem>>
    %dma_start3A_356 = tpu.memref_slice %arg2[%add3A_347] : memref<640000xi32, #tpu.memory_space<hbm>> -> memref<80xi32, #tpu.memory_space<hbm>>
    tpu.enqueue_dma source(%dma_start3A_356 : memref<80xi32, #tpu.memory_space<hbm>>) target(%dma_start3A_355 : memref<80xi32, #tpu.memory_space<vmem>>) target_semaphore(%arg10 : memref<!tpu.dma_semaphore, #tpu.memory_space<semaphore_mem>>)
    %add3A_357 = arith.constant 240 : i32
    %add3A_358 = arith.addi %mul3A_2, %add3A_357 : i32
    %dma_start3A_359 = arith.constant 3 : i32
    %dma_start3A_360 = arith.constant 0 : i32
    %dma_start3A_361 = tpu.memref_slice %arg11[%dma_start3A_359, %dma_start3A_360] : memref<8x80xi32, #tpu.memory_space<vmem>> -> memref<1x80xi32, #tpu.memory_space<vmem>>
    %dma_start3A_362 = tpu.memref_squeeze %dma_start3A_361 : memref<1x80xi32, #tpu.memory_space<vmem>> -> memref<80xi32, #tpu.memory_space<vmem>>
    %dma_start3A_363 = tpu.memref_slice %arg2[%add3A_358] : memref<640000xi32, #tpu.memory_space<hbm>> -> memref<80xi32, #tpu.memory_space<hbm>>
    %dma_start3A_364 = arith.constant 0 : i32
    %dma_start3A_365 = tpu.memref_slice %arg11[%dma_start3A_359, %dma_start3A_364] : memref<8x80xi32, #tpu.memory_space<vmem>> -> memref<1x80xi32, #tpu.memory_space<vmem>>
    %dma_start3A_366 = tpu.memref_squeeze %dma_start3A_365 : memref<1x80xi32, #tpu.memory_space<vmem>> -> memref<80xi32, #tpu.memory_space<vmem>>
    %dma_start3A_367 = tpu.memref_slice %arg2[%add3A_358] : memref<640000xi32, #tpu.memory_space<hbm>> -> memref<80xi32, #tpu.memory_space<hbm>>
    tpu.enqueue_dma source(%dma_start3A_367 : memref<80xi32, #tpu.memory_space<hbm>>) target(%dma_start3A_366 : memref<80xi32, #tpu.memory_space<vmem>>) target_semaphore(%arg10 : memref<!tpu.dma_semaphore, #tpu.memory_space<semaphore_mem>>)
    %add3A_368 = arith.constant 320000 : i32
    %add3A_369 = arith.addi %add3A_368, %mul3A_2 : i32
    %add3A_370 = arith.constant 240 : i32
    %add3A_371 = arith.addi %add3A_369, %add3A_370 : i32
    %dma_start3A_372 = arith.constant 3 : i32
    %dma_start3A_373 = arith.constant 0 : i32
    %dma_start3A_374 = tpu.memref_slice %arg8[%dma_start3A_372, %dma_start3A_373] : memref<8x80xi32, #tpu.memory_space<vmem>> -> memref<1x80xi32, #tpu.memory_space<vmem>>
    %dma_start3A_375 = tpu.memref_squeeze %dma_start3A_374 : memref<1x80xi32, #tpu.memory_space<vmem>> -> memref<80xi32, #tpu.memory_space<vmem>>
    %dma_start3A_376 = tpu.memref_slice %arg2[%add3A_371] : memref<640000xi32, #tpu.memory_space<hbm>> -> memref<80xi32, #tpu.memory_space<hbm>>
    %dma_start3A_377 = arith.constant 0 : i32
    %dma_start3A_378 = tpu.memref_slice %arg8[%dma_start3A_372, %dma_start3A_377] : memref<8x80xi32, #tpu.memory_space<vmem>> -> memref<1x80xi32, #tpu.memory_space<vmem>>
    %dma_start3A_379 = tpu.memref_squeeze %dma_start3A_378 : memref<1x80xi32, #tpu.memory_space<vmem>> -> memref<80xi32, #tpu.memory_space<vmem>>
    %dma_start3A_380 = tpu.memref_slice %arg2[%add3A_371] : memref<640000xi32, #tpu.memory_space<hbm>> -> memref<80xi32, #tpu.memory_space<hbm>>
    tpu.enqueue_dma source(%dma_start3A_380 : memref<80xi32, #tpu.memory_space<hbm>>) target(%dma_start3A_379 : memref<80xi32, #tpu.memory_space<vmem>>) target_semaphore(%arg10 : memref<!tpu.dma_semaphore, #tpu.memory_space<semaphore_mem>>)
    %mul3A_381 = arith.constant 640 : i32
    %mul3A_382 = arith.muli %arg1, %mul3A_381 : i32
    %add3A_383 = arith.constant 0 : i32
    %add3A_384 = arith.addi %mul3A_382, %add3A_383 : i32
    %dma_wait3A = arith.constant 0 : i32
    %dma_wait3A_385 = arith.constant 0 : i32
    %dma_wait3A_386 = arith.constant 0 : i32
    %dma_wait3A_387 = tpu.memref_slice %arg13[%dma_wait3A, %dma_wait3A_385, %dma_wait3A_386] : memref<4x80x128xf32, #tpu.memory_space<vmem>> -> memref<1x80x128xf32, #tpu.memory_space<vmem>>
    %dma_wait3A_388 = tpu.memref_squeeze %dma_wait3A_387 : memref<1x80x128xf32, #tpu.memory_space<vmem>> -> memref<80x128xf32, #tpu.memory_space<vmem>>
    %dma_wait3A_389 = arith.constant 0 : i32
    %dma_wait3A_390 = tpu.memref_slice %arg7[%add3A_384, %dma_wait3A_389] : memref<10240x128xf32, #tpu.memory_space<vmem_shared>> -> memref<80x128xf32, #tpu.memory_space<vmem_shared>>
    %dma_wait3A_391 = arith.constant 0 : i32
    %dma_wait3A_392 = tpu.memref_slice %arg7[%add3A_384, %dma_wait3A_391] : memref<10240x128xf32, #tpu.memory_space<vmem_shared>> -> memref<80x128xf32, #tpu.memory_space<vmem_shared>>
    %dma_wait3A_393 = arith.constant 0 : i32
    %dma_wait3A_394 = arith.constant 0 : i32
    %dma_wait3A_395 = tpu.memref_slice %arg13[%dma_wait3A, %dma_wait3A_393, %dma_wait3A_394] : memref<4x80x128xf32, #tpu.memory_space<vmem>> -> memref<1x80x128xf32, #tpu.memory_space<vmem>>
    %dma_wait3A_396 = tpu.memref_squeeze %dma_wait3A_395 : memref<1x80x128xf32, #tpu.memory_space<vmem>> -> memref<80x128xf32, #tpu.memory_space<vmem>>
    tpu.wait_dma2 semaphore(%arg12 : memref<!tpu.dma_semaphore, #tpu.memory_space<semaphore_mem>>) src(%dma_wait3A_396 : memref<80x128xf32, #tpu.memory_space<vmem>>) dst(%dma_wait3A_392 : memref<80x128xf32, #tpu.memory_space<vmem_shared>>)
    %mul3A_397 = arith.constant 640 : i32
    %mul3A_398 = arith.muli %arg1, %mul3A_397 : i32
    %add3A_399 = arith.constant 0 : i32
    %add3A_400 = arith.addi %mul3A_398, %add3A_399 : i32
    %dma_wait3A_401 = arith.constant 0 : i32
    %dma_wait3A_402 = arith.constant 0 : i32
    %dma_wait3A_403 = tpu.memref_slice %arg17[%dma_wait3A_401, %dma_wait3A_402] : memref<4x80xf32, #tpu.memory_space<vmem>> -> memref<1x80xf32, #tpu.memory_space<vmem>>
    %dma_wait3A_404 = tpu.memref_squeeze %dma_wait3A_403 : memref<1x80xf32, #tpu.memory_space<vmem>> -> memref<80xf32, #tpu.memory_space<vmem>>
    %dma_wait3A_405 = tpu.memref_slice %arg15[%add3A_400] : memref<10240xf32, #tpu.memory_space<vmem_shared>> -> memref<80xf32, #tpu.memory_space<vmem_shared>>
    %dma_wait3A_406 = tpu.memref_slice %arg15[%add3A_400] : memref<10240xf32, #tpu.memory_space<vmem_shared>> -> memref<80xf32, #tpu.memory_space<vmem_shared>>
    %dma_wait3A_407 = arith.constant 0 : i32
    %dma_wait3A_408 = tpu.memref_slice %arg17[%dma_wait3A_401, %dma_wait3A_407] : memref<4x80xf32, #tpu.memory_space<vmem>> -> memref<1x80xf32, #tpu.memory_space<vmem>>
    %dma_wait3A_409 = tpu.memref_squeeze %dma_wait3A_408 : memref<1x80xf32, #tpu.memory_space<vmem>> -> memref<80xf32, #tpu.memory_space<vmem>>
    tpu.wait_dma2 semaphore(%arg14 : memref<!tpu.dma_semaphore, #tpu.memory_space<semaphore_mem>>) src(%dma_wait3A_409 : memref<80xf32, #tpu.memory_space<vmem>>) dst(%dma_wait3A_406 : memref<80xf32, #tpu.memory_space<vmem_shared>>)
    %mul3A_410 = arith.constant 640 : i32
    %mul3A_411 = arith.muli %arg1, %mul3A_410 : i32
    %add3A_412 = arith.constant 80 : i32
    %add3A_413 = arith.addi %mul3A_411, %add3A_412 : i32
    %dma_wait3A_414 = arith.constant 0 : i32
    %dma_wait3A_415 = arith.constant 0 : i32
    %dma_wait3A_416 = arith.constant 0 : i32
    %dma_wait3A_417 = tpu.memref_slice %arg13[%dma_wait3A_414, %dma_wait3A_415, %dma_wait3A_416] : memref<4x80x128xf32, #tpu.memory_space<vmem>> -> memref<1x80x128xf32, #tpu.memory_space<vmem>>
    %dma_wait3A_418 = tpu.memref_squeeze %dma_wait3A_417 : memref<1x80x128xf32, #tpu.memory_space<vmem>> -> memref<80x128xf32, #tpu.memory_space<vmem>>
    %dma_wait3A_419 = arith.constant 0 : i32
    %dma_wait3A_420 = tpu.memref_slice %arg7[%add3A_413, %dma_wait3A_419] : memref<10240x128xf32, #tpu.memory_space<vmem_shared>> -> memref<80x128xf32, #tpu.memory_space<vmem_shared>>
    %dma_wait3A_421 = arith.constant 0 : i32
    %dma_wait3A_422 = tpu.memref_slice %arg7[%add3A_413, %dma_wait3A_421] : memref<10240x128xf32, #tpu.memory_space<vmem_shared>> -> memref<80x128xf32, #tpu.memory_space<vmem_shared>>
    %dma_wait3A_423 = arith.constant 0 : i32
    %dma_wait3A_424 = arith.constant 0 : i32
    %dma_wait3A_425 = tpu.memref_slice %arg13[%dma_wait3A_414, %dma_wait3A_423, %dma_wait3A_424] : memref<4x80x128xf32, #tpu.memory_space<vmem>> -> memref<1x80x128xf32, #tpu.memory_space<vmem>>
    %dma_wait3A_426 = tpu.memref_squeeze %dma_wait3A_425 : memref<1x80x128xf32, #tpu.memory_space<vmem>> -> memref<80x128xf32, #tpu.memory_space<vmem>>
    tpu.wait_dma2 semaphore(%arg12 : memref<!tpu.dma_semaphore, #tpu.memory_space<semaphore_mem>>) src(%dma_wait3A_426 : memref<80x128xf32, #tpu.memory_space<vmem>>) dst(%dma_wait3A_422 : memref<80x128xf32, #tpu.memory_space<vmem_shared>>)
    %mul3A_427 = arith.constant 640 : i32
    %mul3A_428 = arith.muli %arg1, %mul3A_427 : i32
    %add3A_429 = arith.constant 80 : i32
    %add3A_430 = arith.addi %mul3A_428, %add3A_429 : i32
    %dma_wait3A_431 = arith.constant 0 : i32
    %dma_wait3A_432 = arith.constant 0 : i32
    %dma_wait3A_433 = tpu.memref_slice %arg17[%dma_wait3A_431, %dma_wait3A_432] : memref<4x80xf32, #tpu.memory_space<vmem>> -> memref<1x80xf32, #tpu.memory_space<vmem>>
    %dma_wait3A_434 = tpu.memref_squeeze %dma_wait3A_433 : memref<1x80xf32, #tpu.memory_space<vmem>> -> memref<80xf32, #tpu.memory_space<vmem>>
    %dma_wait3A_435 = tpu.memref_slice %arg15[%add3A_430] : memref<10240xf32, #tpu.memory_space<vmem_shared>> -> memref<80xf32, #tpu.memory_space<vmem_shared>>
    %dma_wait3A_436 = tpu.memref_slice %arg15[%add3A_430] : memref<10240xf32, #tpu.memory_space<vmem_shared>> -> memref<80xf32, #tpu.memory_space<vmem_shared>>
    %dma_wait3A_437 = arith.constant 0 : i32
    %dma_wait3A_438 = tpu.memref_slice %arg17[%dma_wait3A_431, %dma_wait3A_437] : memref<4x80xf32, #tpu.memory_space<vmem>> -> memref<1x80xf32, #tpu.memory_space<vmem>>
    %dma_wait3A_439 = tpu.memref_squeeze %dma_wait3A_438 : memref<1x80xf32, #tpu.memory_space<vmem>> -> memref<80xf32, #tpu.memory_space<vmem>>
    tpu.wait_dma2 semaphore(%arg14 : memref<!tpu.dma_semaphore, #tpu.memory_space<semaphore_mem>>) src(%dma_wait3A_439 : memref<80xf32, #tpu.memory_space<vmem>>) dst(%dma_wait3A_436 : memref<80xf32, #tpu.memory_space<vmem_shared>>)
    %mul3A_440 = arith.constant 640 : i32
    %mul3A_441 = arith.muli %arg1, %mul3A_440 : i32
    %add3A_442 = arith.constant 160 : i32
    %add3A_443 = arith.addi %mul3A_441, %add3A_442 : i32
    %dma_wait3A_444 = arith.constant 0 : i32
    %dma_wait3A_445 = arith.constant 0 : i32
    %dma_wait3A_446 = arith.constant 0 : i32
    %dma_wait3A_447 = tpu.memref_slice %arg13[%dma_wait3A_444, %dma_wait3A_445, %dma_wait3A_446] : memref<4x80x128xf32, #tpu.memory_space<vmem>> -> memref<1x80x128xf32, #tpu.memory_space<vmem>>
    %dma_wait3A_448 = tpu.memref_squeeze %dma_wait3A_447 : memref<1x80x128xf32, #tpu.memory_space<vmem>> -> memref<80x128xf32, #tpu.memory_space<vmem>>
    %dma_wait3A_449 = arith.constant 0 : i32
    %dma_wait3A_450 = tpu.memref_slice %arg7[%add3A_443, %dma_wait3A_449] : memref<10240x128xf32, #tpu.memory_space<vmem_shared>> -> memref<80x128xf32, #tpu.memory_space<vmem_shared>>
    %dma_wait3A_451 = arith.constant 0 : i32
    %dma_wait3A_452 = tpu.memref_slice %arg7[%add3A_443, %dma_wait3A_451] : memref<10240x128xf32, #tpu.memory_space<vmem_shared>> -> memref<80x128xf32, #tpu.memory_space<vmem_shared>>
    %dma_wait3A_453 = arith.constant 0 : i32
    %dma_wait3A_454 = arith.constant 0 : i32
    %dma_wait3A_455 = tpu.memref_slice %arg13[%dma_wait3A_444, %dma_wait3A_453, %dma_wait3A_454] : memref<4x80x128xf32, #tpu.memory_space<vmem>> -> memref<1x80x128xf32, #tpu.memory_space<vmem>>
    %dma_wait3A_456 = tpu.memref_squeeze %dma_wait3A_455 : memref<1x80x128xf32, #tpu.memory_space<vmem>> -> memref<80x128xf32, #tpu.memory_space<vmem>>
    tpu.wait_dma2 semaphore(%arg12 : memref<!tpu.dma_semaphore, #tpu.memory_space<semaphore_mem>>) src(%dma_wait3A_456 : memref<80x128xf32, #tpu.memory_space<vmem>>) dst(%dma_wait3A_452 : memref<80x128xf32, #tpu.memory_space<vmem_shared>>)
    %mul3A_457 = arith.constant 640 : i32
    %mul3A_458 = arith.muli %arg1, %mul3A_457 : i32
    %add3A_459 = arith.constant 160 : i32
    %add3A_460 = arith.addi %mul3A_458, %add3A_459 : i32
    %dma_wait3A_461 = arith.constant 0 : i32
    %dma_wait3A_462 = arith.constant 0 : i32
    %dma_wait3A_463 = tpu.memref_slice %arg17[%dma_wait3A_461, %dma_wait3A_462] : memref<4x80xf32, #tpu.memory_space<vmem>> -> memref<1x80xf32, #tpu.memory_space<vmem>>
    %dma_wait3A_464 = tpu.memref_squeeze %dma_wait3A_463 : memref<1x80xf32, #tpu.memory_space<vmem>> -> memref<80xf32, #tpu.memory_space<vmem>>
    %dma_wait3A_465 = tpu.memref_slice %arg15[%add3A_460] : memref<10240xf32, #tpu.memory_space<vmem_shared>> -> memref<80xf32, #tpu.memory_space<vmem_shared>>
    %dma_wait3A_466 = tpu.memref_slice %arg15[%add3A_460] : memref<10240xf32, #tpu.memory_space<vmem_shared>> -> memref<80xf32, #tpu.memory_space<vmem_shared>>
    %dma_wait3A_467 = arith.constant 0 : i32
    %dma_wait3A_468 = tpu.memref_slice %arg17[%dma_wait3A_461, %dma_wait3A_467] : memref<4x80xf32, #tpu.memory_space<vmem>> -> memref<1x80xf32, #tpu.memory_space<vmem>>
    %dma_wait3A_469 = tpu.memref_squeeze %dma_wait3A_468 : memref<1x80xf32, #tpu.memory_space<vmem>> -> memref<80xf32, #tpu.memory_space<vmem>>
    tpu.wait_dma2 semaphore(%arg14 : memref<!tpu.dma_semaphore, #tpu.memory_space<semaphore_mem>>) src(%dma_wait3A_469 : memref<80xf32, #tpu.memory_space<vmem>>) dst(%dma_wait3A_466 : memref<80xf32, #tpu.memory_space<vmem_shared>>)
    %mul3A_470 = arith.constant 640 : i32
    %mul3A_471 = arith.muli %arg1, %mul3A_470 : i32
    %add3A_472 = arith.constant 240 : i32
    %add3A_473 = arith.addi %mul3A_471, %add3A_472 : i32
    %dma_wait3A_474 = arith.constant 0 : i32
    %dma_wait3A_475 = arith.constant 0 : i32
    %dma_wait3A_476 = arith.constant 0 : i32
    %dma_wait3A_477 = tpu.memref_slice %arg13[%dma_wait3A_474, %dma_wait3A_475, %dma_wait3A_476] : memref<4x80x128xf32, #tpu.memory_space<vmem>> -> memref<1x80x128xf32, #tpu.memory_space<vmem>>
    %dma_wait3A_478 = tpu.memref_squeeze %dma_wait3A_477 : memref<1x80x128xf32, #tpu.memory_space<vmem>> -> memref<80x128xf32, #tpu.memory_space<vmem>>
    %dma_wait3A_479 = arith.constant 0 : i32
    %dma_wait3A_480 = tpu.memref_slice %arg7[%add3A_473, %dma_wait3A_479] : memref<10240x128xf32, #tpu.memory_space<vmem_shared>> -> memref<80x128xf32, #tpu.memory_space<vmem_shared>>
    %dma_wait3A_481 = arith.constant 0 : i32
    %dma_wait3A_482 = tpu.memref_slice %arg7[%add3A_473, %dma_wait3A_481] : memref<10240x128xf32, #tpu.memory_space<vmem_shared>> -> memref<80x128xf32, #tpu.memory_space<vmem_shared>>
    %dma_wait3A_483 = arith.constant 0 : i32
    %dma_wait3A_484 = arith.constant 0 : i32
    %dma_wait3A_485 = tpu.memref_slice %arg13[%dma_wait3A_474, %dma_wait3A_483, %dma_wait3A_484] : memref<4x80x128xf32, #tpu.memory_space<vmem>> -> memref<1x80x128xf32, #tpu.memory_space<vmem>>
    %dma_wait3A_486 = tpu.memref_squeeze %dma_wait3A_485 : memref<1x80x128xf32, #tpu.memory_space<vmem>> -> memref<80x128xf32, #tpu.memory_space<vmem>>
    tpu.wait_dma2 semaphore(%arg12 : memref<!tpu.dma_semaphore, #tpu.memory_space<semaphore_mem>>) src(%dma_wait3A_486 : memref<80x128xf32, #tpu.memory_space<vmem>>) dst(%dma_wait3A_482 : memref<80x128xf32, #tpu.memory_space<vmem_shared>>)
    %mul3A_487 = arith.constant 640 : i32
    %mul3A_488 = arith.muli %arg1, %mul3A_487 : i32
    %add3A_489 = arith.constant 240 : i32
    %add3A_490 = arith.addi %mul3A_488, %add3A_489 : i32
    %dma_wait3A_491 = arith.constant 0 : i32
    %dma_wait3A_492 = arith.constant 0 : i32
    %dma_wait3A_493 = tpu.memref_slice %arg17[%dma_wait3A_491, %dma_wait3A_492] : memref<4x80xf32, #tpu.memory_space<vmem>> -> memref<1x80xf32, #tpu.memory_space<vmem>>
    %dma_wait3A_494 = tpu.memref_squeeze %dma_wait3A_493 : memref<1x80xf32, #tpu.memory_space<vmem>> -> memref<80xf32, #tpu.memory_space<vmem>>
    %dma_wait3A_495 = tpu.memref_slice %arg15[%add3A_490] : memref<10240xf32, #tpu.memory_space<vmem_shared>> -> memref<80xf32, #tpu.memory_space<vmem_shared>>
    %dma_wait3A_496 = tpu.memref_slice %arg15[%add3A_490] : memref<10240xf32, #tpu.memory_space<vmem_shared>> -> memref<80xf32, #tpu.memory_space<vmem_shared>>
    %dma_wait3A_497 = arith.constant 0 : i32
    %dma_wait3A_498 = tpu.memref_slice %arg17[%dma_wait3A_491, %dma_wait3A_497] : memref<4x80xf32, #tpu.memory_space<vmem>> -> memref<1x80xf32, #tpu.memory_space<vmem>>
    %dma_wait3A_499 = tpu.memref_squeeze %dma_wait3A_498 : memref<1x80xf32, #tpu.memory_space<vmem>> -> memref<80xf32, #tpu.memory_space<vmem>>
    tpu.wait_dma2 semaphore(%arg14 : memref<!tpu.dma_semaphore, #tpu.memory_space<semaphore_mem>>) src(%dma_wait3A_499 : memref<80xf32, #tpu.memory_space<vmem>>) dst(%dma_wait3A_496 : memref<80xf32, #tpu.memory_space<vmem_shared>>)
    %mul3A_500 = arith.constant 640 : i32
    %mul3A_501 = arith.muli %arg1, %mul3A_500 : i32
    %add3A_502 = arith.constant 320 : i32
    %add3A_503 = arith.addi %mul3A_501, %add3A_502 : i32
    %dma_wait3A_504 = arith.constant 0 : i32
    %dma_wait3A_505 = arith.constant 0 : i32
    %dma_wait3A_506 = arith.constant 0 : i32
    %dma_wait3A_507 = tpu.memref_slice %arg13[%dma_wait3A_504, %dma_wait3A_505, %dma_wait3A_506] : memref<4x80x128xf32, #tpu.memory_space<vmem>> -> memref<1x80x128xf32, #tpu.memory_space<vmem>>
    %dma_wait3A_508 = tpu.memref_squeeze %dma_wait3A_507 : memref<1x80x128xf32, #tpu.memory_space<vmem>> -> memref<80x128xf32, #tpu.memory_space<vmem>>
    %dma_wait3A_509 = arith.constant 0 : i32
    %dma_wait3A_510 = tpu.memref_slice %arg7[%add3A_503, %dma_wait3A_509] : memref<10240x128xf32, #tpu.memory_space<vmem_shared>> -> memref<80x128xf32, #tpu.memory_space<vmem_shared>>
    %dma_wait3A_511 = arith.constant 0 : i32
    %dma_wait3A_512 = tpu.memref_slice %arg7[%add3A_503, %dma_wait3A_511] : memref<10240x128xf32, #tpu.memory_space<vmem_shared>> -> memref<80x128xf32, #tpu.memory_space<vmem_shared>>
    %dma_wait3A_513 = arith.constant 0 : i32
    %dma_wait3A_514 = arith.constant 0 : i32
    %dma_wait3A_515 = tpu.memref_slice %arg13[%dma_wait3A_504, %dma_wait3A_513, %dma_wait3A_514] : memref<4x80x128xf32, #tpu.memory_space<vmem>> -> memref<1x80x128xf32, #tpu.memory_space<vmem>>
    %dma_wait3A_516 = tpu.memref_squeeze %dma_wait3A_515 : memref<1x80x128xf32, #tpu.memory_space<vmem>> -> memref<80x128xf32, #tpu.memory_space<vmem>>
    tpu.wait_dma2 semaphore(%arg12 : memref<!tpu.dma_semaphore, #tpu.memory_space<semaphore_mem>>) src(%dma_wait3A_516 : memref<80x128xf32, #tpu.memory_space<vmem>>) dst(%dma_wait3A_512 : memref<80x128xf32, #tpu.memory_space<vmem_shared>>)
    %mul3A_517 = arith.constant 640 : i32
    %mul3A_518 = arith.muli %arg1, %mul3A_517 : i32
    %add3A_519 = arith.constant 320 : i32
    %add3A_520 = arith.addi %mul3A_518, %add3A_519 : i32
    %dma_wait3A_521 = arith.constant 0 : i32
    %dma_wait3A_522 = arith.constant 0 : i32
    %dma_wait3A_523 = tpu.memref_slice %arg17[%dma_wait3A_521, %dma_wait3A_522] : memref<4x80xf32, #tpu.memory_space<vmem>> -> memref<1x80xf32, #tpu.memory_space<vmem>>
    %dma_wait3A_524 = tpu.memref_squeeze %dma_wait3A_523 : memref<1x80xf32, #tpu.memory_space<vmem>> -> memref<80xf32, #tpu.memory_space<vmem>>
    %dma_wait3A_525 = tpu.memref_slice %arg15[%add3A_520] : memref<10240xf32, #tpu.memory_space<vmem_shared>> -> memref<80xf32, #tpu.memory_space<vmem_shared>>
    %dma_wait3A_526 = tpu.memref_slice %arg15[%add3A_520] : memref<10240xf32, #tpu.memory_space<vmem_shared>> -> memref<80xf32, #tpu.memory_space<vmem_shared>>
    %dma_wait3A_527 = arith.constant 0 : i32
    %dma_wait3A_528 = tpu.memref_slice %arg17[%dma_wait3A_521, %dma_wait3A_527] : memref<4x80xf32, #tpu.memory_space<vmem>> -> memref<1x80xf32, #tpu.memory_space<vmem>>
    %dma_wait3A_529 = tpu.memref_squeeze %dma_wait3A_528 : memref<1x80xf32, #tpu.memory_space<vmem>> -> memref<80xf32, #tpu.memory_space<vmem>>
    tpu.wait_dma2 semaphore(%arg14 : memref<!tpu.dma_semaphore, #tpu.memory_space<semaphore_mem>>) src(%dma_wait3A_529 : memref<80xf32, #tpu.memory_space<vmem>>) dst(%dma_wait3A_526 : memref<80xf32, #tpu.memory_space<vmem_shared>>)
    %mul3A_530 = arith.constant 640 : i32
    %mul3A_531 = arith.muli %arg1, %mul3A_530 : i32
    %add3A_532 = arith.constant 400 : i32
    %add3A_533 = arith.addi %mul3A_531, %add3A_532 : i32
    %dma_wait3A_534 = arith.constant 0 : i32
    %dma_wait3A_535 = arith.constant 0 : i32
    %dma_wait3A_536 = arith.constant 0 : i32
    %dma_wait3A_537 = tpu.memref_slice %arg13[%dma_wait3A_534, %dma_wait3A_535, %dma_wait3A_536] : memref<4x80x128xf32, #tpu.memory_space<vmem>> -> memref<1x80x128xf32, #tpu.memory_space<vmem>>
    %dma_wait3A_538 = tpu.memref_squeeze %dma_wait3A_537 : memref<1x80x128xf32, #tpu.memory_space<vmem>> -> memref<80x128xf32, #tpu.memory_space<vmem>>
    %dma_wait3A_539 = arith.constant 0 : i32
    %dma_wait3A_540 = tpu.memref_slice %arg7[%add3A_533, %dma_wait3A_539] : memref<10240x128xf32, #tpu.memory_space<vmem_shared>> -> memref<80x128xf32, #tpu.memory_space<vmem_shared>>
    %dma_wait3A_541 = arith.constant 0 : i32
    %dma_wait3A_542 = tpu.memref_slice %arg7[%add3A_533, %dma_wait3A_541] : memref<10240x128xf32, #tpu.memory_space<vmem_shared>> -> memref<80x128xf32, #tpu.memory_space<vmem_shared>>
    %dma_wait3A_543 = arith.constant 0 : i32
    %dma_wait3A_544 = arith.constant 0 : i32
    %dma_wait3A_545 = tpu.memref_slice %arg13[%dma_wait3A_534, %dma_wait3A_543, %dma_wait3A_544] : memref<4x80x128xf32, #tpu.memory_space<vmem>> -> memref<1x80x128xf32, #tpu.memory_space<vmem>>
    %dma_wait3A_546 = tpu.memref_squeeze %dma_wait3A_545 : memref<1x80x128xf32, #tpu.memory_space<vmem>> -> memref<80x128xf32, #tpu.memory_space<vmem>>
    tpu.wait_dma2 semaphore(%arg12 : memref<!tpu.dma_semaphore, #tpu.memory_space<semaphore_mem>>) src(%dma_wait3A_546 : memref<80x128xf32, #tpu.memory_space<vmem>>) dst(%dma_wait3A_542 : memref<80x128xf32, #tpu.memory_space<vmem_shared>>)
    %mul3A_547 = arith.constant 640 : i32
    %mul3A_548 = arith.muli %arg1, %mul3A_547 : i32
    %add3A_549 = arith.constant 400 : i32
    %add3A_550 = arith.addi %mul3A_548, %add3A_549 : i32
    %dma_wait3A_551 = arith.constant 0 : i32
    %dma_wait3A_552 = arith.constant 0 : i32
    %dma_wait3A_553 = tpu.memref_slice %arg17[%dma_wait3A_551, %dma_wait3A_552] : memref<4x80xf32, #tpu.memory_space<vmem>> -> memref<1x80xf32, #tpu.memory_space<vmem>>
    %dma_wait3A_554 = tpu.memref_squeeze %dma_wait3A_553 : memref<1x80xf32, #tpu.memory_space<vmem>> -> memref<80xf32, #tpu.memory_space<vmem>>
    %dma_wait3A_555 = tpu.memref_slice %arg15[%add3A_550] : memref<10240xf32, #tpu.memory_space<vmem_shared>> -> memref<80xf32, #tpu.memory_space<vmem_shared>>
    %dma_wait3A_556 = tpu.memref_slice %arg15[%add3A_550] : memref<10240xf32, #tpu.memory_space<vmem_shared>> -> memref<80xf32, #tpu.memory_space<vmem_shared>>
    %dma_wait3A_557 = arith.constant 0 : i32
    %dma_wait3A_558 = tpu.memref_slice %arg17[%dma_wait3A_551, %dma_wait3A_557] : memref<4x80xf32, #tpu.memory_space<vmem>> -> memref<1x80xf32, #tpu.memory_space<vmem>>
    %dma_wait3A_559 = tpu.memref_squeeze %dma_wait3A_558 : memref<1x80xf32, #tpu.memory_space<vmem>> -> memref<80xf32, #tpu.memory_space<vmem>>
    tpu.wait_dma2 semaphore(%arg14 : memref<!tpu.dma_semaphore, #tpu.memory_space<semaphore_mem>>) src(%dma_wait3A_559 : memref<80xf32, #tpu.memory_space<vmem>>) dst(%dma_wait3A_556 : memref<80xf32, #tpu.memory_space<vmem_shared>>)
    %mul3A_560 = arith.constant 640 : i32
    %mul3A_561 = arith.muli %arg1, %mul3A_560 : i32
    %add3A_562 = arith.constant 480 : i32
    %add3A_563 = arith.addi %mul3A_561, %add3A_562 : i32
    %dma_wait3A_564 = arith.constant 0 : i32
    %dma_wait3A_565 = arith.constant 0 : i32
    %dma_wait3A_566 = arith.constant 0 : i32
    %dma_wait3A_567 = tpu.memref_slice %arg13[%dma_wait3A_564, %dma_wait3A_565, %dma_wait3A_566] : memref<4x80x128xf32, #tpu.memory_space<vmem>> -> memref<1x80x128xf32, #tpu.memory_space<vmem>>
    %dma_wait3A_568 = tpu.memref_squeeze %dma_wait3A_567 : memref<1x80x128xf32, #tpu.memory_space<vmem>> -> memref<80x128xf32, #tpu.memory_space<vmem>>
    %dma_wait3A_569 = arith.constant 0 : i32
    %dma_wait3A_570 = tpu.memref_slice %arg7[%add3A_563, %dma_wait3A_569] : memref<10240x128xf32, #tpu.memory_space<vmem_shared>> -> memref<80x128xf32, #tpu.memory_space<vmem_shared>>
    %dma_wait3A_571 = arith.constant 0 : i32
    %dma_wait3A_572 = tpu.memref_slice %arg7[%add3A_563, %dma_wait3A_571] : memref<10240x128xf32, #tpu.memory_space<vmem_shared>> -> memref<80x128xf32, #tpu.memory_space<vmem_shared>>
    %dma_wait3A_573 = arith.constant 0 : i32
    %dma_wait3A_574 = arith.constant 0 : i32
    %dma_wait3A_575 = tpu.memref_slice %arg13[%dma_wait3A_564, %dma_wait3A_573, %dma_wait3A_574] : memref<4x80x128xf32, #tpu.memory_space<vmem>> -> memref<1x80x128xf32, #tpu.memory_space<vmem>>
    %dma_wait3A_576 = tpu.memref_squeeze %dma_wait3A_575 : memref<1x80x128xf32, #tpu.memory_space<vmem>> -> memref<80x128xf32, #tpu.memory_space<vmem>>
    tpu.wait_dma2 semaphore(%arg12 : memref<!tpu.dma_semaphore, #tpu.memory_space<semaphore_mem>>) src(%dma_wait3A_576 : memref<80x128xf32, #tpu.memory_space<vmem>>) dst(%dma_wait3A_572 : memref<80x128xf32, #tpu.memory_space<vmem_shared>>)
    %mul3A_577 = arith.constant 640 : i32
    %mul3A_578 = arith.muli %arg1, %mul3A_577 : i32
    %add3A_579 = arith.constant 480 : i32
    %add3A_580 = arith.addi %mul3A_578, %add3A_579 : i32
    %dma_wait3A_581 = arith.constant 0 : i32
    %dma_wait3A_582 = arith.constant 0 : i32
    %dma_wait3A_583 = tpu.memref_slice %arg17[%dma_wait3A_581, %dma_wait3A_582] : memref<4x80xf32, #tpu.memory_space<vmem>> -> memref<1x80xf32, #tpu.memory_space<vmem>>
    %dma_wait3A_584 = tpu.memref_squeeze %dma_wait3A_583 : memref<1x80xf32, #tpu.memory_space<vmem>> -> memref<80xf32, #tpu.memory_space<vmem>>
    %dma_wait3A_585 = tpu.memref_slice %arg15[%add3A_580] : memref<10240xf32, #tpu.memory_space<vmem_shared>> -> memref<80xf32, #tpu.memory_space<vmem_shared>>
    %dma_wait3A_586 = tpu.memref_slice %arg15[%add3A_580] : memref<10240xf32, #tpu.memory_space<vmem_shared>> -> memref<80xf32, #tpu.memory_space<vmem_shared>>
    %dma_wait3A_587 = arith.constant 0 : i32
    %dma_wait3A_588 = tpu.memref_slice %arg17[%dma_wait3A_581, %dma_wait3A_587] : memref<4x80xf32, #tpu.memory_space<vmem>> -> memref<1x80xf32, #tpu.memory_space<vmem>>
    %dma_wait3A_589 = tpu.memref_squeeze %dma_wait3A_588 : memref<1x80xf32, #tpu.memory_space<vmem>> -> memref<80xf32, #tpu.memory_space<vmem>>
    tpu.wait_dma2 semaphore(%arg14 : memref<!tpu.dma_semaphore, #tpu.memory_space<semaphore_mem>>) src(%dma_wait3A_589 : memref<80xf32, #tpu.memory_space<vmem>>) dst(%dma_wait3A_586 : memref<80xf32, #tpu.memory_space<vmem_shared>>)
    %mul3A_590 = arith.constant 640 : i32
    %mul3A_591 = arith.muli %arg1, %mul3A_590 : i32
    %add3A_592 = arith.constant 560 : i32
    %add3A_593 = arith.addi %mul3A_591, %add3A_592 : i32
    %dma_wait3A_594 = arith.constant 0 : i32
    %dma_wait3A_595 = arith.constant 0 : i32
    %dma_wait3A_596 = arith.constant 0 : i32
    %dma_wait3A_597 = tpu.memref_slice %arg13[%dma_wait3A_594, %dma_wait3A_595, %dma_wait3A_596] : memref<4x80x128xf32, #tpu.memory_space<vmem>> -> memref<1x80x128xf32, #tpu.memory_space<vmem>>
    %dma_wait3A_598 = tpu.memref_squeeze %dma_wait3A_597 : memref<1x80x128xf32, #tpu.memory_space<vmem>> -> memref<80x128xf32, #tpu.memory_space<vmem>>
    %dma_wait3A_599 = arith.constant 0 : i32
    %dma_wait3A_600 = tpu.memref_slice %arg7[%add3A_593, %dma_wait3A_599] : memref<10240x128xf32, #tpu.memory_space<vmem_shared>> -> memref<80x128xf32, #tpu.memory_space<vmem_shared>>
    %dma_wait3A_601 = arith.constant 0 : i32
    %dma_wait3A_602 = tpu.memref_slice %arg7[%add3A_593, %dma_wait3A_601] : memref<10240x128xf32, #tpu.memory_space<vmem_shared>> -> memref<80x128xf32, #tpu.memory_space<vmem_shared>>
    %dma_wait3A_603 = arith.constant 0 : i32
    %dma_wait3A_604 = arith.constant 0 : i32
    %dma_wait3A_605 = tpu.memref_slice %arg13[%dma_wait3A_594, %dma_wait3A_603, %dma_wait3A_604] : memref<4x80x128xf32, #tpu.memory_space<vmem>> -> memref<1x80x128xf32, #tpu.memory_space<vmem>>
    %dma_wait3A_606 = tpu.memref_squeeze %dma_wait3A_605 : memref<1x80x128xf32, #tpu.memory_space<vmem>> -> memref<80x128xf32, #tpu.memory_space<vmem>>
    tpu.wait_dma2 semaphore(%arg12 : memref<!tpu.dma_semaphore, #tpu.memory_space<semaphore_mem>>) src(%dma_wait3A_606 : memref<80x128xf32, #tpu.memory_space<vmem>>) dst(%dma_wait3A_602 : memref<80x128xf32, #tpu.memory_space<vmem_shared>>)
    %mul3A_607 = arith.constant 640 : i32
    %mul3A_608 = arith.muli %arg1, %mul3A_607 : i32
    %add3A_609 = arith.constant 560 : i32
    %add3A_610 = arith.addi %mul3A_608, %add3A_609 : i32
    %dma_wait3A_611 = arith.constant 0 : i32
    %dma_wait3A_612 = arith.constant 0 : i32
    %dma_wait3A_613 = tpu.memref_slice %arg17[%dma_wait3A_611, %dma_wait3A_612] : memref<4x80xf32, #tpu.memory_space<vmem>> -> memref<1x80xf32, #tpu.memory_space<vmem>>
    %dma_wait3A_614 = tpu.memref_squeeze %dma_wait3A_613 : memref<1x80xf32, #tpu.memory_space<vmem>> -> memref<80xf32, #tpu.memory_space<vmem>>
    %dma_wait3A_615 = tpu.memref_slice %arg15[%add3A_610] : memref<10240xf32, #tpu.memory_space<vmem_shared>> -> memref<80xf32, #tpu.memory_space<vmem_shared>>
    %dma_wait3A_616 = tpu.memref_slice %arg15[%add3A_610] : memref<10240xf32, #tpu.memory_space<vmem_shared>> -> memref<80xf32, #tpu.memory_space<vmem_shared>>
    %dma_wait3A_617 = arith.constant 0 : i32
    %dma_wait3A_618 = tpu.memref_slice %arg17[%dma_wait3A_611, %dma_wait3A_617] : memref<4x80xf32, #tpu.memory_space<vmem>> -> memref<1x80xf32, #tpu.memory_space<vmem>>
    %dma_wait3A_619 = tpu.memref_squeeze %dma_wait3A_618 : memref<1x80xf32, #tpu.memory_space<vmem>> -> memref<80xf32, #tpu.memory_space<vmem>>
    tpu.wait_dma2 semaphore(%arg14 : memref<!tpu.dma_semaphore, #tpu.memory_space<semaphore_mem>>) src(%dma_wait3A_619 : memref<80xf32, #tpu.memory_space<vmem>>) dst(%dma_wait3A_616 : memref<80xf32, #tpu.memory_space<vmem_shared>>)
    %barrier3A = arith.constant 0 : index
    tpu.barrier barrier_id(%barrier3A)
    %add3A_620 = arith.constant 0 : i32
    %add3A_621 = arith.addi %mul3A_2, %add3A_620 : i32
    %dma_wait3A_622 = arith.constant 0 : i32
    %dma_wait3A_623 = arith.constant 0 : i32
    %dma_wait3A_624 = tpu.memref_slice %arg11[%dma_wait3A_622, %dma_wait3A_623] : memref<8x80xi32, #tpu.memory_space<vmem>> -> memref<1x80xi32, #tpu.memory_space<vmem>>
    %dma_wait3A_625 = tpu.memref_squeeze %dma_wait3A_624 : memref<1x80xi32, #tpu.memory_space<vmem>> -> memref<80xi32, #tpu.memory_space<vmem>>
    %dma_wait3A_626 = tpu.memref_slice %arg2[%add3A_621] : memref<640000xi32, #tpu.memory_space<hbm>> -> memref<80xi32, #tpu.memory_space<hbm>>
    %dma_wait3A_627 = arith.constant 0 : i32
    %dma_wait3A_628 = tpu.memref_slice %arg11[%dma_wait3A_622, %dma_wait3A_627] : memref<8x80xi32, #tpu.memory_space<vmem>> -> memref<1x80xi32, #tpu.memory_space<vmem>>
    %dma_wait3A_629 = tpu.memref_squeeze %dma_wait3A_628 : memref<1x80xi32, #tpu.memory_space<vmem>> -> memref<80xi32, #tpu.memory_space<vmem>>
    %dma_wait3A_630 = tpu.memref_slice %arg2[%add3A_621] : memref<640000xi32, #tpu.memory_space<hbm>> -> memref<80xi32, #tpu.memory_space<hbm>>
    tpu.wait_dma2 semaphore(%arg10 : memref<!tpu.dma_semaphore, #tpu.memory_space<semaphore_mem>>) src(%dma_wait3A_630 : memref<80xi32, #tpu.memory_space<hbm>>) dst(%dma_wait3A_629 : memref<80xi32, #tpu.memory_space<vmem>>)
    %add3A_631 = arith.constant 320000 : i32
    %add3A_632 = arith.addi %add3A_631, %mul3A_2 : i32
    %add3A_633 = arith.constant 0 : i32
    %add3A_634 = arith.addi %add3A_632, %add3A_633 : i32
    %dma_wait3A_635 = arith.constant 0 : i32
    %dma_wait3A_636 = arith.constant 0 : i32
    %dma_wait3A_637 = tpu.memref_slice %arg8[%dma_wait3A_635, %dma_wait3A_636] : memref<8x80xi32, #tpu.memory_space<vmem>> -> memref<1x80xi32, #tpu.memory_space<vmem>>
    %dma_wait3A_638 = tpu.memref_squeeze %dma_wait3A_637 : memref<1x80xi32, #tpu.memory_space<vmem>> -> memref<80xi32, #tpu.memory_space<vmem>>
    %dma_wait3A_639 = tpu.memref_slice %arg2[%add3A_634] : memref<640000xi32, #tpu.memory_space<hbm>> -> memref<80xi32, #tpu.memory_space<hbm>>
    %dma_wait3A_640 = arith.constant 0 : i32
    %dma_wait3A_641 = tpu.memref_slice %arg8[%dma_wait3A_635, %dma_wait3A_640] : memref<8x80xi32, #tpu.memory_space<vmem>> -> memref<1x80xi32, #tpu.memory_space<vmem>>
    %dma_wait3A_642 = tpu.memref_squeeze %dma_wait3A_641 : memref<1x80xi32, #tpu.memory_space<vmem>> -> memref<80xi32, #tpu.memory_space<vmem>>
    %dma_wait3A_643 = tpu.memref_slice %arg2[%add3A_634] : memref<640000xi32, #tpu.memory_space<hbm>> -> memref<80xi32, #tpu.memory_space<hbm>>
    tpu.wait_dma2 semaphore(%arg10 : memref<!tpu.dma_semaphore, #tpu.memory_space<semaphore_mem>>) src(%dma_wait3A_643 : memref<80xi32, #tpu.memory_space<hbm>>) dst(%dma_wait3A_642 : memref<80xi32, #tpu.memory_space<vmem>>)
    %dma_start3A_644 = arith.constant 0 : i32
    %dma_start3A_645 = arith.constant 0 : i32
    %dma_start3A_646 = arith.constant 0 : i32
    %dma_start3A_647 = arith.constant 0 : i32
    %dma_start3A_648 = tpu.memref_slice %arg13[%dma_start3A_645, %dma_start3A_646, %dma_start3A_647] : memref<4x80x128xf32, #tpu.memory_space<vmem>> -> memref<1x80x128xf32, #tpu.memory_space<vmem>>
    %dma_start3A_649 = tpu.memref_squeeze %dma_start3A_648 : memref<1x80x128xf32, #tpu.memory_space<vmem>> -> memref<80x128xf32, #tpu.memory_space<vmem>>
    %dma_start3A_650 = arith.constant 0 : i32
    %dma_start3A_651 = tpu.memref_slice %arg11[%dma_start3A_644, %dma_start3A_650] : memref<8x80xi32, #tpu.memory_space<vmem>> -> memref<1x80xi32, #tpu.memory_space<vmem>>
    %dma_start3A_652 = tpu.memref_squeeze %dma_start3A_651 : memref<1x80xi32, #tpu.memory_space<vmem>> -> memref<80xi32, #tpu.memory_space<vmem>>
    %dma_start3A_653 = arith.constant 0 : i32
    %dma_start3A_654 = arith.constant 0 : i32
    %dma_start3A_655 = tpu.memref_slice %arg3[%dma_start3A_653, %dma_start3A_654] : memref<10240x128xf32, #tpu.memory_space<hbm>> -> memref<10240x128xf32, #tpu.memory_space<hbm>>
    tpu.enqueue_indirect_dma source(%dma_start3A_655 : memref<10240x128xf32, #tpu.memory_space<hbm>>) target(%dma_start3A_649 : memref<80x128xf32, #tpu.memory_space<vmem>>) offsets(%dma_start3A_652 : memref<80xi32, #tpu.memory_space<vmem>>) semaphore(%arg9 : memref<!tpu.dma_semaphore, #tpu.memory_space<semaphore_mem>>)
    %dma_start3A_656 = arith.constant 0 : i32
    %dma_start3A_657 = arith.constant 0 : i32
    %dma_start3A_658 = arith.constant 0 : i32
    %dma_start3A_659 = tpu.memref_slice %arg17[%dma_start3A_657, %dma_start3A_658] : memref<4x80xf32, #tpu.memory_space<vmem>> -> memref<1x80xf32, #tpu.memory_space<vmem>>
    %dma_start3A_660 = tpu.memref_squeeze %dma_start3A_659 : memref<1x80xf32, #tpu.memory_space<vmem>> -> memref<80xf32, #tpu.memory_space<vmem>>
    %dma_start3A_661 = arith.constant 0 : i32
    %dma_start3A_662 = tpu.memref_slice %arg8[%dma_start3A_656, %dma_start3A_661] : memref<8x80xi32, #tpu.memory_space<vmem>> -> memref<1x80xi32, #tpu.memory_space<vmem>>
    %dma_start3A_663 = tpu.memref_squeeze %dma_start3A_662 : memref<1x80xi32, #tpu.memory_space<vmem>> -> memref<80xi32, #tpu.memory_space<vmem>>
    %dma_start3A_664 = arith.constant 0 : i32
    %dma_start3A_665 = tpu.memref_slice %arg4[%dma_start3A_664] : memref<10240xf32, #tpu.memory_space<hbm>> -> memref<10240xf32, #tpu.memory_space<hbm>>
    tpu.enqueue_indirect_dma source(%dma_start3A_665 : memref<10240xf32, #tpu.memory_space<hbm>>) target(%dma_start3A_660 : memref<80xf32, #tpu.memory_space<vmem>>) offsets(%dma_start3A_663 : memref<80xi32, #tpu.memory_space<vmem>>) semaphore(%arg16 : memref<!tpu.dma_semaphore, #tpu.memory_space<semaphore_mem>>)
    %add3A_666 = arith.constant 80 : i32
    %add3A_667 = arith.addi %mul3A_2, %add3A_666 : i32
    %dma_wait3A_668 = arith.constant 1 : i32
    %dma_wait3A_669 = arith.constant 0 : i32
    %dma_wait3A_670 = tpu.memref_slice %arg11[%dma_wait3A_668, %dma_wait3A_669] : memref<8x80xi32, #tpu.memory_space<vmem>> -> memref<1x80xi32, #tpu.memory_space<vmem>>
    %dma_wait3A_671 = tpu.memref_squeeze %dma_wait3A_670 : memref<1x80xi32, #tpu.memory_space<vmem>> -> memref<80xi32, #tpu.memory_space<vmem>>
    %dma_wait3A_672 = tpu.memref_slice %arg2[%add3A_667] : memref<640000xi32, #tpu.memory_space<hbm>> -> memref<80xi32, #tpu.memory_space<hbm>>
    %dma_wait3A_673 = arith.constant 0 : i32
    %dma_wait3A_674 = tpu.memref_slice %arg11[%dma_wait3A_668, %dma_wait3A_673] : memref<8x80xi32, #tpu.memory_space<vmem>> -> memref<1x80xi32, #tpu.memory_space<vmem>>
    %dma_wait3A_675 = tpu.memref_squeeze %dma_wait3A_674 : memref<1x80xi32, #tpu.memory_space<vmem>> -> memref<80xi32, #tpu.memory_space<vmem>>
    %dma_wait3A_676 = tpu.memref_slice %arg2[%add3A_667] : memref<640000xi32, #tpu.memory_space<hbm>> -> memref<80xi32, #tpu.memory_space<hbm>>
    tpu.wait_dma2 semaphore(%arg10 : memref<!tpu.dma_semaphore, #tpu.memory_space<semaphore_mem>>) src(%dma_wait3A_676 : memref<80xi32, #tpu.memory_space<hbm>>) dst(%dma_wait3A_675 : memref<80xi32, #tpu.memory_space<vmem>>)
    %add3A_677 = arith.constant 320000 : i32
    %add3A_678 = arith.addi %add3A_677, %mul3A_2 : i32
    %add3A_679 = arith.constant 80 : i32
    %add3A_680 = arith.addi %add3A_678, %add3A_679 : i32
    %dma_wait3A_681 = arith.constant 1 : i32
    %dma_wait3A_682 = arith.constant 0 : i32
    %dma_wait3A_683 = tpu.memref_slice %arg8[%dma_wait3A_681, %dma_wait3A_682] : memref<8x80xi32, #tpu.memory_space<vmem>> -> memref<1x80xi32, #tpu.memory_space<vmem>>
    %dma_wait3A_684 = tpu.memref_squeeze %dma_wait3A_683 : memref<1x80xi32, #tpu.memory_space<vmem>> -> memref<80xi32, #tpu.memory_space<vmem>>
    %dma_wait3A_685 = tpu.memref_slice %arg2[%add3A_680] : memref<640000xi32, #tpu.memory_space<hbm>> -> memref<80xi32, #tpu.memory_space<hbm>>
    %dma_wait3A_686 = arith.constant 0 : i32
    %dma_wait3A_687 = tpu.memref_slice %arg8[%dma_wait3A_681, %dma_wait3A_686] : memref<8x80xi32, #tpu.memory_space<vmem>> -> memref<1x80xi32, #tpu.memory_space<vmem>>
    %dma_wait3A_688 = tpu.memref_squeeze %dma_wait3A_687 : memref<1x80xi32, #tpu.memory_space<vmem>> -> memref<80xi32, #tpu.memory_space<vmem>>
    %dma_wait3A_689 = tpu.memref_slice %arg2[%add3A_680] : memref<640000xi32, #tpu.memory_space<hbm>> -> memref<80xi32, #tpu.memory_space<hbm>>
    tpu.wait_dma2 semaphore(%arg10 : memref<!tpu.dma_semaphore, #tpu.memory_space<semaphore_mem>>) src(%dma_wait3A_689 : memref<80xi32, #tpu.memory_space<hbm>>) dst(%dma_wait3A_688 : memref<80xi32, #tpu.memory_space<vmem>>)
    %dma_start3A_690 = arith.constant 1 : i32
    %dma_start3A_691 = arith.constant 1 : i32
    %dma_start3A_692 = arith.constant 0 : i32
    %dma_start3A_693 = arith.constant 0 : i32
    %dma_start3A_694 = tpu.memref_slice %arg13[%dma_start3A_691, %dma_start3A_692, %dma_start3A_693] : memref<4x80x128xf32, #tpu.memory_space<vmem>> -> memref<1x80x128xf32, #tpu.memory_space<vmem>>
    %dma_start3A_695 = tpu.memref_squeeze %dma_start3A_694 : memref<1x80x128xf32, #tpu.memory_space<vmem>> -> memref<80x128xf32, #tpu.memory_space<vmem>>
    %dma_start3A_696 = arith.constant 0 : i32
    %dma_start3A_697 = tpu.memref_slice %arg11[%dma_start3A_690, %dma_start3A_696] : memref<8x80xi32, #tpu.memory_space<vmem>> -> memref<1x80xi32, #tpu.memory_space<vmem>>
    %dma_start3A_698 = tpu.memref_squeeze %dma_start3A_697 : memref<1x80xi32, #tpu.memory_space<vmem>> -> memref<80xi32, #tpu.memory_space<vmem>>
    %dma_start3A_699 = arith.constant 0 : i32
    %dma_start3A_700 = arith.constant 0 : i32
    %dma_start3A_701 = tpu.memref_slice %arg3[%dma_start3A_699, %dma_start3A_700] : memref<10240x128xf32, #tpu.memory_space<hbm>> -> memref<10240x128xf32, #tpu.memory_space<hbm>>
    tpu.enqueue_indirect_dma source(%dma_start3A_701 : memref<10240x128xf32, #tpu.memory_space<hbm>>) target(%dma_start3A_695 : memref<80x128xf32, #tpu.memory_space<vmem>>) offsets(%dma_start3A_698 : memref<80xi32, #tpu.memory_space<vmem>>) semaphore(%arg9 : memref<!tpu.dma_semaphore, #tpu.memory_space<semaphore_mem>>)
    %dma_start3A_702 = arith.constant 1 : i32
    %dma_start3A_703 = arith.constant 1 : i32
    %dma_start3A_704 = arith.constant 0 : i32
    %dma_start3A_705 = tpu.memref_slice %arg17[%dma_start3A_703, %dma_start3A_704] : memref<4x80xf32, #tpu.memory_space<vmem>> -> memref<1x80xf32, #tpu.memory_space<vmem>>
    %dma_start3A_706 = tpu.memref_squeeze %dma_start3A_705 : memref<1x80xf32, #tpu.memory_space<vmem>> -> memref<80xf32, #tpu.memory_space<vmem>>
    %dma_start3A_707 = arith.constant 0 : i32
    %dma_start3A_708 = tpu.memref_slice %arg8[%dma_start3A_702, %dma_start3A_707] : memref<8x80xi32, #tpu.memory_space<vmem>> -> memref<1x80xi32, #tpu.memory_space<vmem>>
    %dma_start3A_709 = tpu.memref_squeeze %dma_start3A_708 : memref<1x80xi32, #tpu.memory_space<vmem>> -> memref<80xi32, #tpu.memory_space<vmem>>
    %dma_start3A_710 = arith.constant 0 : i32
    %dma_start3A_711 = tpu.memref_slice %arg4[%dma_start3A_710] : memref<10240xf32, #tpu.memory_space<hbm>> -> memref<10240xf32, #tpu.memory_space<hbm>>
    tpu.enqueue_indirect_dma source(%dma_start3A_711 : memref<10240xf32, #tpu.memory_space<hbm>>) target(%dma_start3A_706 : memref<80xf32, #tpu.memory_space<vmem>>) offsets(%dma_start3A_709 : memref<80xi32, #tpu.memory_space<vmem>>) semaphore(%arg16 : memref<!tpu.dma_semaphore, #tpu.memory_space<semaphore_mem>>)
    %scan3A_712 = arith.constant 0 : i32
    %scan3A_713 = arith.constant 0 : i32
    %scan3A_714 = arith.constant 125 : i32
    %scan3A_715 = arith.addi %scan3A_713, %scan3A_714 : i32
    %scan3A_716 = arith.constant 1 : i32
    scf.for %scan3A_813 = %scan3A_713 to %scan3A_715 step %scan3A_716  : i32 {
      %rem3A = arith.constant 4 : i32
      %rem3A_814 = arith.remsi %scan3A_813, %rem3A : i32
      %rem3A_815 = arith.constant 8 : i32
      %rem3A_816 = arith.remsi %scan3A_813, %rem3A_815 : i32
      %dma_wait3A_817 = arith.constant 0 : i32
      %dma_wait3A_818 = arith.constant 0 : i32
      %dma_wait3A_819 = tpu.memref_slice %arg13[%rem3A_814, %dma_wait3A_817, %dma_wait3A_818] : memref<4x80x128xf32, #tpu.memory_space<vmem>> -> memref<1x80x128xf32, #tpu.memory_space<vmem>>
      %dma_wait3A_820 = tpu.memref_squeeze %dma_wait3A_819 : memref<1x80x128xf32, #tpu.memory_space<vmem>> -> memref<80x128xf32, #tpu.memory_space<vmem>>
      %dma_wait3A_821 = arith.constant 0 : i32
      %dma_wait3A_822 = tpu.memref_slice %arg11[%rem3A_816, %dma_wait3A_821] : memref<8x80xi32, #tpu.memory_space<vmem>> -> memref<1x80xi32, #tpu.memory_space<vmem>>
      %dma_wait3A_823 = tpu.memref_squeeze %dma_wait3A_822 : memref<1x80xi32, #tpu.memory_space<vmem>> -> memref<80xi32, #tpu.memory_space<vmem>>
      %dma_wait3A_824 = arith.constant 0 : i32
      %dma_wait3A_825 = arith.constant 0 : i32
      %dma_wait3A_826 = tpu.memref_slice %arg3[%dma_wait3A_824, %dma_wait3A_825] : memref<10240x128xf32, #tpu.memory_space<hbm>> -> memref<10240x128xf32, #tpu.memory_space<hbm>>
      tpu.wait_indirect_dma semaphore(%arg9 : memref<!tpu.dma_semaphore, #tpu.memory_space<semaphore_mem>>) src(%dma_wait3A_826 : memref<10240x128xf32, #tpu.memory_space<hbm>>) dst(%dma_wait3A_820 : memref<80x128xf32, #tpu.memory_space<vmem>>)
      %dma_wait3A_827 = arith.constant 0 : i32
      %dma_wait3A_828 = tpu.memref_slice %arg17[%rem3A_814, %dma_wait3A_827] : memref<4x80xf32, #tpu.memory_space<vmem>> -> memref<1x80xf32, #tpu.memory_space<vmem>>
      %dma_wait3A_829 = tpu.memref_squeeze %dma_wait3A_828 : memref<1x80xf32, #tpu.memory_space<vmem>> -> memref<80xf32, #tpu.memory_space<vmem>>
      %dma_wait3A_830 = arith.constant 0 : i32
      %dma_wait3A_831 = tpu.memref_slice %arg8[%rem3A_816, %dma_wait3A_830] : memref<8x80xi32, #tpu.memory_space<vmem>> -> memref<1x80xi32, #tpu.memory_space<vmem>>
      %dma_wait3A_832 = tpu.memref_squeeze %dma_wait3A_831 : memref<1x80xi32, #tpu.memory_space<vmem>> -> memref<80xi32, #tpu.memory_space<vmem>>
      %dma_wait3A_833 = arith.constant 0 : i32
      %dma_wait3A_834 = tpu.memref_slice %arg4[%dma_wait3A_833] : memref<10240xf32, #tpu.memory_space<hbm>> -> memref<10240xf32, #tpu.memory_space<hbm>>
      tpu.wait_indirect_dma semaphore(%arg16 : memref<!tpu.dma_semaphore, #tpu.memory_space<semaphore_mem>>) src(%dma_wait3A_834 : memref<10240xf32, #tpu.memory_space<hbm>>) dst(%dma_wait3A_829 : memref<80xf32, #tpu.memory_space<vmem>>)
      %dma_start3A_835 = arith.constant 0 : i32
      %dma_start3A_836 = arith.constant 0 : i32
      %dma_start3A_837 = tpu.memref_slice %arg13[%rem3A_814, %dma_start3A_835, %dma_start3A_836] : memref<4x80x128xf32, #tpu.memory_space<vmem>> -> memref<1x80x128xf32, #tpu.memory_space<vmem>>
      %dma_start3A_838 = tpu.memref_squeeze %dma_start3A_837 : memref<1x80x128xf32, #tpu.memory_space<vmem>> -> memref<80x128xf32, #tpu.memory_space<vmem>>
      %dma_start3A_839 = arith.constant 0 : i32
      %dma_start3A_840 = tpu.memref_slice %arg8[%rem3A_816, %dma_start3A_839] : memref<8x80xi32, #tpu.memory_space<vmem>> -> memref<1x80xi32, #tpu.memory_space<vmem>>
      %dma_start3A_841 = tpu.memref_squeeze %dma_start3A_840 : memref<1x80xi32, #tpu.memory_space<vmem>> -> memref<80xi32, #tpu.memory_space<vmem>>
      %dma_start3A_842 = arith.constant 0 : i32
      %dma_start3A_843 = arith.constant 0 : i32
      %dma_start3A_844 = tpu.memref_slice %arg7[%dma_start3A_842, %dma_start3A_843] : memref<10240x128xf32, #tpu.memory_space<vmem_shared>> -> memref<10240x128xf32, #tpu.memory_space<vmem_shared>>
      tpu.enqueue_indirect_dma source(%dma_start3A_838 : memref<80x128xf32, #tpu.memory_space<vmem>>) target(%dma_start3A_844 : memref<10240x128xf32, #tpu.memory_space<vmem_shared>>) offsets(%dma_start3A_841 : memref<80xi32, #tpu.memory_space<vmem>>) semaphore(%arg12 : memref<!tpu.dma_semaphore, #tpu.memory_space<semaphore_mem>>) {add = true}
      %dma_start3A_845 = arith.constant 0 : i32
      %dma_start3A_846 = tpu.memref_slice %arg17[%rem3A_814, %dma_start3A_845] : memref<4x80xf32, #tpu.memory_space<vmem>> -> memref<1x80xf32, #tpu.memory_space<vmem>>
      %dma_start3A_847 = tpu.memref_squeeze %dma_start3A_846 : memref<1x80xf32, #tpu.memory_space<vmem>> -> memref<80xf32, #tpu.memory_space<vmem>>
      %dma_start3A_848 = arith.constant 0 : i32
      %dma_start3A_849 = tpu.memref_slice %arg11[%rem3A_816, %dma_start3A_848] : memref<8x80xi32, #tpu.memory_space<vmem>> -> memref<1x80xi32, #tpu.memory_space<vmem>>
      %dma_start3A_850 = tpu.memref_squeeze %dma_start3A_849 : memref<1x80xi32, #tpu.memory_space<vmem>> -> memref<80xi32, #tpu.memory_space<vmem>>
      %dma_start3A_851 = arith.constant 0 : i32
      %dma_start3A_852 = tpu.memref_slice %arg15[%dma_start3A_851] : memref<10240xf32, #tpu.memory_space<vmem_shared>> -> memref<10240xf32, #tpu.memory_space<vmem_shared>>
      tpu.enqueue_indirect_dma source(%dma_start3A_847 : memref<80xf32, #tpu.memory_space<vmem>>) target(%dma_start3A_852 : memref<10240xf32, #tpu.memory_space<vmem_shared>>) offsets(%dma_start3A_850 : memref<80xi32, #tpu.memory_space<vmem>>) semaphore(%arg14 : memref<!tpu.dma_semaphore, #tpu.memory_space<semaphore_mem>>) {add = true}
      %add3A_853 = arith.constant 4 : i32
      %add3A_854 = arith.addi %scan3A_813, %add3A_853 : i32
      %lt3A = arith.constant 125 : i32
      %lt3A_855 = arith.cmpi slt, %add3A_854, %lt3A : i32
      %convert_element_type3A_856 = arith.extui %lt3A_855 : i1 to i32
      %cond3A_857 = arith.constant 0 : i32
      %cond3A_858 = arith.cmpi ne, %convert_element_type3A_856, %cond3A_857 : i32
      scf.if %cond3A_858 {
        %add3A_874 = arith.constant 4 : i32
        %add3A_875 = arith.addi %scan3A_813, %add3A_874 : i32
        %add3A_876 = arith.constant 4 : i32
        %add3A_877 = arith.addi %scan3A_813, %add3A_876 : i32
        %rem3A_878 = arith.constant 8 : i32
        %rem3A_879 = arith.remsi %add3A_877, %rem3A_878 : i32
        %mul3A_880 = arith.constant 80 : i32
        %mul3A_881 = arith.muli %add3A_875, %mul3A_880 : i32
        %add3A_882 = arith.addi %mul3A_2, %mul3A_881 : i32
        %dma_start3A_883 = arith.constant 0 : i32
        %dma_start3A_884 = tpu.memref_slice %arg11[%rem3A_879, %dma_start3A_883] : memref<8x80xi32, #tpu.memory_space<vmem>> -> memref<1x80xi32, #tpu.memory_space<vmem>>
        %dma_start3A_885 = tpu.memref_squeeze %dma_start3A_884 : memref<1x80xi32, #tpu.memory_space<vmem>> -> memref<80xi32, #tpu.memory_space<vmem>>
        %dma_start3A_886 = tpu.memref_slice %arg2[%add3A_882] : memref<640000xi32, #tpu.memory_space<hbm>> -> memref<80xi32, #tpu.memory_space<hbm>>
        %dma_start3A_887 = arith.constant 0 : i32
        %dma_start3A_888 = tpu.memref_slice %arg11[%rem3A_879, %dma_start3A_887] : memref<8x80xi32, #tpu.memory_space<vmem>> -> memref<1x80xi32, #tpu.memory_space<vmem>>
        %dma_start3A_889 = tpu.memref_squeeze %dma_start3A_888 : memref<1x80xi32, #tpu.memory_space<vmem>> -> memref<80xi32, #tpu.memory_space<vmem>>
        %dma_start3A_890 = tpu.memref_slice %arg2[%add3A_882] : memref<640000xi32, #tpu.memory_space<hbm>> -> memref<80xi32, #tpu.memory_space<hbm>>
        tpu.enqueue_dma source(%dma_start3A_890 : memref<80xi32, #tpu.memory_space<hbm>>) target(%dma_start3A_889 : memref<80xi32, #tpu.memory_space<vmem>>) target_semaphore(%arg10 : memref<!tpu.dma_semaphore, #tpu.memory_space<semaphore_mem>>)
        %add3A_891 = arith.constant 320000 : i32
        %add3A_892 = arith.addi %add3A_891, %mul3A_2 : i32
        %mul3A_893 = arith.constant 80 : i32
        %mul3A_894 = arith.muli %add3A_875, %mul3A_893 : i32
        %add3A_895 = arith.addi %add3A_892, %mul3A_894 : i32
        %dma_start3A_896 = arith.constant 0 : i32
        %dma_start3A_897 = tpu.memref_slice %arg8[%rem3A_879, %dma_start3A_896] : memref<8x80xi32, #tpu.memory_space<vmem>> -> memref<1x80xi32, #tpu.memory_space<vmem>>
        %dma_start3A_898 = tpu.memref_squeeze %dma_start3A_897 : memref<1x80xi32, #tpu.memory_space<vmem>> -> memref<80xi32, #tpu.memory_space<vmem>>
        %dma_start3A_899 = tpu.memref_slice %arg2[%add3A_895] : memref<640000xi32, #tpu.memory_space<hbm>> -> memref<80xi32, #tpu.memory_space<hbm>>
        %dma_start3A_900 = arith.constant 0 : i32
        %dma_start3A_901 = tpu.memref_slice %arg8[%rem3A_879, %dma_start3A_900] : memref<8x80xi32, #tpu.memory_space<vmem>> -> memref<1x80xi32, #tpu.memory_space<vmem>>
        %dma_start3A_902 = tpu.memref_squeeze %dma_start3A_901 : memref<1x80xi32, #tpu.memory_space<vmem>> -> memref<80xi32, #tpu.memory_space<vmem>>
        %dma_start3A_903 = tpu.memref_slice %arg2[%add3A_895] : memref<640000xi32, #tpu.memory_space<hbm>> -> memref<80xi32, #tpu.memory_space<hbm>>
        tpu.enqueue_dma source(%dma_start3A_903 : memref<80xi32, #tpu.memory_space<hbm>>) target(%dma_start3A_902 : memref<80xi32, #tpu.memory_space<vmem>>) target_semaphore(%arg10 : memref<!tpu.dma_semaphore, #tpu.memory_space<semaphore_mem>>)
      } else {
      }
      %add3A_859 = arith.constant 2 : i32
      %add3A_860 = arith.addi %scan3A_813, %add3A_859 : i32
      %lt3A_861 = arith.constant 125 : i32
      %lt3A_862 = arith.cmpi slt, %add3A_860, %lt3A_861 : i32
      %ge3A = arith.constant 2 : i32
      %ge3A_863 = arith.cmpi sge, %scan3A_813, %ge3A : i32
      %and3A = arith.andi %lt3A_862, %ge3A_863 : i1
      %convert_element_type3A_864 = arith.extui %and3A : i1 to i32
      %cond3A_865 = arith.constant 0 : i32
      %cond3A_866 = arith.cmpi ne, %convert_element_type3A_864, %cond3A_865 : i32
      scf.if %cond3A_866 {
        %add3A_874 = arith.constant 2 : i32
        %add3A_875 = arith.addi %scan3A_813, %add3A_874 : i32
        %rem3A_876 = arith.constant 4 : i32
        %rem3A_877 = arith.remsi %add3A_875, %rem3A_876 : i32
        %dma_wait3A_878 = arith.constant 0 : i32
        %dma_wait3A_879 = arith.constant 0 : i32
        %dma_wait3A_880 = tpu.memref_slice %arg13[%rem3A_877, %dma_wait3A_878, %dma_wait3A_879] : memref<4x80x128xf32, #tpu.memory_space<vmem>> -> memref<1x80x128xf32, #tpu.memory_space<vmem>>
        %dma_wait3A_881 = tpu.memref_squeeze %dma_wait3A_880 : memref<1x80x128xf32, #tpu.memory_space<vmem>> -> memref<80x128xf32, #tpu.memory_space<vmem>>
        %dma_wait3A_882 = arith.constant 0 : i32
        %dma_wait3A_883 = tpu.memref_slice %arg8[%rem3A_816, %dma_wait3A_882] : memref<8x80xi32, #tpu.memory_space<vmem>> -> memref<1x80xi32, #tpu.memory_space<vmem>>
        %dma_wait3A_884 = tpu.memref_squeeze %dma_wait3A_883 : memref<1x80xi32, #tpu.memory_space<vmem>> -> memref<80xi32, #tpu.memory_space<vmem>>
        %dma_wait3A_885 = arith.constant 0 : i32
        %dma_wait3A_886 = arith.constant 0 : i32
        %dma_wait3A_887 = tpu.memref_slice %arg7[%dma_wait3A_885, %dma_wait3A_886] : memref<10240x128xf32, #tpu.memory_space<vmem_shared>> -> memref<10240x128xf32, #tpu.memory_space<vmem_shared>>
        tpu.wait_indirect_dma semaphore(%arg12 : memref<!tpu.dma_semaphore, #tpu.memory_space<semaphore_mem>>) src(%dma_wait3A_881 : memref<80x128xf32, #tpu.memory_space<vmem>>) dst(%dma_wait3A_887 : memref<10240x128xf32, #tpu.memory_space<vmem_shared>>)
        %dma_wait3A_888 = arith.constant 0 : i32
        %dma_wait3A_889 = tpu.memref_slice %arg17[%rem3A_877, %dma_wait3A_888] : memref<4x80xf32, #tpu.memory_space<vmem>> -> memref<1x80xf32, #tpu.memory_space<vmem>>
        %dma_wait3A_890 = tpu.memref_squeeze %dma_wait3A_889 : memref<1x80xf32, #tpu.memory_space<vmem>> -> memref<80xf32, #tpu.memory_space<vmem>>
        %dma_wait3A_891 = arith.constant 0 : i32
        %dma_wait3A_892 = tpu.memref_slice %arg11[%rem3A_816, %dma_wait3A_891] : memref<8x80xi32, #tpu.memory_space<vmem>> -> memref<1x80xi32, #tpu.memory_space<vmem>>
        %dma_wait3A_893 = tpu.memref_squeeze %dma_wait3A_892 : memref<1x80xi32, #tpu.memory_space<vmem>> -> memref<80xi32, #tpu.memory_space<vmem>>
        %dma_wait3A_894 = arith.constant 0 : i32
        %dma_wait3A_895 = tpu.memref_slice %arg15[%dma_wait3A_894] : memref<10240xf32, #tpu.memory_space<vmem_shared>> -> memref<10240xf32, #tpu.memory_space<vmem_shared>>
        tpu.wait_indirect_dma semaphore(%arg14 : memref<!tpu.dma_semaphore, #tpu.memory_space<semaphore_mem>>) src(%dma_wait3A_890 : memref<80xf32, #tpu.memory_space<vmem>>) dst(%dma_wait3A_895 : memref<10240xf32, #tpu.memory_space<vmem_shared>>)
      } else {
      }
      %add3A_867 = arith.constant 2 : i32
      %add3A_868 = arith.addi %scan3A_813, %add3A_867 : i32
      %lt3A_869 = arith.constant 125 : i32
      %lt3A_870 = arith.cmpi slt, %add3A_868, %lt3A_869 : i32
      %convert_element_type3A_871 = arith.extui %lt3A_870 : i1 to i32
      %cond3A_872 = arith.constant 0 : i32
      %cond3A_873 = arith.cmpi ne, %convert_element_type3A_871, %cond3A_872 : i32
      scf.if %cond3A_873 {
        %add3A_874 = arith.constant 2 : i32
        %add3A_875 = arith.addi %scan3A_813, %add3A_874 : i32
        %add3A_876 = arith.constant 2 : i32
        %add3A_877 = arith.addi %scan3A_813, %add3A_876 : i32
        %rem3A_878 = arith.constant 8 : i32
        %rem3A_879 = arith.remsi %add3A_877, %rem3A_878 : i32
        %mul3A_880 = arith.constant 80 : i32
        %mul3A_881 = arith.muli %add3A_875, %mul3A_880 : i32
        %add3A_882 = arith.addi %mul3A_2, %mul3A_881 : i32
        %dma_wait3A_883 = arith.constant 0 : i32
        %dma_wait3A_884 = tpu.memref_slice %arg11[%rem3A_879, %dma_wait3A_883] : memref<8x80xi32, #tpu.memory_space<vmem>> -> memref<1x80xi32, #tpu.memory_space<vmem>>
        %dma_wait3A_885 = tpu.memref_squeeze %dma_wait3A_884 : memref<1x80xi32, #tpu.memory_space<vmem>> -> memref<80xi32, #tpu.memory_space<vmem>>
        %dma_wait3A_886 = tpu.memref_slice %arg2[%add3A_882] : memref<640000xi32, #tpu.memory_space<hbm>> -> memref<80xi32, #tpu.memory_space<hbm>>
        %dma_wait3A_887 = arith.constant 0 : i32
        %dma_wait3A_888 = tpu.memref_slice %arg11[%rem3A_879, %dma_wait3A_887] : memref<8x80xi32, #tpu.memory_space<vmem>> -> memref<1x80xi32, #tpu.memory_space<vmem>>
        %dma_wait3A_889 = tpu.memref_squeeze %dma_wait3A_888 : memref<1x80xi32, #tpu.memory_space<vmem>> -> memref<80xi32, #tpu.memory_space<vmem>>
        %dma_wait3A_890 = tpu.memref_slice %arg2[%add3A_882] : memref<640000xi32, #tpu.memory_space<hbm>> -> memref<80xi32, #tpu.memory_space<hbm>>
        tpu.wait_dma2 semaphore(%arg10 : memref<!tpu.dma_semaphore, #tpu.memory_space<semaphore_mem>>) src(%dma_wait3A_890 : memref<80xi32, #tpu.memory_space<hbm>>) dst(%dma_wait3A_889 : memref<80xi32, #tpu.memory_space<vmem>>)
        %add3A_891 = arith.constant 320000 : i32
        %add3A_892 = arith.addi %add3A_891, %mul3A_2 : i32
        %mul3A_893 = arith.constant 80 : i32
        %mul3A_894 = arith.muli %add3A_875, %mul3A_893 : i32
        %add3A_895 = arith.addi %add3A_892, %mul3A_894 : i32
        %dma_wait3A_896 = arith.constant 0 : i32
        %dma_wait3A_897 = tpu.memref_slice %arg8[%rem3A_879, %dma_wait3A_896] : memref<8x80xi32, #tpu.memory_space<vmem>> -> memref<1x80xi32, #tpu.memory_space<vmem>>
        %dma_wait3A_898 = tpu.memref_squeeze %dma_wait3A_897 : memref<1x80xi32, #tpu.memory_space<vmem>> -> memref<80xi32, #tpu.memory_space<vmem>>
        %dma_wait3A_899 = tpu.memref_slice %arg2[%add3A_895] : memref<640000xi32, #tpu.memory_space<hbm>> -> memref<80xi32, #tpu.memory_space<hbm>>
        %dma_wait3A_900 = arith.constant 0 : i32
        %dma_wait3A_901 = tpu.memref_slice %arg8[%rem3A_879, %dma_wait3A_900] : memref<8x80xi32, #tpu.memory_space<vmem>> -> memref<1x80xi32, #tpu.memory_space<vmem>>
        %dma_wait3A_902 = tpu.memref_squeeze %dma_wait3A_901 : memref<1x80xi32, #tpu.memory_space<vmem>> -> memref<80xi32, #tpu.memory_space<vmem>>
        %dma_wait3A_903 = tpu.memref_slice %arg2[%add3A_895] : memref<640000xi32, #tpu.memory_space<hbm>> -> memref<80xi32, #tpu.memory_space<hbm>>
        tpu.wait_dma2 semaphore(%arg10 : memref<!tpu.dma_semaphore, #tpu.memory_space<semaphore_mem>>) src(%dma_wait3A_903 : memref<80xi32, #tpu.memory_space<hbm>>) dst(%dma_wait3A_902 : memref<80xi32, #tpu.memory_space<vmem>>)
        %add3A_904 = arith.constant 2 : i32
        %add3A_905 = arith.addi %scan3A_813, %add3A_904 : i32
        %add3A_906 = arith.constant 2 : i32
        %add3A_907 = arith.addi %scan3A_813, %add3A_906 : i32
        %rem3A_908 = arith.constant 8 : i32
        %rem3A_909 = arith.remsi %add3A_907, %rem3A_908 : i32
        %add3A_910 = arith.constant 2 : i32
        %add3A_911 = arith.addi %scan3A_813, %add3A_910 : i32
        %rem3A_912 = arith.constant 4 : i32
        %rem3A_913 = arith.remsi %add3A_911, %rem3A_912 : i32
        %dma_start3A_914 = arith.constant 0 : i32
        %dma_start3A_915 = arith.constant 0 : i32
        %dma_start3A_916 = tpu.memref_slice %arg13[%rem3A_913, %dma_start3A_914, %dma_start3A_915] : memref<4x80x128xf32, #tpu.memory_space<vmem>> -> memref<1x80x128xf32, #tpu.memory_space<vmem>>
        %dma_start3A_917 = tpu.memref_squeeze %dma_start3A_916 : memref<1x80x128xf32, #tpu.memory_space<vmem>> -> memref<80x128xf32, #tpu.memory_space<vmem>>
        %dma_start3A_918 = arith.constant 0 : i32
        %dma_start3A_919 = tpu.memref_slice %arg11[%rem3A_909, %dma_start3A_918] : memref<8x80xi32, #tpu.memory_space<vmem>> -> memref<1x80xi32, #tpu.memory_space<vmem>>
        %dma_start3A_920 = tpu.memref_squeeze %dma_start3A_919 : memref<1x80xi32, #tpu.memory_space<vmem>> -> memref<80xi32, #tpu.memory_space<vmem>>
        %dma_start3A_921 = arith.constant 0 : i32
        %dma_start3A_922 = arith.constant 0 : i32
        %dma_start3A_923 = tpu.memref_slice %arg3[%dma_start3A_921, %dma_start3A_922] : memref<10240x128xf32, #tpu.memory_space<hbm>> -> memref<10240x128xf32, #tpu.memory_space<hbm>>
        tpu.enqueue_indirect_dma source(%dma_start3A_923 : memref<10240x128xf32, #tpu.memory_space<hbm>>) target(%dma_start3A_917 : memref<80x128xf32, #tpu.memory_space<vmem>>) offsets(%dma_start3A_920 : memref<80xi32, #tpu.memory_space<vmem>>) semaphore(%arg9 : memref<!tpu.dma_semaphore, #tpu.memory_space<semaphore_mem>>)
        %dma_start3A_924 = arith.constant 0 : i32
        %dma_start3A_925 = tpu.memref_slice %arg17[%rem3A_913, %dma_start3A_924] : memref<4x80xf32, #tpu.memory_space<vmem>> -> memref<1x80xf32, #tpu.memory_space<vmem>>
        %dma_start3A_926 = tpu.memref_squeeze %dma_start3A_925 : memref<1x80xf32, #tpu.memory_space<vmem>> -> memref<80xf32, #tpu.memory_space<vmem>>
        %dma_start3A_927 = arith.constant 0 : i32
        %dma_start3A_928 = tpu.memref_slice %arg8[%rem3A_909, %dma_start3A_927] : memref<8x80xi32, #tpu.memory_space<vmem>> -> memref<1x80xi32, #tpu.memory_space<vmem>>
        %dma_start3A_929 = tpu.memref_squeeze %dma_start3A_928 : memref<1x80xi32, #tpu.memory_space<vmem>> -> memref<80xi32, #tpu.memory_space<vmem>>
        %dma_start3A_930 = arith.constant 0 : i32
        %dma_start3A_931 = tpu.memref_slice %arg4[%dma_start3A_930] : memref<10240xf32, #tpu.memory_space<hbm>> -> memref<10240xf32, #tpu.memory_space<hbm>>
        tpu.enqueue_indirect_dma source(%dma_start3A_931 : memref<10240xf32, #tpu.memory_space<hbm>>) target(%dma_start3A_926 : memref<80xf32, #tpu.memory_space<vmem>>) offsets(%dma_start3A_929 : memref<80xi32, #tpu.memory_space<vmem>>) semaphore(%arg16 : memref<!tpu.dma_semaphore, #tpu.memory_space<semaphore_mem>>)
      } else {
      }
    }
    %scan3A_717 = arith.constant 125 : i32
    %dma_wait3A_718 = arith.constant 0 : i32
    %dma_wait3A_719 = arith.constant 0 : i32
    %dma_wait3A_720 = arith.constant 0 : i32
    %dma_wait3A_721 = arith.constant 0 : i32
    %dma_wait3A_722 = tpu.memref_slice %arg13[%dma_wait3A_718, %dma_wait3A_720, %dma_wait3A_721] : memref<4x80x128xf32, #tpu.memory_space<vmem>> -> memref<1x80x128xf32, #tpu.memory_space<vmem>>
    %dma_wait3A_723 = tpu.memref_squeeze %dma_wait3A_722 : memref<1x80x128xf32, #tpu.memory_space<vmem>> -> memref<80x128xf32, #tpu.memory_space<vmem>>
    %dma_wait3A_724 = arith.constant 0 : i32
    %dma_wait3A_725 = tpu.memref_slice %arg8[%dma_wait3A_719, %dma_wait3A_724] : memref<8x80xi32, #tpu.memory_space<vmem>> -> memref<1x80xi32, #tpu.memory_space<vmem>>
    %dma_wait3A_726 = tpu.memref_squeeze %dma_wait3A_725 : memref<1x80xi32, #tpu.memory_space<vmem>> -> memref<80xi32, #tpu.memory_space<vmem>>
    %dma_wait3A_727 = arith.constant 0 : i32
    %dma_wait3A_728 = arith.constant 0 : i32
    %dma_wait3A_729 = tpu.memref_slice %arg7[%dma_wait3A_727, %dma_wait3A_728] : memref<10240x128xf32, #tpu.memory_space<vmem_shared>> -> memref<10240x128xf32, #tpu.memory_space<vmem_shared>>
    tpu.wait_indirect_dma semaphore(%arg12 : memref<!tpu.dma_semaphore, #tpu.memory_space<semaphore_mem>>) src(%dma_wait3A_723 : memref<80x128xf32, #tpu.memory_space<vmem>>) dst(%dma_wait3A_729 : memref<10240x128xf32, #tpu.memory_space<vmem_shared>>)
    %dma_wait3A_730 = arith.constant 0 : i32
    %dma_wait3A_731 = arith.constant 0 : i32
    %dma_wait3A_732 = arith.constant 0 : i32
    %dma_wait3A_733 = tpu.memref_slice %arg17[%dma_wait3A_730, %dma_wait3A_732] : memref<4x80xf32, #tpu.memory_space<vmem>> -> memref<1x80xf32, #tpu.memory_space<vmem>>
    %dma_wait3A_734 = tpu.memref_squeeze %dma_wait3A_733 : memref<1x80xf32, #tpu.memory_space<vmem>> -> memref<80xf32, #tpu.memory_space<vmem>>
    %dma_wait3A_735 = arith.constant 0 : i32
    %dma_wait3A_736 = tpu.memref_slice %arg11[%dma_wait3A_731, %dma_wait3A_735] : memref<8x80xi32, #tpu.memory_space<vmem>> -> memref<1x80xi32, #tpu.memory_space<vmem>>
    %dma_wait3A_737 = tpu.memref_squeeze %dma_wait3A_736 : memref<1x80xi32, #tpu.memory_space<vmem>> -> memref<80xi32, #tpu.memory_space<vmem>>
    %dma_wait3A_738 = arith.constant 0 : i32
    %dma_wait3A_739 = tpu.memref_slice %arg15[%dma_wait3A_738] : memref<10240xf32, #tpu.memory_space<vmem_shared>> -> memref<10240xf32, #tpu.memory_space<vmem_shared>>
    tpu.wait_indirect_dma semaphore(%arg14 : memref<!tpu.dma_semaphore, #tpu.memory_space<semaphore_mem>>) src(%dma_wait3A_734 : memref<80xf32, #tpu.memory_space<vmem>>) dst(%dma_wait3A_739 : memref<10240xf32, #tpu.memory_space<vmem_shared>>)
    %dma_wait3A_740 = arith.constant 0 : i32
    %dma_wait3A_741 = arith.constant 0 : i32
    %dma_wait3A_742 = arith.constant 0 : i32
    %dma_wait3A_743 = arith.constant 0 : i32
    %dma_wait3A_744 = tpu.memref_slice %arg13[%dma_wait3A_740, %dma_wait3A_742, %dma_wait3A_743] : memref<4x80x128xf32, #tpu.memory_space<vmem>> -> memref<1x80x128xf32, #tpu.memory_space<vmem>>
    %dma_wait3A_745 = tpu.memref_squeeze %dma_wait3A_744 : memref<1x80x128xf32, #tpu.memory_space<vmem>> -> memref<80x128xf32, #tpu.memory_space<vmem>>
    %dma_wait3A_746 = arith.constant 0 : i32
    %dma_wait3A_747 = tpu.memref_slice %arg8[%dma_wait3A_741, %dma_wait3A_746] : memref<8x80xi32, #tpu.memory_space<vmem>> -> memref<1x80xi32, #tpu.memory_space<vmem>>
    %dma_wait3A_748 = tpu.memref_squeeze %dma_wait3A_747 : memref<1x80xi32, #tpu.memory_space<vmem>> -> memref<80xi32, #tpu.memory_space<vmem>>
    %dma_wait3A_749 = arith.constant 0 : i32
    %dma_wait3A_750 = arith.constant 0 : i32
    %dma_wait3A_751 = tpu.memref_slice %arg7[%dma_wait3A_749, %dma_wait3A_750] : memref<10240x128xf32, #tpu.memory_space<vmem_shared>> -> memref<10240x128xf32, #tpu.memory_space<vmem_shared>>
    tpu.wait_indirect_dma semaphore(%arg12 : memref<!tpu.dma_semaphore, #tpu.memory_space<semaphore_mem>>) src(%dma_wait3A_745 : memref<80x128xf32, #tpu.memory_space<vmem>>) dst(%dma_wait3A_751 : memref<10240x128xf32, #tpu.memory_space<vmem_shared>>)
    %dma_wait3A_752 = arith.constant 0 : i32
    %dma_wait3A_753 = arith.constant 0 : i32
    %dma_wait3A_754 = arith.constant 0 : i32
    %dma_wait3A_755 = tpu.memref_slice %arg17[%dma_wait3A_752, %dma_wait3A_754] : memref<4x80xf32, #tpu.memory_space<vmem>> -> memref<1x80xf32, #tpu.memory_space<vmem>>
    %dma_wait3A_756 = tpu.memref_squeeze %dma_wait3A_755 : memref<1x80xf32, #tpu.memory_space<vmem>> -> memref<80xf32, #tpu.memory_space<vmem>>
    %dma_wait3A_757 = arith.constant 0 : i32
    %dma_wait3A_758 = tpu.memref_slice %arg11[%dma_wait3A_753, %dma_wait3A_757] : memref<8x80xi32, #tpu.memory_space<vmem>> -> memref<1x80xi32, #tpu.memory_space<vmem>>
    %dma_wait3A_759 = tpu.memref_squeeze %dma_wait3A_758 : memref<1x80xi32, #tpu.memory_space<vmem>> -> memref<80xi32, #tpu.memory_space<vmem>>
    %dma_wait3A_760 = arith.constant 0 : i32
    %dma_wait3A_761 = tpu.memref_slice %arg15[%dma_wait3A_760] : memref<10240xf32, #tpu.memory_space<vmem_shared>> -> memref<10240xf32, #tpu.memory_space<vmem_shared>>
    tpu.wait_indirect_dma semaphore(%arg14 : memref<!tpu.dma_semaphore, #tpu.memory_space<semaphore_mem>>) src(%dma_wait3A_756 : memref<80xf32, #tpu.memory_space<vmem>>) dst(%dma_wait3A_761 : memref<10240xf32, #tpu.memory_space<vmem_shared>>)
    %dma_wait3A_762 = arith.constant 0 : i32
    %dma_wait3A_763 = arith.constant 0 : i32
    %dma_wait3A_764 = arith.constant 0 : i32
    %dma_wait3A_765 = arith.constant 0 : i32
    %dma_wait3A_766 = tpu.memref_slice %arg13[%dma_wait3A_762, %dma_wait3A_764, %dma_wait3A_765] : memref<4x80x128xf32, #tpu.memory_space<vmem>> -> memref<1x80x128xf32, #tpu.memory_space<vmem>>
    %dma_wait3A_767 = tpu.memref_squeeze %dma_wait3A_766 : memref<1x80x128xf32, #tpu.memory_space<vmem>> -> memref<80x128xf32, #tpu.memory_space<vmem>>
    %dma_wait3A_768 = arith.constant 0 : i32
    %dma_wait3A_769 = tpu.memref_slice %arg8[%dma_wait3A_763, %dma_wait3A_768] : memref<8x80xi32, #tpu.memory_space<vmem>> -> memref<1x80xi32, #tpu.memory_space<vmem>>
    %dma_wait3A_770 = tpu.memref_squeeze %dma_wait3A_769 : memref<1x80xi32, #tpu.memory_space<vmem>> -> memref<80xi32, #tpu.memory_space<vmem>>
    %dma_wait3A_771 = arith.constant 0 : i32
    %dma_wait3A_772 = arith.constant 0 : i32
    %dma_wait3A_773 = tpu.memref_slice %arg7[%dma_wait3A_771, %dma_wait3A_772] : memref<10240x128xf32, #tpu.memory_space<vmem_shared>> -> memref<10240x128xf32, #tpu.memory_space<vmem_shared>>
    tpu.wait_indirect_dma semaphore(%arg12 : memref<!tpu.dma_semaphore, #tpu.memory_space<semaphore_mem>>) src(%dma_wait3A_767 : memref<80x128xf32, #tpu.memory_space<vmem>>) dst(%dma_wait3A_773 : memref<10240x128xf32, #tpu.memory_space<vmem_shared>>)
    %dma_wait3A_774 = arith.constant 0 : i32
    %dma_wait3A_775 = arith.constant 0 : i32
    %dma_wait3A_776 = arith.constant 0 : i32
    %dma_wait3A_777 = tpu.memref_slice %arg17[%dma_wait3A_774, %dma_wait3A_776] : memref<4x80xf32, #tpu.memory_space<vmem>> -> memref<1x80xf32, #tpu.memory_space<vmem>>
    %dma_wait3A_778 = tpu.memref_squeeze %dma_wait3A_777 : memref<1x80xf32, #tpu.memory_space<vmem>> -> memref<80xf32, #tpu.memory_space<vmem>>
    %dma_wait3A_779 = arith.constant 0 : i32
    %dma_wait3A_780 = tpu.memref_slice %arg11[%dma_wait3A_775, %dma_wait3A_779] : memref<8x80xi32, #tpu.memory_space<vmem>> -> memref<1x80xi32, #tpu.memory_space<vmem>>
    %dma_wait3A_781 = tpu.memref_squeeze %dma_wait3A_780 : memref<1x80xi32, #tpu.memory_space<vmem>> -> memref<80xi32, #tpu.memory_space<vmem>>
    %dma_wait3A_782 = arith.constant 0 : i32
    %dma_wait3A_783 = tpu.memref_slice %arg15[%dma_wait3A_782] : memref<10240xf32, #tpu.memory_space<vmem_shared>> -> memref<10240xf32, #tpu.memory_space<vmem_shared>>
    tpu.wait_indirect_dma semaphore(%arg14 : memref<!tpu.dma_semaphore, #tpu.memory_space<semaphore_mem>>) src(%dma_wait3A_778 : memref<80xf32, #tpu.memory_space<vmem>>) dst(%dma_wait3A_783 : memref<10240xf32, #tpu.memory_space<vmem_shared>>)
    %dma_wait3A_784 = arith.constant 0 : i32
    %dma_wait3A_785 = arith.constant 0 : i32
    %dma_wait3A_786 = arith.constant 0 : i32
    %dma_wait3A_787 = arith.constant 0 : i32
    %dma_wait3A_788 = tpu.memref_slice %arg13[%dma_wait3A_784, %dma_wait3A_786, %dma_wait3A_787] : memref<4x80x128xf32, #tpu.memory_space<vmem>> -> memref<1x80x128xf32, #tpu.memory_space<vmem>>
    %dma_wait3A_789 = tpu.memref_squeeze %dma_wait3A_788 : memref<1x80x128xf32, #tpu.memory_space<vmem>> -> memref<80x128xf32, #tpu.memory_space<vmem>>
    %dma_wait3A_790 = arith.constant 0 : i32
    %dma_wait3A_791 = tpu.memref_slice %arg8[%dma_wait3A_785, %dma_wait3A_790] : memref<8x80xi32, #tpu.memory_space<vmem>> -> memref<1x80xi32, #tpu.memory_space<vmem>>
    %dma_wait3A_792 = tpu.memref_squeeze %dma_wait3A_791 : memref<1x80xi32, #tpu.memory_space<vmem>> -> memref<80xi32, #tpu.memory_space<vmem>>
    %dma_wait3A_793 = arith.constant 0 : i32
    %dma_wait3A_794 = arith.constant 0 : i32
    %dma_wait3A_795 = tpu.memref_slice %arg7[%dma_wait3A_793, %dma_wait3A_794] : memref<10240x128xf32, #tpu.memory_space<vmem_shared>> -> memref<10240x128xf32, #tpu.memory_space<vmem_shared>>
    tpu.wait_indirect_dma semaphore(%arg12 : memref<!tpu.dma_semaphore, #tpu.memory_space<semaphore_mem>>) src(%dma_wait3A_789 : memref<80x128xf32, #tpu.memory_space<vmem>>) dst(%dma_wait3A_795 : memref<10240x128xf32, #tpu.memory_space<vmem_shared>>)
    %dma_wait3A_796 = arith.constant 0 : i32
    %dma_wait3A_797 = arith.constant 0 : i32
    %dma_wait3A_798 = arith.constant 0 : i32
    %dma_wait3A_799 = tpu.memref_slice %arg17[%dma_wait3A_796, %dma_wait3A_798] : memref<4x80xf32, #tpu.memory_space<vmem>> -> memref<1x80xf32, #tpu.memory_space<vmem>>
    %dma_wait3A_800 = tpu.memref_squeeze %dma_wait3A_799 : memref<1x80xf32, #tpu.memory_space<vmem>> -> memref<80xf32, #tpu.memory_space<vmem>>
    %dma_wait3A_801 = arith.constant 0 : i32
    %dma_wait3A_802 = tpu.memref_slice %arg11[%dma_wait3A_797, %dma_wait3A_801] : memref<8x80xi32, #tpu.memory_space<vmem>> -> memref<1x80xi32, #tpu.memory_space<vmem>>
    %dma_wait3A_803 = tpu.memref_squeeze %dma_wait3A_802 : memref<1x80xi32, #tpu.memory_space<vmem>> -> memref<80xi32, #tpu.memory_space<vmem>>
    %dma_wait3A_804 = arith.constant 0 : i32
    %dma_wait3A_805 = tpu.memref_slice %arg15[%dma_wait3A_804] : memref<10240xf32, #tpu.memory_space<vmem_shared>> -> memref<10240xf32, #tpu.memory_space<vmem_shared>>
    tpu.wait_indirect_dma semaphore(%arg14 : memref<!tpu.dma_semaphore, #tpu.memory_space<semaphore_mem>>) src(%dma_wait3A_800 : memref<80xf32, #tpu.memory_space<vmem>>) dst(%dma_wait3A_805 : memref<10240xf32, #tpu.memory_space<vmem_shared>>)
    %barrier3A_806 = arith.constant 0 : index
    tpu.barrier barrier_id(%barrier3A_806)
    %mul3A_807 = arith.constant 640 : i32
    %mul3A_808 = arith.muli %arg1, %mul3A_807 : i32
    %mul3A_809 = arith.constant 640 : i32
    %mul3A_810 = arith.muli %arg1, %mul3A_809 : i32
    "tpu.region"() ({
      %run_scoped3A = tpu.sem_alloc : memref<!tpu.dma_semaphore, #tpu.memory_space<semaphore_mem>>
      %dma_start3A_813 = arith.constant 0 : i32
      %dma_start3A_814 = tpu.memref_slice %arg5[%arg0, %mul3A_810, %dma_start3A_813] : memref<2x10240x128xf32, #tpu.memory_space<hbm>> -> memref<1x640x128xf32, #tpu.memory_space<hbm>>
      %dma_start3A_815 = tpu.memref_squeeze %dma_start3A_814 : memref<1x640x128xf32, #tpu.memory_space<hbm>> -> memref<640x128xf32, #tpu.memory_space<hbm>>
      %dma_start3A_816 = arith.constant 0 : i32
      %dma_start3A_817 = tpu.memref_slice %arg7[%mul3A_808, %dma_start3A_816] : memref<10240x128xf32, #tpu.memory_space<vmem_shared>> -> memref<640x128xf32, #tpu.memory_space<vmem_shared>>
      tpu.enqueue_dma source(%dma_start3A_817 : memref<640x128xf32, #tpu.memory_space<vmem_shared>>) target(%dma_start3A_815 : memref<640x128xf32, #tpu.memory_space<hbm>>) target_semaphore(%run_scoped3A : memref<!tpu.dma_semaphore, #tpu.memory_space<semaphore_mem>>)
      %dma_wait3A_818 = arith.constant 0 : i32
      %dma_wait3A_819 = tpu.memref_slice %arg5[%arg0, %mul3A_810, %dma_wait3A_818] : memref<2x10240x128xf32, #tpu.memory_space<hbm>> -> memref<1x640x128xf32, #tpu.memory_space<hbm>>
      %dma_wait3A_820 = tpu.memref_squeeze %dma_wait3A_819 : memref<1x640x128xf32, #tpu.memory_space<hbm>> -> memref<640x128xf32, #tpu.memory_space<hbm>>
      %dma_wait3A_821 = arith.constant 0 : i32
      %dma_wait3A_822 = tpu.memref_slice %arg7[%mul3A_808, %dma_wait3A_821] : memref<10240x128xf32, #tpu.memory_space<vmem_shared>> -> memref<640x128xf32, #tpu.memory_space<vmem_shared>>
      tpu.wait_dma2 semaphore(%run_scoped3A : memref<!tpu.dma_semaphore, #tpu.memory_space<semaphore_mem>>) src(%dma_wait3A_822 : memref<640x128xf32, #tpu.memory_space<vmem_shared>>) dst(%dma_wait3A_820 : memref<640x128xf32, #tpu.memory_space<hbm>>)
      tpu.yield
    }) : () -> ()
    %eq3A = arith.constant 0 : i32
    %eq3A_811 = arith.cmpi eq, %arg1, %eq3A : i32
    %convert_element_type3A = arith.extui %eq3A_811 : i1 to i32
    %cond3A = arith.constant 0 : i32
    %cond3A_812 = arith.cmpi ne, %convert_element_type3A, %cond3A : i32
    scf.if %cond3A_812 {
      "tpu.region"() ({
        %run_scoped3A = tpu.sem_alloc : memref<!tpu.dma_semaphore, #tpu.memory_space<semaphore_mem>>
        %dma_start3A_813 = arith.constant 0 : i32
        %dma_start3A_814 = tpu.memref_slice %arg6[%arg0, %dma_start3A_813] : memref<2x10240xf32, #tpu.memory_space<hbm>> -> memref<1x10240xf32, #tpu.memory_space<hbm>>
        %dma_start3A_815 = tpu.memref_squeeze %dma_start3A_814 : memref<1x10240xf32, #tpu.memory_space<hbm>> -> memref<10240xf32, #tpu.memory_space<hbm>>
        tpu.enqueue_dma source(%arg15 : memref<10240xf32, #tpu.memory_space<vmem_shared>>) target(%dma_start3A_815 : memref<10240xf32, #tpu.memory_space<hbm>>) target_semaphore(%run_scoped3A : memref<!tpu.dma_semaphore, #tpu.memory_space<semaphore_mem>>)
        %dma_wait3A_816 = arith.constant 0 : i32
        %dma_wait3A_817 = tpu.memref_slice %arg6[%arg0, %dma_wait3A_816] : memref<2x10240xf32, #tpu.memory_space<hbm>> -> memref<1x10240xf32, #tpu.memory_space<hbm>>
        %dma_wait3A_818 = tpu.memref_squeeze %dma_wait3A_817 : memref<1x10240xf32, #tpu.memory_space<hbm>> -> memref<10240xf32, #tpu.memory_space<hbm>>
        tpu.wait_dma2 semaphore(%run_scoped3A : memref<!tpu.dma_semaphore, #tpu.memory_space<semaphore_mem>>) src(%arg15 : memref<10240xf32, #tpu.memory_space<vmem_shared>>) dst(%dma_wait3A_818 : memref<10240xf32, #tpu.memory_space<hbm>>)
        tpu.yield
      }) : () -> ()
    } else {
    }
    return
  }
}

module attributes {stable_mosaic.version = 14 : i64} {
  func.func @_final_body(%arg0: memref<2x10240x128xf32, #tpu.memory_space<vmem>>, %arg1: memref<10240x1xf32, #tpu.memory_space<vmem>>, %arg2: memref<10240x1xf32, #tpu.memory_space<vmem>>, %arg3: memref<2x10240xf32, #tpu.memory_space<vmem>>, %arg4: memref<1x128xf32, #tpu.memory_space<vmem>>, %arg5: memref<128x128xf32, #tpu.memory_space<vmem>>, %arg6: memref<1x128xf32, #tpu.memory_space<vmem>>, %arg7: memref<128x10xf32, #tpu.memory_space<vmem>>, %arg8: memref<1x10xf32, #tpu.memory_space<vmem>>, %arg9: memref<1x10xf32, #tpu.memory_space<vmem>>) attributes {dimension_semantics = [], scalar_prefetch = 0 : i64, scratch_operands = 0 : i64, tpu.core_type = #tpu.core_type<tc>} {
    %get3A = arith.constant 0 : index
    %get3A_0 = arith.constant 0 : index
    %get3A_1 = arith.constant 0 : index
    %get3A_2 = vector.load %arg0[%get3A, %get3A_0, %get3A_1] : memref<2x10240x128xf32, #tpu.memory_space<vmem>>, vector<1x10240x128xf32>
    %get3A_3 = vector.shape_cast %get3A_2 : vector<1x10240x128xf32> to vector<10240x128xf32>
    %get3A_4 = arith.constant 1 : index
    %get3A_5 = arith.constant 0 : index
    %get3A_6 = arith.constant 0 : index
    %get3A_7 = vector.load %arg0[%get3A_4, %get3A_5, %get3A_6] : memref<2x10240x128xf32, #tpu.memory_space<vmem>>, vector<1x10240x128xf32>
    %get3A_8 = vector.shape_cast %get3A_7 : vector<1x10240x128xf32> to vector<10240x128xf32>
    %add3A = arith.addf %get3A_3, %get3A_8 : vector<10240x128xf32>
    %get3A_9 = arith.constant 0 : index
    %get3A_10 = arith.constant 0 : index
    %get3A_11 = vector.load %arg1[%get3A_9, %get3A_10] : memref<10240x1xf32, #tpu.memory_space<vmem>>, vector<10240x1xf32>
    %mul3A = vector.broadcast %get3A_11 : vector<10240x1xf32> to vector<10240x128xf32>
    %mul3A_12 = arith.mulf %add3A, %mul3A : vector<10240x128xf32>
    %get3A_13 = arith.constant 0 : index
    %get3A_14 = arith.constant 0 : index
    %get3A_15 = vector.load %arg4[%get3A_13, %get3A_14] : memref<1x128xf32, #tpu.memory_space<vmem>>, vector<1x128xf32>
    %add3A_16 = vector.broadcast %get3A_15 : vector<1x128xf32> to vector<10240x128xf32>
    %add3A_17 = arith.addf %mul3A_12, %add3A_16 : vector<10240x128xf32>
    %max3A = arith.constant 0.000000e+00 : f32
    %max3A_18 = vector.broadcast %max3A : f32 to vector<10240x128xf32>
    %max3A_19 = arith.maximumf %add3A_17, %max3A_18 : vector<10240x128xf32>
    %broadcast_in_dim3A = arith.constant 1.000000e+00 : f32
    %broadcast_in_dim3A_20 = vector.broadcast %broadcast_in_dim3A : f32 to vector<2x1xf32>
    %get3A_21 = arith.constant 0 : index
    %get3A_22 = arith.constant 0 : index
    %get3A_23 = vector.load %arg3[%get3A_21, %get3A_22] : memref<2x10240xf32, #tpu.memory_space<vmem>>, vector<2x10240xf32>
    %dot_general3A = arith.constant dense<0.000000e+00> : vector<10240x1xf32>
    %dot_general3A_24 = tpu.matmul %get3A_23, %broadcast_in_dim3A_20, %dot_general3A {dimension_numbers = #tpu.dot_dimension_numbers<[0], [0], [1], [1], [0, 1, 1, 1], [], []>, transpose_lhs_hint = false} : vector<2x10240xf32>, vector<2x1xf32>, vector<10240x1xf32> -> vector<10240x1xf32>
    %iota3A = tpu.iota {dimensions = array<i32: 0>} : vector<10240x1xi32>
    %lt3A = arith.constant 10000 : i32
    %lt3A_25 = vector.broadcast %lt3A : i32 to vector<10240x1xi32>
    %lt3A_26 = arith.cmpi slt, %iota3A, %lt3A_25 : vector<10240x1xi32>
    %convert_element_type3A = arith.extui %lt3A_26 : vector<10240x1xi1> to vector<10240x1xi32>
    %convert_element_type3A_27 = arith.sitofp %convert_element_type3A : vector<10240x1xi32> to vector<10240x1xf32>
    %get3A_28 = arith.constant 0 : index
    %get3A_29 = arith.constant 0 : index
    %get3A_30 = vector.load %arg2[%get3A_28, %get3A_29] : memref<10240x1xf32, #tpu.memory_space<vmem>>, vector<10240x1xf32>
    %mul3A_31 = arith.mulf %dot_general3A_24, %get3A_30 : vector<10240x1xf32>
    %mul3A_32 = arith.mulf %mul3A_31, %convert_element_type3A_27 : vector<10240x1xf32>
    %dot_general3A_33 = arith.constant dense<0.000000e+00> : vector<1x128xf32>
    %dot_general3A_34 = tpu.matmul %mul3A_32, %max3A_19, %dot_general3A_33 {dimension_numbers = #tpu.dot_dimension_numbers<[0], [0], [1], [1], [0, 1, 1, 1], [], []>, transpose_lhs_hint = false} : vector<10240x1xf32>, vector<10240x128xf32>, vector<1x128xf32> -> vector<1x128xf32>
    %get3A_35 = arith.constant 0 : index
    %get3A_36 = arith.constant 0 : index
    %get3A_37 = vector.load %arg5[%get3A_35, %get3A_36] : memref<128x128xf32, #tpu.memory_space<vmem>>, vector<128x128xf32>
    %dot_general3A_38 = arith.constant dense<0.000000e+00> : vector<1x128xf32>
    %dot_general3A_39 = tpu.matmul %dot_general3A_34, %get3A_37, %dot_general3A_38 {dimension_numbers = #tpu.dot_dimension_numbers<[1], [0], [0], [1], [0, 0, 1, 1], [], []>, transpose_lhs_hint = false} : vector<1x128xf32>, vector<128x128xf32>, vector<1x128xf32> -> vector<1x128xf32>
    %mul3A_40 = arith.constant 9.99999974E-5 : f32
    %mul3A_41 = vector.broadcast %mul3A_40 : f32 to vector<1x128xf32>
    %mul3A_42 = arith.mulf %dot_general3A_39, %mul3A_41 : vector<1x128xf32>
    %get3A_43 = arith.constant 0 : index
    %get3A_44 = arith.constant 0 : index
    %get3A_45 = vector.load %arg6[%get3A_43, %get3A_44] : memref<1x128xf32, #tpu.memory_space<vmem>>, vector<1x128xf32>
    %add3A_46 = arith.addf %mul3A_42, %get3A_45 : vector<1x128xf32>
    %get3A_47 = arith.constant 0 : index
    %get3A_48 = arith.constant 0 : index
    %get3A_49 = vector.load %arg7[%get3A_47, %get3A_48] : memref<128x10xf32, #tpu.memory_space<vmem>>, vector<128x10xf32>
    %dot_general3A_50 = arith.constant dense<0.000000e+00> : vector<1x10xf32>
    %dot_general3A_51 = tpu.matmul %add3A_46, %get3A_49, %dot_general3A_50 {dimension_numbers = #tpu.dot_dimension_numbers<[1], [0], [0], [1], [0, 0, 1, 1], [], []>, transpose_lhs_hint = false} : vector<1x128xf32>, vector<128x10xf32>, vector<1x10xf32> -> vector<1x10xf32>
    %get3A_52 = arith.constant 0 : index
    %get3A_53 = arith.constant 0 : index
    %get3A_54 = vector.load %arg8[%get3A_52, %get3A_53] : memref<1x10xf32, #tpu.memory_space<vmem>>, vector<1x10xf32>
    %add3A_55 = arith.addf %dot_general3A_51, %get3A_54 : vector<1x10xf32>
    %swap3A = arith.constant 0 : index
    %swap3A_56 = arith.constant 0 : index
    %swap3A_57 = vector.load %arg9[%swap3A, %swap3A_56] : memref<1x10xf32, #tpu.memory_space<vmem>>, vector<1x10xf32>
    tpu.vector_store %arg9[%swap3A, %swap3A_56], %add3A_55 {strides = array<i32>} : memref<1x10xf32, #tpu.memory_space<vmem>>, vector<1x10xf32>,
    return
  }
}

module attributes {stable_mosaic.version = 14 : i64} {
  func.func @_norm_mm_body(%arg0: memref<10000x128xf32, #tpu.memory_space<vmem>>, %arg1: memref<128x128xf32, #tpu.memory_space<vmem>>, %arg2: memref<2x10240xf32, #tpu.memory_space<vmem>>, %arg3: memref<2x10240xf32, #tpu.memory_space<vmem>>, %arg4: memref<10240x128xf32, #tpu.memory_space<vmem>>, %arg5: memref<10240x1xf32, #tpu.memory_space<vmem>>, %arg6: memref<10240x1xf32, #tpu.memory_space<vmem>>, %arg7: memref<10240xf32, #tpu.memory_space<vmem>>) attributes {dimension_semantics = [], scalar_prefetch = 0 : i64, scratch_operands = 0 : i64, tpu.core_type = #tpu.core_type<tc>} {
    %broadcast_in_dim3A = arith.constant 1.000000e+00 : f32
    %broadcast_in_dim3A_0 = vector.broadcast %broadcast_in_dim3A : f32 to vector<2x1xf32>
    %get3A = arith.constant 0 : index
    %get3A_1 = arith.constant 0 : index
    %get3A_2 = vector.load %arg2[%get3A, %get3A_1] : memref<2x10240xf32, #tpu.memory_space<vmem>>, vector<2x10240xf32>
    %dot_general3A = arith.constant dense<0.000000e+00> : vector<10240x1xf32>
    %dot_general3A_3 = tpu.matmul %get3A_2, %broadcast_in_dim3A_0, %dot_general3A {dimension_numbers = #tpu.dot_dimension_numbers<[0], [0], [1], [1], [0, 1, 1, 1], [], []>, transpose_lhs_hint = false} : vector<2x10240xf32>, vector<2x1xf32>, vector<10240x1xf32> -> vector<10240x1xf32>
    %get3A_4 = arith.constant 0 : index
    %get3A_5 = arith.constant 0 : index
    %get3A_6 = vector.load %arg3[%get3A_4, %get3A_5] : memref<2x10240xf32, #tpu.memory_space<vmem>>, vector<2x10240xf32>
    %dot_general3A_7 = arith.constant dense<0.000000e+00> : vector<10240x1xf32>
    %dot_general3A_8 = tpu.matmul %get3A_6, %broadcast_in_dim3A_0, %dot_general3A_7 {dimension_numbers = #tpu.dot_dimension_numbers<[0], [0], [1], [1], [0, 1, 1, 1], [], []>, transpose_lhs_hint = false} : vector<2x10240xf32>, vector<2x1xf32>, vector<10240x1xf32> -> vector<10240x1xf32>
    %max3A = arith.constant 1.000000e+00 : f32
    %max3A_9 = vector.broadcast %max3A : f32 to vector<10240x1xf32>
    %max3A_10 = arith.maximumf %dot_general3A_3, %max3A_9 : vector<10240x1xf32>
    %rsqrt3A = math.rsqrt %max3A_10 : vector<10240x1xf32>
    %max3A_11 = arith.constant 1.000000e+00 : f32
    %max3A_12 = vector.broadcast %max3A_11 : f32 to vector<10240x1xf32>
    %max3A_13 = arith.maximumf %dot_general3A_8, %max3A_12 : vector<10240x1xf32>
    %rsqrt3A_14 = math.rsqrt %max3A_13 : vector<10240x1xf32>
    %swap3A = arith.constant 0 : index
    %swap3A_15 = arith.constant 0 : index
    %swap3A_16 = vector.load %arg5[%swap3A, %swap3A_15] : memref<10240x1xf32, #tpu.memory_space<vmem>>, vector<10240x1xf32>
    tpu.vector_store %arg5[%swap3A, %swap3A_15], %rsqrt3A {strides = array<i32>} : memref<10240x1xf32, #tpu.memory_space<vmem>>, vector<10240x1xf32>,
    %swap3A_17 = arith.constant 0 : index
    %swap3A_18 = arith.constant 0 : index
    %swap3A_19 = vector.load %arg6[%swap3A_17, %swap3A_18] : memref<10240x1xf32, #tpu.memory_space<vmem>>, vector<10240x1xf32>
    tpu.vector_store %arg6[%swap3A_17, %swap3A_18], %rsqrt3A_14 {strides = array<i32>} : memref<10240x1xf32, #tpu.memory_space<vmem>>, vector<10240x1xf32>,
    %get3A_20 = arith.constant 0 : index
    %get3A_21 = arith.constant 0 : index
    %get3A_22 = vector.load %arg3[%get3A_20, %get3A_21] : memref<2x10240xf32, #tpu.memory_space<vmem>>, vector<1x10240xf32>
    %get3A_23 = vector.shape_cast %get3A_22 : vector<1x10240xf32> to vector<10240xf32>
    %get3A_24 = arith.constant 1 : index
    %get3A_25 = arith.constant 0 : index
    %get3A_26 = vector.load %arg3[%get3A_24, %get3A_25] : memref<2x10240xf32, #tpu.memory_space<vmem>>, vector<1x10240xf32>
    %get3A_27 = vector.shape_cast %get3A_26 : vector<1x10240xf32> to vector<10240xf32>
    %add3A = arith.addf %get3A_23, %get3A_27 : vector<10240xf32>
    %max3A_28 = arith.constant 1.000000e+00 : f32
    %max3A_29 = vector.broadcast %max3A_28 : f32 to vector<10240xf32>
    %max3A_30 = arith.maximumf %add3A, %max3A_29 : vector<10240xf32>
    %rsqrt3A_31 = math.rsqrt %max3A_30 : vector<10240xf32>
    %swap3A_32 = arith.constant 0 : index
    %swap3A_33 = vector.load %arg7[%swap3A_32] : memref<10240xf32, #tpu.memory_space<vmem>>, vector<10240xf32>
    tpu.vector_store %arg7[%swap3A_32], %rsqrt3A_31 {strides = array<i32>} : memref<10240xf32, #tpu.memory_space<vmem>>, vector<10240xf32>,
    %get3A_34 = arith.constant 0 : index
    %get3A_35 = arith.constant 0 : index
    %get3A_36 = vector.load %arg0[%get3A_34, %get3A_35] : memref<10000x128xf32, #tpu.memory_space<vmem>>, vector<10000x128xf32>
    %get3A_37 = arith.constant 0 : index
    %get3A_38 = arith.constant 0 : index
    %get3A_39 = vector.load %arg1[%get3A_37, %get3A_38] : memref<128x128xf32, #tpu.memory_space<vmem>>, vector<128x128xf32>
    %dot_general3A_40 = arith.constant dense<0.000000e+00> : vector<10000x128xf32>
    %dot_general3A_41 = tpu.matmul %get3A_36, %get3A_39, %dot_general3A_40 {dimension_numbers = #tpu.dot_dimension_numbers<[1], [0], [0], [1], [0, 0, 1, 1], [], []>, transpose_lhs_hint = false} : vector<10000x128xf32>, vector<128x128xf32>, vector<10000x128xf32> -> vector<10000x128xf32>
    %slice3A = vector.extract_strided_slice %rsqrt3A {offsets = [0, 0], sizes = [10000, 1], strides = [1, 1]} : vector<10240x1xf32> to vector<10000x1xf32>
    %mul3A = vector.broadcast %slice3A : vector<10000x1xf32> to vector<10000x128xf32>
    %mul3A_42 = arith.mulf %dot_general3A_41, %mul3A : vector<10000x128xf32>
    %swap3A_43 = arith.constant 0 : index
    %swap3A_44 = arith.constant 0 : index
    %swap3A_45 = vector.load %arg4[%swap3A_43, %swap3A_44] : memref<10240x128xf32, #tpu.memory_space<vmem>>, vector<10000x128xf32>
    tpu.vector_store %arg4[%swap3A_43, %swap3A_44], %mul3A_42 {strides = array<i32>} : memref<10240x128xf32, #tpu.memory_space<vmem>>, vector<10000x128xf32>,
    %broadcast_in_dim3A_46 = arith.constant 0.000000e+00 : f32
    %broadcast_in_dim3A_47 = vector.broadcast %broadcast_in_dim3A_46 : f32 to vector<240x128xf32>
    %swap3A_48 = arith.constant 10000 : index
    %swap3A_49 = arith.constant 0 : index
    %swap3A_50 = vector.load %arg4[%swap3A_48, %swap3A_49] : memref<10240x128xf32, #tpu.memory_space<vmem>>, vector<240x128xf32>
    tpu.vector_store %arg4[%swap3A_48, %swap3A_49], %broadcast_in_dim3A_47 {strides = array<i32>} : memref<10240x128xf32, #tpu.memory_space<vmem>>, vector<240x128xf32>,
    return
  }
}

</mosaic_0001>

<sc_bundles>
// kernel: kernel.6.cloned.1.call-start
scs
__scs_entry_jumppad:
0x0: {  	(pc) =	sbr.rel $0x88, $3  }
0x1: {  	(tag) =	ssettag $0x0;
	lr =	simm.s32 $0x1  }
0x2: {  	[smem:$0x3F99] =	sst lr;
	_ =	strace $0xD0000000  }
0x3: {  	_ = 	snop  }
0x4: {  	_ = 	snop  }
0x5: {  	_ = 	snop  }
0x6: {  	_ = 	snop  }
0x7: {  	_ = 	snop  }
__scs_overlays_trampoline_lowered:
0x8: {  	[smem:$0x3FA8] =	sst s0  }
0x9: {  	[smem:$0x3FA9] =	sst s1  }
0xa: {  	[smem:$0x3FAA] =	sst s2  }
0xb: {  	[smem:$0x3FAB] =	sst s3  }
0xc: {  	[smem:$0x3FAC] =	sst s4  }
0xd: {  	[smem:$0x3FAD] =	sst s5  }
0xe: {  	[smem:$0x3FAE] =	sst s6  }
0xf: {  	[smem:$0x3FAF] =	sst s7  }
0x10: {  	[smem:$0x3FB0] =	sst s8  }
0x11: {  	[smem:$0x3FB1] =	sst s9;
	s0 =	simm.s32 @!p0 $0x0  }
0x12: {  	s1 =	sld [smem:$0x3F97];
	s0 =	simm.s32 @p0 $0x1  }
0x13: {  	[smem:$0x3FB2] =	sst s0;
	s0 =	simm.s32 @!p1 $0x0  }
0x14: {  	s2 =	sld [smem:$0x3F96];
	s0 =	simm.s32 @p1 $0x1  }
0x15: {  	[smem:$0x3FB3] =	sst s0;
	s0 =	simm.s32 @!p2 $0x0  }
0x16: {  	s3 =	sld [smem:$0x3FDB];
	s0 =	simm.s32 @p2 $0x1  }
0x17: {  	s4 =	simm.s32 $0x1BF5;
	[smem:$0x3FB5] =	sst s0  }
0x18: {  	s0 =	sld [smem:$0x3F98];
	_ =	swait.ge [sflag:s4], $0x0  }
0x19: {  	s7 =	sld [smem:$0x3F99]  }
0x1a: {  	s8 =	sadd.s32 $0xFFFFE003, lr  }
0x1b: {  	s9 =	sadd.s32 $0xFFFFFEF7, lr;
	s5 =	simm.s32 $0xFFFFFFFF;
	p2 =	slt.u32 s8, $0xFFFFF086  }
0x1c: {  	p1 =	slt.u32 s9, $0xF7A;
	s5 =	simm.s32 @!p2 $0x0  }
0x1d: {  	s5 =	simm.s32 @p1 $0x1;
	p0 =	seq.s32 s7, s2  }
0x1e: {  	s7 =	smul.u32 @!p0 $0xF7A, s2;
	p2 =	seq.s32 @!p0 s5, $0x0  }
0x1f: {  	s9 =	smul.u32 $0xF7A, s1;
	s8 =	simm.s32 @!p0 $0x1BF5;
	p2 =	por !p2, p0  }
0x20: {  	[sflag:s8] =	ssyncset.s32 @!p0 $0xFFFFF086;
	s6 =	sadd.s32 @!p0 s3, s7;
	s7 =	simm.s32 @!p0 $0x108  }
0x21: {  	s3 =	sadd.s32 s3, s9;
	s6 =	sadd.s32 @!p0 $0x88, s6;
	s7 =	simm.s32 @p2 $0x1082  }
0x22: {  	[simem:s7], [sflag:s8] =	dma.local @!p0 [hbm:s6], $0xF7A  }
0x23: {  	s9 =	sor.u32 $0xD0000000, s2;
	s6 =	simm.s32 $0x108;
	_ =	swait.ge @!p0 [sflag:s8], $0x0  }
0x24: {  	s3 =	sadd.s32 $0x88, s3;
	s6 =	simm.s32 @!p1 $0x1082;
	[sflag:s4] =	ssyncset.s32 $0xFFFFF086  }
0x25: {  	[simem:s6], [sflag:s4] =	dma.local [hbm:s3], $0xF7A  }
0x26: {  	[smem:$0x3F99] =	sst s1;
	(tag) =	ssettag s2;
	_ =	strace s9  }
0x27: {  	s1 =	sld [smem:$0x3FA9]  }
0x28: {  	s2 =	sld [smem:$0x3FAA]  }
0x29: {  	s4 =	sld [smem:$0x3FAC]  }
0x2a: {  	p0 =	seq.s32 s5, $0x0;
	s5 =	sld [smem:$0x3FAD]  }
0x2b: {  	s6 =	sld [smem:$0x3FAE]  }
0x2c: {  	s7 =	sld [smem:$0x3FAF]  }
0x2d: {  	s3 =	simm.s32 $0x108;
	s8 =	sld [smem:$0x3FB0]  }
0x2e: {  	s3 =	simm.s32 @!p0 $0x1082;
	s9 =	sld [smem:$0x3FB1]  }
0x2f: {  	lr =	sadd.s32 s0, s3;
	s0 =	sld [smem:$0x3FA8]  }
0x30: {  	s3 =	sld [smem:$0x3FAB]  }
0x31: {  	[smem:$0x3FB4] =	sst s10  }
0x32: {  	s10 =	sld [smem:$0x3FB2];
	_ =	sdelay $0x3  }
0x33: {  	p0 =	seq.s32 s10, $0x1;
	s10 =	sld [smem:$0x3FB4];
	_ =	sdelay $0x3  }
0x34: {  	[smem:$0x3FB4] =	sst s10  }
0x35: {  	s10 =	sld [smem:$0x3FB3];
	_ =	sdelay $0x3  }
0x36: {  	p1 =	seq.s32 s10, $0x1;
	s10 =	sld [smem:$0x3FB4];
	_ =	sdelay $0x3  }
0x37: {  	[smem:$0x3FB4] =	sst s10  }
0x38: {  	s10 =	sld [smem:$0x3FB5]  }
0x39: {  	_ = 	snop;
	(pc) =	sbr.ind lr, $3  }
0x3a: {  	_ = 	snop  }
0x3b: {  	_ = 	snop  }
0x3c: {  	p2 =	seq.s32 s10, $0x1;
	s10 =	sld [smem:$0x3FB4]  }
0x3d: {  	_ =	shalt  }
0x3e: {  	_ =	shalt  }
0x3f: {  	_ =	shalt  }
0x40: {  	_ =	shalt  }
0x41: {  	_ =	shalt  }
0x42: {  	_ =	shalt  }
0x43: {  	_ =	shalt  }
0x44: {  	_ =	shalt  }
0x45: {  	_ =	shalt  }
0x46: {  	_ =	shalt  }
0x47: {  	_ =	shalt  }
0x48: {  	_ =	shalt  }
0x49: {  	_ =	shalt  }
0x4a: {  	_ =	shalt  }
0x4b: {  	_ =	shalt  }
0x4c: {  	_ =	shalt  }
0x4d: {  	_ =	shalt  }
0x4e: {  	_ =	shalt  }
0x4f: {  	_ =	shalt  }
0x50: {  	_ =	shalt  }
0x51: {  	_ =	shalt  }
0x52: {  	_ =	shalt  }
0x53: {  	_ =	shalt  }
0x54: {  	_ =	shalt  }
0x55: {  	_ =	shalt  }
0x56: {  	_ =	shalt  }
0x57: {  	_ =	shalt  }
0x58: {  	_ =	shalt  }
0x59: {  	_ =	shalt  }
0x5a: {  	_ =	shalt  }
0x5b: {  	_ =	shalt  }
0x5c: {  	_ =	shalt  }
0x5d: {  	_ =	shalt  }
0x5e: {  	_ =	shalt  }
0x5f: {  	_ =	shalt  }
0x60: {  	_ =	shalt  }
0x61: {  	_ =	shalt  }
0x62: {  	_ =	shalt  }
0x63: {  	_ =	shalt  }
0x64: {  	_ =	shalt  }
0x65: {  	_ =	shalt  }
0x66: {  	_ =	shalt  }
0x67: {  	_ =	shalt  }
0x68: {  	_ =	shalt  }
0x69: {  	_ =	shalt  }
0x6a: {  	_ =	shalt  }
0x6b: {  	_ =	shalt  }
0x6c: {  	_ =	shalt  }
0x6d: {  	_ =	shalt  }
0x6e: {  	_ =	shalt  }
0x6f: {  	_ =	shalt  }
0x70: {  	_ =	shalt  }
0x71: {  	_ =	shalt  }
0x72: {  	_ =	shalt  }
0x73: {  	_ =	shalt  }
0x74: {  	_ =	shalt  }
0x75: {  	_ =	shalt  }
0x76: {  	_ =	shalt  }
0x77: {  	_ =	shalt  }
0x78: {  	_ =	shalt  }
0x79: {  	_ =	shalt  }
0x7a: {  	_ =	shalt  }
0x7b: {  	_ =	shalt  }
0x7c: {  	_ =	shalt  }
0x7d: {  	_ =	shalt  }
0x7e: {  	_ =	shalt  }
0x7f: {  	_ =	shalt  }
0x80: {  	_ =	shalt  }
0x81: {  	_ =	shalt  }
0x82: {  	_ =	shalt  }
0x83: {  	_ =	shalt  }
0x84: {  	_ =	shalt  }
0x85: {  	_ =	shalt  }
0x86: {  	_ =	shalt  }
0x87: {  	_ =	shalt  }
.Lfunc_end0:
.L_simem_size_0:
called_computation_lowered:
.L_overlay_start_0:
0x88: {  	s2 =	sld [smem:$0x3FD9]  }
0x89: {  	s3 =	sld [smem:$0x3FFE];
	_ =	sdelay $0x1  }
0x8a: {  	s1 =	srdreg.scid  }
0x8b: {  	s0 =	sand.u32 $0x1, s1  }
0x8c: {  	s16 =	sshll.u32 s0, $0xA;
	s2 =	sadd.s32 s3, s2  }
0x8d: {  	s2 =	sadd.s32 s2, s16  }
0x8e: {  	[smem:$0x3FC0] =	sst s2  }
0x8f: {  	_ = 	snop  }
0x90: {  	(tm) =	ssettm $0x1  }
0x91: {  	s17 =	sld [smem:$0x3FFB];
	_ =	sdelay $0x3  }
0x92: {  	_ =	strace s17  }
0x93: {  	s2 =	sld [smem:$0x3FFC];
	_ =	sdelay $0x3  }
0x94: {  	_ =	strace s2  }
0x95: {  	s2 =	sld [smem:$0x3FFD];
	_ =	sdelay $0x3  }
0x96: {  	_ =	strace s2  }
0x97: {  	_ =	strace $0x8FFFFFFF  }
0x98: {  	s18 =	sld [smem:$0x3FDB];
	_ =	sdelay $0x1  }
0x99: {  	s19 =	simm.s32 $_scs_section_size  }
0x9a: {  	s4 =	simm.s32 $_size__tile_overlayer_lowered;
	s5 =	simm.s32 $_tile_overlayer_lowered  }
0x9b: {  	s22 =	simm.s32 $0x1BFF;
	s21 =	sshll.u32 s5, $0x1;
	s2 =	sadd.s32 s19, s18  }
0x9c: {  	s6 =	simm.s32 $0x0;
	s20 =	sshll.u32 s4, $0x1;
	s4 =	sadd.s32 s21, s2  }
0x9d: {  	[timem:s6], [sflag:s22] =	dma.local [hbm:s4], s20  }
0x9e: {  	_ =	swait.ge [sflag:s22], s20  }
0x9f: {  	s3 =	ssub.s32 $0x0, s20;
	[sflag:s22] =	ssyncset.done $0x0  }
0xa0: {  	[sflag:s22] =	ssyncadd.s32 s3;
	_ =	sdelay $0x1  }
0xa1: {  	s23 =	simm.s32 $0x1B8B  }
0xa2: {  	_ =	swait.ge [sflag:s23], $0x1  }
0xa3: {  	[sflag:s23] =	ssyncset.done $0x0  }
0xa4: {  	s25 =	simm.s32 $0x1B8E;
	s24 =	sld [smem:$0x3FFE];
	[sflag:s23] =	ssyncadd.s32 $0xFFFFFFFF  }
0xa5: {  	s26 =	simm.s32 $execute0_lowered;
	[smem:$0x3FD2] =	sst s25  }
0xa6: {  	s4 =	sshll.u32 s26, $0x1;
	_ =	strace $0x80000046;
	[dreg:$0x1] =	wrdreg $0xFFFFFFFF  }
0xa7: {  	s28 =	simm.s32 $_size_execute0_lowered;
	s2 =	sadd.s32 s2, s4;
	[dreg:$0x0] =	wrdreg $0x0  }
0xa8: {  	s4 =	sshll.u32 s28, $0x1;
	[dreg:$0x2] =	wrdreg s2  }
0xa9: {  	[dreg:$0x3] =	wrdreg s4  }
0xaa: {  	[dreg:$0x4] =	wrdreg $0xC0  }
0xab: {  	_ =	task [dreg:s6], $0x5FFFF  }
0xac: {  	[dreg:$0x1] =	wrdreg $0xFFFFFFFF  }
0xad: {  	[dreg:$0x0] =	wrdreg $0x60  }
0xae: {  	[dreg:$0x2] =	wrdreg s24  }
0xaf: {  	[dreg:$0x3] =	wrdreg $0xA800  }
0xb0: {  	[dreg:$0x4] =	wrdreg $0x8000  }
0xb1: {  	[dreg:$0x5] =	wrdreg $0x9  }
0xb2: {  	_ =	task.clear_ibuf [dreg:s6], $0x6FFFF;
	_ =	strace $0x90000046  }
0xb3: {  	s29 =	simm.s32 $0x9;
	_ =	strace $0x80000048  }
0xb4: {  	_ =	swait.ge [sflag:s29], $0x1  }
0xb5: {  	[sflag:s29] =	ssyncadd.s32 $0xFFFFFFFF  }
0xb6: {  	_ =	strace $0x90000048  }
0xb7: {  	_ =	sfence  }
0xb8: {  	s30 =	sld [smem:$0x0];
	_ =	sdelay $0x2  }
0xb9: {  	s31 =	sshll.u32 s1, $0xD;
	s1 =	sshrl.u32 s1, $0x2  }
0xba: {  	s3 =	sand.u32 $0x4000, s31;
	s1 =	sadd.s32 s1, s30  }
0xbb: {  	s0 =	sor.u32 s3, s0;
	s1 =	sshll.u32 s1, $0x11  }
0xbc: {  	s0 =	sor.u32 s1, s0  }
0xbd: {  	s0 =	sadd.s32 $0x8F2B, s0  }
0xbe: {  	[sflag:s0] =	ssyncadd.remote.s32 $0x1  }
0xbf: {  	_ =	sfence.sel $0xFFFF  }
0xc0: {  	[dreg:$0x0] =	wrdreg $0xFFFFFFFF;
	(pc) =	sbr.abs _section_cstart, $3  }
0xc1: {  	[dreg:$0x1] =	wrdreg $0xFFFFFFFF  }
0xc2: {  	_ =	task.clear_ibuf [dreg:s6], $0x2FFFF;
	_ =	strace $0x9FFFFFFF  }
0xc3: {  	(tm) =	ssettm $0x7FFFFFFF  }
tec
execute0_lowered:
.L_overlay_start_1:
0x0: {  	(tag) =	ssettag $0x1  }
0x1: {  	s0 =	rddreg [dreg:$0x0]  }
0x2: {  	s1 =	rddreg [dreg:$0x1]  }
0x3: {  	s2 =	rddreg [dreg:$0x2]  }
0x4: {  	s3 =	simm.s32 $0x0;
	s7 =	stileid.u32;
	s4 =	srdreg.scid  }
0x5: {  	s30 =	simm.s32 $0x3;
	s31 =	simm.s32 $0x50;
	s8 =	sand.u32 $0x1, s4  }
0x6: {  	[smem:$0x7FF] =	sst s3;
	s6 =	smul.u32 $0x280, s7;
	s4 =	sshll.u32 s8, $0x4  }
0x7: {  	s9 =	sadd.s32 $0x3200, s0;
	s21 =	smul.u32 $0x2710, s7;
	s11 =	sor.u32 s7, s4  }
0x8: {  	s16 =	sshll.u32 s7, $0x6;
	p0 =	sne.s32 s7, $0x0;
	s11 =	smul.u32 $0x2710, s11  }
0x9: {  	_ =	strace $0x80000047;
	s10 =	ssub.s32 $0x2, s8;
	s8 =	smul.u32 $0x27100, s8  }
0xa: {  	s5 =	sshrl.u32 s6, $0x3;
	s12 =	sshrl.u32 s10, $0x1;
	s11 =	sshrl.u32 s11, $0x3  }
0xb: {  	s13 =	sadd.s32 s6, s1;
	s18 =	sadd.s32 s6, s2;
	s6 =	sadd.s32 s9, s11  }
0xc: {  	s7 =	simm.s32 $0xD00;
	s5 =	sadd.s32 s5, s0;
	s11 =	sadd.s32 $0x9C40, s6  }
0xd: {  	s0 =	sadd.s32 s4, s0;
	s17 =	sadd.s32 $0xA, s6;
	[dreg:$0x4] =	wrdreg s11  }
0xe: {  	s10 =	ssub.s32 s10, s12;
	s19 =	sadd.s32 $0x9C4A, s6;
	[dreg:$0x5] =	wrdreg s17  }
0xf: {  	s8 =	sadd.s32 s21, s8;
	s20 =	sadd.s32 $0x14, s6;
	[dreg:$0x6] =	wrdreg s19  }
0x10: {  	s4 =	sadd.s32 $0x16C00, s5;
	s22 =	sadd.s32 $0x9C54, s6;
	[dreg:$0x7] =	wrdreg s20  }
0x11: {  	s5 =	sor.u32 $0x1C03, s16;
	s23 =	sadd.s32 $0x1E, s6;
	[dreg:$0x8] =	wrdreg s22  }
0x12: {  	s21 =	sadd.s32 $0x17200, s0;
	s24 =	sadd.s32 $0x9C5E, s6;
	[dreg:$0x9] =	wrdreg s23  }
0x13: {  	s25 =	sadd.s32 $0x28, s6;
	s26 =	sadd.s32 $0x9C68, s6;
	[dreg:$0xa] =	wrdreg s24  }
0x14: {  	s16 =	sadd.s32 $0x32, s6;
	s28 =	sadd.s32 $0x46, s6;
	[dreg:$0xb] =	wrdreg s25  }
0x15: {  	s29 =	sadd.s32 $0x9C86, s6;
	[dreg:$0xc] =	wrdreg s26;
	s11 =	sadd.s32 $0x4E480, s8  }
0x16: {  	s8 =	sadd.s32 $0x280, s8;
	s17 =	sadd.s32 $0x9C72, s6;
	s20 =	sadd.s32 $0x3C, s6  }
0x17: {  	s22 =	sadd.s32 $0x17C00, s0;
	s23 =	smax.u32 s10, $0x1;
	s24 =	sshrl.u32 s13, $0x3  }
0x18: {  	s25 =	sshrl.u32 s18, $0x3;
	s26 =	sadd.s32 $0x9C7C, s6;
	s11 =	sshrl.u32 s11, $0x3  }
0x19: {  	s0 =	simm.s32 $0x1;
	s8 =	sshrl.u32 s8, $0x3;
	s12 =	sadd.s32 s11, s9  }
0x1a: {  	v0 =	vimm.f32 $1.000000000e+00;
	s11 =	sadd.s32 s8, s9;
	s8 =	simm.s32 $0x2;
	s9 =	simm.s32 $0x0  }
.LBB2_1:
0x1b: {  	[spmem:s24], [sflag:s5] =	dma.local [hbm:s4], $0x50  }
0x1c: {  	_ =	swait.ge [sflag:s30], $0x50  }
0x1d: {  	[sflag:s30] =	ssyncset.done $0x0  }
0x1e: {  	[sflag:s30] =	ssyncadd.s32 $0xFFFFFFB0  }
0x1f: {  	[spmem:s25], [sflag:s5] =	dma.local [hbm:s4], $0x50  }
0x20: {  	_ =	swait.ge [sflag:s30], $0x50  }
0x21: {  	[sflag:s30] =	ssyncset.done $0x0  }
0x22: {  	[sflag:s30] =	ssyncadd.s32 $0xFFFFFFB0  }
0x23: {  	[tilespmem:$0xD00] =	vst v0  }
0x24: {  	[tilespmem:$0xD10] =	vst v0  }
0x25: {  	[tilespmem:$0xD20] =	vst v0  }
0x26: {  	[tilespmem:$0xD30] =	vst v0  }
0x27: {  	s10 =	simm.s32 $0xD80;
	[tilespmem:$0xD40] =	vst v0  }
0x28: {  	[tilespmem:s10], [sflag:$0x1] =	stream.linear.gather [hbm4b:s6+s3], $0x50, $0x38;
	[tilespmem:$0x1580] =	vst v63  }
0x29: {  	s14 =	rddreg [dreg:$0x4]  }
0x2a: {  	[tilespmem:s3], [sflag:$0x1] =	stream.linear.gather [hbm4b:s14+s3], $0x50, $0x38;
	[tilespmem:$0x1580] =	vst v63  }
0x2b: {  	s13 =	simm.s32 $0xE00;
	s15 =	rddreg [dreg:$0x5]  }
0x2c: {  	[tilespmem:s13], [sflag:$0x1] =	stream.linear.gather [hbm4b:s15+s3], $0x50, $0x38;
	[tilespmem:$0x1580] =	vst v63  }
0x2d: {  	s19 =	simm.s32 $0x80;
	s18 =	rddreg [dreg:$0x6]  }
0x2e: {  	[tilespmem:s19], [sflag:$0x1] =	stream.linear.gather [hbm4b:s18+s3], $0x50, $0x38;
	[tilespmem:$0x1580] =	vst v63  }
0x2f: {  	s14 =	rddreg [dreg:$0x7];
	s15 =	simm.s32 $0xE80  }
0x30: {  	[tilespmem:s15], [sflag:$0x1] =	stream.linear.gather [hbm4b:s14+s3], $0x50, $0x38;
	[tilespmem:$0x1580] =	vst v63  }
0x31: {  	s18 =	rddreg [dreg:$0x8];
	s19 =	simm.s32 $0x100  }
0x32: {  	[tilespmem:s19], [sflag:$0x1] =	stream.linear.gather [hbm4b:s18+s3], $0x50, $0x38;
	[tilespmem:$0x1580] =	vst v63  }
0x33: {  	s14 =	rddreg [dreg:$0x9];
	s15 =	simm.s32 $0xF00  }
0x34: {  	[tilespmem:s15], [sflag:$0x1] =	stream.linear.gather [hbm4b:s14+s3], $0x50, $0x38;
	[tilespmem:$0x1580] =	vst v63  }
0x35: {  	s18 =	rddreg [dreg:$0xa];
	s19 =	simm.s32 $0x180  }
0x36: {  	[tilespmem:s19], [sflag:$0x1] =	stream.linear.gather [hbm4b:s18+s3], $0x50, $0x38;
	[tilespmem:$0x1580] =	vst v63  }
0x37: {  	s13 =	rddreg [dreg:$0xb];
	s14 =	simm.s32 $0xF80  }
0x38: {  	[tilespmem:s14], [sflag:$0x1] =	stream.linear.gather [hbm4b:s13+s3], $0x50, $0x38;
	[tilespmem:$0x1580] =	vst v63  }
0x39: {  	s15 =	rddreg [dreg:$0xc];
	s18 =	simm.s32 $0x200  }
0x3a: {  	[tilespmem:s18], [sflag:$0x1] =	stream.linear.gather [hbm4b:s15+s3], $0x50, $0x38;
	[tilespmem:$0x1580] =	vst v63  }
0x3b: {  	s19 =	simm.s32 $0x1000  }
0x3c: {  	[tilespmem:s19], [sflag:$0x1] =	stream.linear.gather [hbm4b:s16+s3], $0x50, $0x38;
	[tilespmem:$0x1580] =	vst v63  }
0x3d: {  	s13 =	simm.s32 $0x280  }
0x3e: {  	[tilespmem:s13], [sflag:$0x1] =	stream.linear.gather [hbm4b:s17+s3], $0x50, $0x38;
	[tilespmem:$0x1580] =	vst v63  }
0x3f: {  	s14 =	simm.s32 $0x1080  }
0x40: {  	[tilespmem:s14], [sflag:$0x1] =	stream.linear.gather [hbm4b:s20+s3], $0x50, $0x38;
	[tilespmem:$0x1580] =	vst v63  }
0x41: {  	s15 =	simm.s32 $0x300  }
0x42: {  	[tilespmem:s15], [sflag:$0x1] =	stream.linear.gather [hbm4b:s26+s3], $0x50, $0x38;
	[tilespmem:$0x1580] =	vst v63  }
0x43: {  	s18 =	simm.s32 $0x1100  }
0x44: {  	[tilespmem:s18], [sflag:$0x1] =	stream.linear.gather [hbm4b:s28+s3], $0x50, $0x38;
	[tilespmem:$0x1580] =	vst v63  }
0x45: {  	s10 =	simm.s32 $0x400;
	s19 =	simm.s32 $0x380;
	s13 =	simm.s32 $0x0  }
0x46: {  	[tilespmem:s19], [sflag:$0x1] =	stream.linear.gather [hbm4b:s29+s3], $0x50, $0x38;
	[tilespmem:$0x1580] =	vst v63  }
0x47: {  	s18 =	smov.u32 s12;
	s19 =	smov.u32 s11;
	[bflag:$0x0] =	sbarrier.arrive $0xFFFF  }
.LBB2_2:
0x48: {  	p1 =	slt.u32 s13, $0x8  }
0x49: {  	s14 =	simm.s32 @!p1 $0x2  }
0x4a: {  	_ =	swait.ge @!p1 [sflag:s14], $0x50  }
0x4b: {  	[sflag:s14] =	ssyncset.done @!p1 $0x0  }
0x4c: {  	[sflag:s14] =	ssyncadd.s32 @!p1 $0xFFFFFFB0  }
0x4d: {  	p2 =	sgt.u32 @!p1 s13, $0x74;
	_ =	swait.ge @!p1 [sflag:s14], $0x50  }
0x4e: {  	p2 =	por p1, !p2;
	[sflag:s14] =	ssyncset.done @!p1 $0x0  }
0x4f: {  	[sflag:s14] =	ssyncadd.s32 @!p1 $0xFFFFFFB0;
	s14 =	sand.u32 @p2 $0x780, s10  }
0x50: {  	s15 =	sadd.s32 @p2 $0xD80, s14  }
0x51: {  	[tilespmem:s15], [sflag:$0x1] =	stream.linear.gather @p2 [hbm4b:s19+s3], $0x50, $0x38;
	[tilespmem:$0x1580] =	vst v63  }
0x52: {  	_ = 	snop  }
0x53: {  	[tilespmem:s14], [sflag:$0x1] =	stream.linear.gather @p2 [hbm4b:s18+s3], $0x50, $0x38;
	[tilespmem:$0x1580] =	vst v63  }
0x54: {  	_ =	swait.ge [sflag:s0], $0x50  }
0x55: {  	[sflag:s0] =	ssyncset.done $0x0  }
0x56: {  	s13 =	sadd.s32 $0x1, s13;
	[sflag:s0] =	ssyncadd.s32 $0xFFFFFFB0  }
0x57: {  	p1 =	sne.s32 s13, $0x7D;
	s15 =	sadd.s32 $0xFFFFFC00, s10;
	_ =	swait.ge [sflag:s0], $0x50  }
.Ltmp0:
0x58: {  	s14 =	sand.u32 $0x780, s15;
	[sflag:s0] =	ssyncset.done $0x0;
	(pc) =	sbr.rel @p1 .LBB2_2-.Ltmp0, $4  }
0x59: {  	s15 =	sadd.s32 $0xD80, s14;
	[sflag:s0] =	ssyncadd.s32 $0xFFFFFFB0  }
0x5a: {  	[spmem:s1] =	stream.indirect.scatter.add.f32 [tilespmem:s7], [sflag:$0x2], $0x1, s15, s31, $0xb8;
	[tilespmem:$0x1580] =	vst v63  }
0x5b: {  	s10 =	sadd.s32 $0x80, s10;
	s19 =	sadd.s32 $0xA, s19;
	s18 =	sadd.s32 $0xA, s18  }
0x5c: {  	[spmem:s2] =	stream.indirect.scatter.add.f32 [tilespmem:s7], [sflag:$0x2], $0x1, s14, s31, $0xb8;
	[tilespmem:$0x1580] =	vst v63  }
0x5d: {  	_ =	swait.ge [sflag:s8], $0x50  }
0x5e: {  	[sflag:s8] =	ssyncset.done $0x0  }
0x5f: {  	[sflag:s8] =	ssyncadd.s32 $0xFFFFFFB0  }
0x60: {  	_ =	swait.ge [sflag:s8], $0x50  }
0x61: {  	[sflag:s8] =	ssyncset.done $0x0  }
0x62: {  	[sflag:s8] =	ssyncadd.s32 $0xFFFFFFB0  }
0x63: {  	_ =	swait.ge [sflag:s8], $0x50  }
0x64: {  	[sflag:s8] =	ssyncset.done $0x0  }
0x65: {  	[sflag:s8] =	ssyncadd.s32 $0xFFFFFFB0  }
0x66: {  	_ =	swait.ge [sflag:s8], $0x50  }
0x67: {  	[sflag:s8] =	ssyncset.done $0x0  }
0x68: {  	[sflag:s8] =	ssyncadd.s32 $0xFFFFFFB0  }
0x69: {  	_ =	swait.ge [sflag:s8], $0x50  }
0x6a: {  	[sflag:s8] =	ssyncset.done $0x0  }
0x6b: {  	[sflag:s8] =	ssyncadd.s32 $0xFFFFFFB0  }
0x6c: {  	_ =	swait.ge [sflag:s8], $0x50  }
0x6d: {  	[sflag:s8] =	ssyncset.done $0x0  }
0x6e: {  	[sflag:s8] =	ssyncadd.s32 $0xFFFFFFB0  }
0x6f: {  	_ =	swait.ge [sflag:s8], $0x50  }
0x70: {  	[sflag:s8] =	ssyncset.done $0x0  }
0x71: {  	[sflag:s8] =	ssyncadd.s32 $0xFFFFFFB0  }
0x72: {  	_ =	swait.ge [sflag:s8], $0x50  }
0x73: {  	[sflag:s8] =	ssyncset.done $0x0  }
0x74: {  	[sflag:s8] =	ssyncadd.s32 $0xFFFFFFB0  }
0x75: {  	_ =	swait.ge [sflag:s8], $0x50  }
0x76: {  	[sflag:s8] =	ssyncset.done $0x0  }
0x77: {  	[sflag:s8] =	ssyncadd.s32 $0xFFFFFFB0  }
0x78: {  	_ =	swait.ge [sflag:s8], $0x50  }
0x79: {  	[sflag:s8] =	ssyncset.done $0x0  }
0x7a: {  	[sflag:s8] =	ssyncadd.s32 $0xFFFFFFB0  }
0x7b: {  	_ =	swait.ge [sflag:s8], $0x50  }
0x7c: {  	[sflag:s8] =	ssyncset.done $0x0  }
0x7d: {  	[sflag:s8] =	ssyncadd.s32 $0xFFFFFFB0  }
0x7e: {  	_ =	swait.ge [sflag:s8], $0x50  }
0x7f: {  	[sflag:s8] =	ssyncset.done $0x0  }
0x80: {  	[sflag:s8] =	ssyncadd.s32 $0xFFFFFFB0  }
0x81: {  	_ =	swait.ge [sflag:s8], $0x50  }
0x82: {  	[sflag:s8] =	ssyncset.done $0x0  }
0x83: {  	[sflag:s8] =	ssyncadd.s32 $0xFFFFFFB0  }
0x84: {  	_ =	swait.ge [sflag:s8], $0x50  }
0x85: {  	[sflag:s8] =	ssyncset.done $0x0  }
0x86: {  	[sflag:s8] =	ssyncadd.s32 $0xFFFFFFB0  }
0x87: {  	_ =	swait.ge [sflag:s8], $0x50  }
0x88: {  	[sflag:s8] =	ssyncset.done $0x0  }
0x89: {  	[sflag:s8] =	ssyncadd.s32 $0xFFFFFFB0  }
0x8a: {  	_ =	swait.ge [sflag:s8], $0x50  }
0x8b: {  	[sflag:s8] =	ssyncset.done $0x0  }
0x8c: {  	s10 =	sshrl.u32 @!p0 s1, $0x3;
	s13 =	simm.s32 @!p0 $0x1;
	[sflag:s8] =	ssyncadd.s32 $0xFFFFFFB0  }
0x8d: {  	s14 =	simm.s32 @!p0 $0x20;
	s15 =	simm.s32 @!p0 $0x10;
	[bflag:$0x0] =	sbarrier.arrive $0xFFFF  }
0x8e: {  	[hbm:s21@s14], [sflag:s5] =	dma.strided @!p0 [spmem:s10@s15], $0x500, s13, $0x10   }
0x8f: {  	s10 =	simm.s32 @!p0 $0x3  }
0x90: {  	s9 =	sadd.s32 $0x1, s9;
	_ =	swait.ge @!p0 [sflag:s10], $0x500  }
0x91: {  	p1 =	sne.s32 s9, s23;
	[sflag:s10] =	ssyncset.done @!p0 $0x0  }
.Ltmp1:
0x92: {  	s18 =	sshrl.u32 @!p0 s2, $0x3;
	[sflag:s10] =	ssyncadd.s32 @!p0 $0xFFFFFB00;
	(pc) =	sbr.rel @p1 .LBB2_1-.Ltmp1, $4  }
0x93: {  	[hbm:s22@s14], [sflag:s5] =	dma.strided @!p0 [spmem:s18@s15], $0x500, s13, $0x10   }
0x94: {  	_ =	swait.ge @!p0 [sflag:s10], $0x500  }
0x95: {  	[sflag:s10] =	ssyncset.done @!p0 $0x0  }
0x96: {  	[sflag:s10] =	ssyncadd.s32 @!p0 $0xFFFFFB00  }
0x97: {  	_ =	sfence.sel $0x180000  }
0x98: {  	[bflag:$0x0] =	sbarrier.arrive $0xFFFF  }
0x99: {  	_ =	strace $0x90000047  }
0x9a: {  	[bflag:$0x2] =	sbarrier.arrive $0xFFFF  }
0x9b: {  	s0 =	rddreg [dreg:$0x3]  }
0x9c: {  	s0 =	sadd.s32 @!p0 $0x100000, s0  }
0x9d: {  	[sflag:s0] =	ssyncadd.tile.s32 @!p0 $0x1;
	_ =	shalt  }
.Lfunc_end2:
_tile_overlayer_lowered:
.L_overlay_start_2:
0x9e: {  	(tag) =	ssettag $0x2  }
0x9f: {  	s0 =	rddreg [dreg:$0x0];
	s2 =	stileid.u32  }
0xa0: {  	s1 =	rddreg [dreg:$0x1];
	p0 =	sne.s32 s2, $0x0  }
0xa1: {  	s3 =	rddreg [dreg:$0x2];
	[bflag:$0x3] =	sbarrier.arrive $0xFFFF;
	s2 =	simm.s32 @!p0 $0x1C03  }
0xa2: {  	[timem:s3], [sflag:s2] =	dma.local @!p0 [hbm:s0], s1  }
0xa3: {  	s0 =	simm.s32 @!p0 $0x3  }
0xa4: {  	_ =	swait.ge @!p0 [sflag:s0], s1  }
0xa5: {  	s1 =	ssub.s32 @!p0 $0x0, s1;
	[sflag:s0] =	ssyncset.done @!p0 $0x0  }
0xa6: {  	[sflag:s0] =	ssyncadd.s32 @!p0 s1  }
0xa7: {  	[bflag:$0x3] =	sbarrier.arrive $0xFFFF  }
0xa8: {  	_ =	shalt  }

// kernel: kernel.9.cloned.1.call-start
scs
__scs_entry_jumppad:
0x0: {  	(pc) =	sbr.rel $0x88, $3  }
0x1: {  	(tag) =	ssettag $0x0;
	lr =	simm.s32 $0x1  }
0x2: {  	[smem:$0x3F99] =	sst lr;
	_ =	strace $0xD0000000  }
0x3: {  	_ = 	snop  }
0x4: {  	_ = 	snop  }
0x5: {  	_ = 	snop  }
0x6: {  	_ = 	snop  }
0x7: {  	_ = 	snop  }
__scs_overlays_trampoline_lowered:
0x8: {  	[smem:$0x3FA8] =	sst s0  }
0x9: {  	[smem:$0x3FA9] =	sst s1  }
0xa: {  	[smem:$0x3FAA] =	sst s2  }
0xb: {  	[smem:$0x3FAB] =	sst s3  }
0xc: {  	[smem:$0x3FAC] =	sst s4  }
0xd: {  	[smem:$0x3FAD] =	sst s5  }
0xe: {  	[smem:$0x3FAE] =	sst s6  }
0xf: {  	[smem:$0x3FAF] =	sst s7  }
0x10: {  	[smem:$0x3FB0] =	sst s8  }
0x11: {  	[smem:$0x3FB1] =	sst s9;
	s0 =	simm.s32 @!p0 $0x0  }
0x12: {  	s1 =	sld [smem:$0x3F97];
	s0 =	simm.s32 @p0 $0x1  }
0x13: {  	[smem:$0x3FB2] =	sst s0;
	s0 =	simm.s32 @!p1 $0x0  }
0x14: {  	s2 =	sld [smem:$0x3F96];
	s0 =	simm.s32 @p1 $0x1  }
0x15: {  	[smem:$0x3FB3] =	sst s0;
	s0 =	simm.s32 @!p2 $0x0  }
0x16: {  	s3 =	sld [smem:$0x3FDB];
	s0 =	simm.s32 @p2 $0x1  }
0x17: {  	s4 =	simm.s32 $0x1BF5;
	[smem:$0x3FB5] =	sst s0  }
0x18: {  	s0 =	sld [smem:$0x3F98];
	_ =	swait.ge [sflag:s4], $0x0  }
0x19: {  	s7 =	sld [smem:$0x3F99]  }
0x1a: {  	s8 =	sadd.s32 $0xFFFFE003, lr  }
0x1b: {  	s9 =	sadd.s32 $0xFFFFFEF7, lr;
	s5 =	simm.s32 $0xFFFFFFFF;
	p2 =	slt.u32 s8, $0xFFFFF086  }
0x1c: {  	p1 =	slt.u32 s9, $0xF7A;
	s5 =	simm.s32 @!p2 $0x0  }
0x1d: {  	s5 =	simm.s32 @p1 $0x1;
	p0 =	seq.s32 s7, s2  }
0x1e: {  	s7 =	smul.u32 @!p0 $0xF7A, s2;
	p2 =	seq.s32 @!p0 s5, $0x0  }
0x1f: {  	s9 =	smul.u32 $0xF7A, s1;
	s8 =	simm.s32 @!p0 $0x1BF5;
	p2 =	por !p2, p0  }
0x20: {  	[sflag:s8] =	ssyncset.s32 @!p0 $0xFFFFF086;
	s6 =	sadd.s32 @!p0 s3, s7;
	s7 =	simm.s32 @!p0 $0x108  }
0x21: {  	s3 =	sadd.s32 s3, s9;
	s6 =	sadd.s32 @!p0 $0x88, s6;
	s7 =	simm.s32 @p2 $0x1082  }
0x22: {  	[simem:s7], [sflag:s8] =	dma.local @!p0 [hbm:s6], $0xF7A  }
0x23: {  	s9 =	sor.u32 $0xD0000000, s2;
	s6 =	simm.s32 $0x108;
	_ =	swait.ge @!p0 [sflag:s8], $0x0  }
0x24: {  	s3 =	sadd.s32 $0x88, s3;
	s6 =	simm.s32 @!p1 $0x1082;
	[sflag:s4] =	ssyncset.s32 $0xFFFFF086  }
0x25: {  	[simem:s6], [sflag:s4] =	dma.local [hbm:s3], $0xF7A  }
0x26: {  	[smem:$0x3F99] =	sst s1;
	(tag) =	ssettag s2;
	_ =	strace s9  }
0x27: {  	s1 =	sld [smem:$0x3FA9]  }
0x28: {  	s2 =	sld [smem:$0x3FAA]  }
0x29: {  	s4 =	sld [smem:$0x3FAC]  }
0x2a: {  	p0 =	seq.s32 s5, $0x0;
	s5 =	sld [smem:$0x3FAD]  }
0x2b: {  	s6 =	sld [smem:$0x3FAE]  }
0x2c: {  	s7 =	sld [smem:$0x3FAF]  }
0x2d: {  	s3 =	simm.s32 $0x108;
	s8 =	sld [smem:$0x3FB0]  }
0x2e: {  	s3 =	simm.s32 @!p0 $0x1082;
	s9 =	sld [smem:$0x3FB1]  }
0x2f: {  	lr =	sadd.s32 s0, s3;
	s0 =	sld [smem:$0x3FA8]  }
0x30: {  	s3 =	sld [smem:$0x3FAB]  }
0x31: {  	[smem:$0x3FB4] =	sst s10  }
0x32: {  	s10 =	sld [smem:$0x3FB2];
	_ =	sdelay $0x3  }
0x33: {  	p0 =	seq.s32 s10, $0x1;
	s10 =	sld [smem:$0x3FB4];
	_ =	sdelay $0x3  }
0x34: {  	[smem:$0x3FB4] =	sst s10  }
0x35: {  	s10 =	sld [smem:$0x3FB3];
	_ =	sdelay $0x3  }
0x36: {  	p1 =	seq.s32 s10, $0x1;
	s10 =	sld [smem:$0x3FB4];
	_ =	sdelay $0x3  }
0x37: {  	[smem:$0x3FB4] =	sst s10  }
0x38: {  	s10 =	sld [smem:$0x3FB5]  }
0x39: {  	_ = 	snop;
	(pc) =	sbr.ind lr, $3  }
0x3a: {  	_ = 	snop  }
0x3b: {  	_ = 	snop  }
0x3c: {  	p2 =	seq.s32 s10, $0x1;
	s10 =	sld [smem:$0x3FB4]  }
0x3d: {  	_ =	shalt  }
0x3e: {  	_ =	shalt  }
0x3f: {  	_ =	shalt  }
0x40: {  	_ =	shalt  }
0x41: {  	_ =	shalt  }
0x42: {  	_ =	shalt  }
0x43: {  	_ =	shalt  }
0x44: {  	_ =	shalt  }
0x45: {  	_ =	shalt  }
0x46: {  	_ =	shalt  }
0x47: {  	_ =	shalt  }
0x48: {  	_ =	shalt  }
0x49: {  	_ =	shalt  }
0x4a: {  	_ =	shalt  }
0x4b: {  	_ =	shalt  }
0x4c: {  	_ =	shalt  }
0x4d: {  	_ =	shalt  }
0x4e: {  	_ =	shalt  }
0x4f: {  	_ =	shalt  }
0x50: {  	_ =	shalt  }
0x51: {  	_ =	shalt  }
0x52: {  	_ =	shalt  }
0x53: {  	_ =	shalt  }
0x54: {  	_ =	shalt  }
0x55: {  	_ =	shalt  }
0x56: {  	_ =	shalt  }
0x57: {  	_ =	shalt  }
0x58: {  	_ =	shalt  }
0x59: {  	_ =	shalt  }
0x5a: {  	_ =	shalt  }
0x5b: {  	_ =	shalt  }
0x5c: {  	_ =	shalt  }
0x5d: {  	_ =	shalt  }
0x5e: {  	_ =	shalt  }
0x5f: {  	_ =	shalt  }
0x60: {  	_ =	shalt  }
0x61: {  	_ =	shalt  }
0x62: {  	_ =	shalt  }
0x63: {  	_ =	shalt  }
0x64: {  	_ =	shalt  }
0x65: {  	_ =	shalt  }
0x66: {  	_ =	shalt  }
0x67: {  	_ =	shalt  }
0x68: {  	_ =	shalt  }
0x69: {  	_ =	shalt  }
0x6a: {  	_ =	shalt  }
0x6b: {  	_ =	shalt  }
0x6c: {  	_ =	shalt  }
0x6d: {  	_ =	shalt  }
0x6e: {  	_ =	shalt  }
0x6f: {  	_ =	shalt  }
0x70: {  	_ =	shalt  }
0x71: {  	_ =	shalt  }
0x72: {  	_ =	shalt  }
0x73: {  	_ =	shalt  }
0x74: {  	_ =	shalt  }
0x75: {  	_ =	shalt  }
0x76: {  	_ =	shalt  }
0x77: {  	_ =	shalt  }
0x78: {  	_ =	shalt  }
0x79: {  	_ =	shalt  }
0x7a: {  	_ =	shalt  }
0x7b: {  	_ =	shalt  }
0x7c: {  	_ =	shalt  }
0x7d: {  	_ =	shalt  }
0x7e: {  	_ =	shalt  }
0x7f: {  	_ =	shalt  }
0x80: {  	_ =	shalt  }
0x81: {  	_ =	shalt  }
0x82: {  	_ =	shalt  }
0x83: {  	_ =	shalt  }
0x84: {  	_ =	shalt  }
0x85: {  	_ =	shalt  }
0x86: {  	_ =	shalt  }
0x87: {  	_ =	shalt  }
.Lfunc_end0:
.L_simem_size_0:
called_computation.1_lowered:
.L_overlay_start_0:
0x88: {  	s2 =	sld [smem:$0x3FD9]  }
0x89: {  	s3 =	sld [smem:$0x3FFE];
	_ =	sdelay $0x1  }
0x8a: {  	s1 =	srdreg.scid  }
0x8b: {  	s0 =	sand.u32 $0x1, s1  }
0x8c: {  	s16 =	sshll.u32 s0, $0xA;
	s2 =	sadd.s32 s3, s2  }
0x8d: {  	s2 =	sadd.s32 s2, s16  }
0x8e: {  	[smem:$0x3FC0] =	sst s2  }
0x8f: {  	_ = 	snop  }
0x90: {  	(tm) =	ssettm $0x1  }
0x91: {  	s17 =	sld [smem:$0x3FFB];
	_ =	sdelay $0x3  }
0x92: {  	_ =	strace s17  }
0x93: {  	s2 =	sld [smem:$0x3FFC];
	_ =	sdelay $0x3  }
0x94: {  	_ =	strace s2  }
0x95: {  	s2 =	sld [smem:$0x3FFD];
	_ =	sdelay $0x3  }
0x96: {  	_ =	strace s2  }
0x97: {  	_ =	strace $0x8FFFFFFF  }
0x98: {  	s18 =	sld [smem:$0x3FDB];
	_ =	sdelay $0x1  }
0x99: {  	s19 =	simm.s32 $_scs_section_size  }
0x9a: {  	s4 =	simm.s32 $_size__tile_overlayer_lowered;
	s5 =	simm.s32 $_tile_overlayer_lowered  }
0x9b: {  	s22 =	simm.s32 $0x1BFF;
	s21 =	sshll.u32 s5, $0x1;
	s2 =	sadd.s32 s19, s18  }
0x9c: {  	s6 =	simm.s32 $0x0;
	s20 =	sshll.u32 s4, $0x1;
	s4 =	sadd.s32 s21, s2  }
0x9d: {  	[timem:s6], [sflag:s22] =	dma.local [hbm:s4], s20  }
0x9e: {  	_ =	swait.ge [sflag:s22], s20  }
0x9f: {  	s3 =	ssub.s32 $0x0, s20;
	[sflag:s22] =	ssyncset.done $0x0  }
0xa0: {  	[sflag:s22] =	ssyncadd.s32 s3;
	_ =	sdelay $0x1  }
0xa1: {  	s23 =	simm.s32 $0x1B8B  }
0xa2: {  	_ =	swait.ge [sflag:s23], $0x1  }
0xa3: {  	[sflag:s23] =	ssyncset.done $0x0  }
0xa4: {  	s25 =	simm.s32 $0x1B8E;
	s24 =	sld [smem:$0x3FFE];
	[sflag:s23] =	ssyncadd.s32 $0xFFFFFFFF  }
0xa5: {  	s26 =	simm.s32 $execute0_lowered;
	[smem:$0x3FD2] =	sst s25  }
0xa6: {  	s4 =	sshll.u32 s26, $0x1;
	_ =	strace $0x80000049;
	[dreg:$0x1] =	wrdreg $0xFFFFFFFF  }
0xa7: {  	s28 =	simm.s32 $_size_execute0_lowered;
	s2 =	sadd.s32 s2, s4;
	[dreg:$0x0] =	wrdreg $0x0  }
0xa8: {  	s4 =	sshll.u32 s28, $0x1;
	[dreg:$0x2] =	wrdreg s2  }
0xa9: {  	[dreg:$0x3] =	wrdreg s4  }
0xaa: {  	[dreg:$0x4] =	wrdreg $0xC0  }
0xab: {  	_ =	task [dreg:s6], $0x5FFFF  }
0xac: {  	[dreg:$0x1] =	wrdreg $0xFFFFFFFF  }
0xad: {  	[dreg:$0x0] =	wrdreg $0x60  }
0xae: {  	[dreg:$0x2] =	wrdreg s24  }
0xaf: {  	[dreg:$0x3] =	wrdreg $0x0  }
0xb0: {  	[dreg:$0x4] =	wrdreg $0x1E8000  }
0xb1: {  	[dreg:$0x5] =	wrdreg $0x9  }
0xb2: {  	_ =	task.clear_ibuf [dreg:s6], $0x6FFFF;
	_ =	strace $0x90000049  }
0xb3: {  	s29 =	simm.s32 $0x9;
	_ =	strace $0x8000004B  }
0xb4: {  	_ =	swait.ge [sflag:s29], $0x1  }
0xb5: {  	[sflag:s29] =	ssyncadd.s32 $0xFFFFFFFF  }
0xb6: {  	_ =	strace $0x9000004B  }
0xb7: {  	_ =	sfence  }
0xb8: {  	s30 =	sld [smem:$0x0];
	_ =	sdelay $0x2  }
0xb9: {  	s31 =	sshll.u32 s1, $0xD;
	s1 =	sshrl.u32 s1, $0x2  }
0xba: {  	s3 =	sand.u32 $0x4000, s31;
	s1 =	sadd.s32 s1, s30  }
0xbb: {  	s0 =	sor.u32 s3, s0;
	s1 =	sshll.u32 s1, $0x11  }
0xbc: {  	s0 =	sor.u32 s1, s0  }
0xbd: {  	s0 =	sadd.s32 $0x8F2B, s0  }
0xbe: {  	[sflag:s0] =	ssyncadd.remote.s32 $0x1  }
0xbf: {  	_ =	sfence.sel $0xFFFF  }
0xc0: {  	[dreg:$0x0] =	wrdreg $0xFFFFFFFF;
	(pc) =	sbr.abs _section_cstart, $3  }
0xc1: {  	[dreg:$0x1] =	wrdreg $0xFFFFFFFF  }
0xc2: {  	_ =	task.clear_ibuf [dreg:s6], $0x2FFFF;
	_ =	strace $0x9FFFFFFF  }
0xc3: {  	(tm) =	ssettm $0x7FFFFFFF  }
tec
execute0_lowered:
.L_overlay_start_1:
0x0: {  	(tag) =	ssettag $0x1  }
0x1: {  	s0 =	rddreg [dreg:$0x0]  }
0x2: {  	s1 =	rddreg [dreg:$0x1];
	s17 =	stileid.u32  }
0x3: {  	s2 =	rddreg [dreg:$0x2];
	s8 =	smul.u32 $0x14000, s17  }
0x4: {  	s3 =	srdreg.scid;
	s10 =	smul.u32 $0x280, s17  }
0x5: {  	s4 =	sand.u32 $0x1, s3;
	s3 =	simm.s32 $0x0;
	s13 =	smul.u32 $0x50000, s17  }
0x6: {  	s9 =	sadd.s32 $0x3200, s0;
	s5 =	sadd.s32 $0x16C00, s0;
	s29 =	smul.u32 $0x2710, s17  }
0x7: {  	s6 =	sadd.s32 $0x3EC00, s0;
	p0 =	sne.s32 s17, $0x0;
	s7 =	smul.u32 $0x140000, s4  }
0x8: {  	[smem:$0x7FF] =	sst s3;
	s31 =	ssub.s32 $0x2, s4;
	s11 =	sshll.u32 s4, $0x4  }
0x9: {  	s4 =	smul.u32 $0x27100, s4;
	_ =	strace $0x8000004A;
	s12 =	sshrl.u32 s31, $0x1  }
0xa: {  	s15 =	sor.u32 s17, s11;
	s16 =	sshrl.u32 s13, $0x2;
	s18 =	sor.u32 $0x50, s10  }
0xb: {  	s21 =	sadd.s32 $0xA0, s10;
	s25 =	sadd.s32 $0x140, s10;
	s28 =	sadd.s32 $0x190, s10  }
0xc: {  	s17 =	simm.s32 $0x3;
	s7 =	sadd.s32 s8, s7;
	s8 =	ssub.s32 s31, s12  }
0xd: {  	s19 =	smul.u32 $0x2710, s15;
	s20 =	sshll.u32 s18, $0x7;
	s15 =	sadd.s32 $0xF0, s10  }
0xe: {  	s12 =	sadd.s32 s18, s2;
	s22 =	sshll.u32 s21, $0x7;
	s26 =	sshll.u32 s25, $0x7  }
0xf: {  	s30 =	sshll.u32 s28, $0x7;
	s31 =	sadd.s32 s28, s2;
	s4 =	sadd.s32 s29, s4  }
0x10: {  	s7 =	sshrl.u32 s7, $0x3;
	[dreg:$0x5] =	wrdreg s12;
	s12 =	sadd.s32 s22, s1  }
0x11: {  	s24 =	sadd.s32 s15, s2;
	[dreg:$0xd] =	wrdreg s31;
	s13 =	sadd.s32 $0x4E340, s4  }
0x12: {  	s4 =	sadd.s32 $0x140, s4;
	s14 =	sadd.s32 s7, s0;
	s0 =	sadd.s32 s11, s0  }
0x13: {  	s7 =	sadd.s32 s16, s1;
	s11 =	sadd.s32 s20, s1;
	[dreg:$0x6] =	wrdreg s12  }
0x14: {  	s16 =	sshll.u32 s15, $0x7;
	[dreg:$0x9] =	wrdreg s24;
	s12 =	sadd.s32 s26, s1  }
0x15: {  	s15 =	sshrl.u32 s13, $0x3;
	s4 =	sshrl.u32 s4, $0x3;
	[dreg:$0x4] =	wrdreg s11  }
0x16: {  	s20 =	sadd.s32 $0x230, s10;
	s11 =	sadd.s32 s21, s2;
	[dreg:$0xa] =	wrdreg s12  }
0x17: {  	s23 =	sadd.s32 s16, s1;
	s12 =	sshrl.u32 s19, $0x3;
	[dreg:$0x7] =	wrdreg s11  }
0x18: {  	s4 =	sadd.s32 s4, s9;
	s16 =	sadd.s32 $0x1E0, s10;
	[dreg:$0x8] =	wrdreg s23  }
0x19: {  	s19 =	sadd.s32 s10, s2;
	s22 =	sshll.u32 s20, $0x7;
	[dreg:$0xf] =	wrdreg s4  }
0x1a: {  	s24 =	sadd.s32 $0x3F200, s14;
	s0 =	sadd.s32 $0x8F200, s0;
	[dreg:$0x10] =	wrdreg s19  }
0x1b: {  	s14 =	simm.s32 $0x14000;
	s11 =	sadd.s32 s25, s2;
	[dreg:$0x15] =	wrdreg s24  }
0x1c: {  	s18 =	sadd.s32 s9, s12;
	s21 =	sshll.u32 s16, $0x7;
	[dreg:$0x16] =	wrdreg s0  }
0x1d: {  	s4 =	sadd.s32 s16, s2;
	s23 =	sadd.s32 s20, s2;
	[dreg:$0xb] =	wrdreg s11  }
0x1e: {  	s25 =	smax.u32 s8, $0x1;
	s12 =	simm.s32 $0x1EA80;
	[dreg:$0x12] =	wrdreg s4  }
0x1f: {  	s16 =	simm.s32 $0x14080;
	s19 =	simm.s32 $0x50;
	[dreg:$0x14] =	wrdreg s23  }
0x20: {  	s20 =	simm.s32 $0x1;
	s11 =	sadd.s32 s30, s1;
	[dreg:$0x17] =	wrdreg s25  }
0x21: {  	s24 =	simm.s32 $0x6;
	s10 =	sadd.s32 s21, s1;
	[dreg:$0xc] =	wrdreg s11  }
0x22: {  	s4 =	sadd.s32 s22, s1;
	s26 =	sadd.s32 $0x9C40, s18;
	[dreg:$0x11] =	wrdreg s10  }
0x23: {  	s28 =	sadd.s32 $0xA, s18;
	s29 =	sadd.s32 $0x9C4A, s18;
	[dreg:$0x13] =	wrdreg s4  }
0x24: {  	s30 =	sadd.s32 $0x14, s18;
	s31 =	sadd.s32 $0x9C54, s18;
	[dreg:$0x18] =	wrdreg s26  }
.Ltmp0:
0x25: {  	s21 =	simm.s32 $0x4;
	[dreg:$0x19] =	wrdreg s28;
	(pc) =	sbr.rel .LBB2_1-.Ltmp0, $4  }
0x26: {  	s22 =	simm.s32 $0x5;
	s23 =	simm.s32 $0x2;
	[dreg:$0x1a] =	wrdreg s29  }
0x27: {  	s25 =	simm.s32 $0x0;
	s11 =	sadd.s32 s15, s9;
	[dreg:$0x1b] =	wrdreg s30  }
0x28: {  	[dreg:$0x1c] =	wrdreg s31;
	s9 =	sadd.s32 $0x1E, s18;
	s10 =	sadd.s32 $0x9C5E, s18  }
0x29: {  	v0 =	vimm.f32 $0.0e+00;
	s15 =	simm.s32 $0x14480;
	[dreg:$0xe] =	wrdreg s11;
	s11 =	simm.s32 $0x14800  }
.LBB2_9:
0x2a: {  	_ =	swait.ge [sflag:s17], $0x2800  }
0x2b: {  	[sflag:s17] =	ssyncset.done $0x0  }
0x2c: {  	[sflag:s17] =	ssyncadd.s32 $0xFFFFD800  }
0x2d: {  	_ =	swait.ge [sflag:s21], $0x50  }
0x2e: {  	[sflag:s21] =	ssyncset.done $0x0  }
0x2f: {  	[sflag:s21] =	ssyncadd.s32 $0xFFFFFFB0  }
0x30: {  	_ =	swait.ge [sflag:s17], $0x2800  }
0x31: {  	[sflag:s17] =	ssyncset.done $0x0  }
0x32: {  	[sflag:s17] =	ssyncadd.s32 $0xFFFFD800  }
0x33: {  	_ =	swait.ge [sflag:s21], $0x50  }
0x34: {  	[sflag:s21] =	ssyncset.done $0x0  }
0x35: {  	[sflag:s21] =	ssyncadd.s32 $0xFFFFFFB0  }
0x36: {  	_ =	swait.ge [sflag:s17], $0x2800  }
0x37: {  	[sflag:s17] =	ssyncset.done $0x0  }
0x38: {  	[sflag:s17] =	ssyncadd.s32 $0xFFFFD800  }
0x39: {  	_ =	swait.ge [sflag:s21], $0x50  }
0x3a: {  	[sflag:s21] =	ssyncset.done $0x0  }
0x3b: {  	[sflag:s21] =	ssyncadd.s32 $0xFFFFFFB0  }
0x3c: {  	_ =	swait.ge [sflag:s17], $0x2800  }
0x3d: {  	[sflag:s17] =	ssyncset.done $0x0  }
0x3e: {  	[sflag:s17] =	ssyncadd.s32 $0xFFFFD800  }
0x3f: {  	_ =	swait.ge [sflag:s21], $0x50  }
0x40: {  	[sflag:s21] =	ssyncset.done $0x0  }
0x41: {  	s0 =	stileid.u32;
	[sflag:s21] =	ssyncadd.s32 $0xFFFFFFB0  }
0x42: {  	s0 =	sshll.u32 s0, $0x6;
	[bflag:$0x0] =	sbarrier.arrive $0xFFFF  }
0x43: {  	s4 =	sshrl.u32 s7, $0x3;
	s0 =	sor.u32 $0x1C06, s0;
	s8 =	rddreg [dreg:$0x15]  }
0x44: {  	[hbm:s8], [sflag:s0] =	dma.local [spmem:s4], $0x2800  }
0x45: {  	s13 =	simm.s32 @!p0 $0x20;
	_ =	swait.ge [sflag:s24], $0x2800  }
0x46: {  	s26 =	simm.s32 @!p0 $0x10;
	s4 =	sshrl.u32 @!p0 s2, $0x3;
	[sflag:s24] =	ssyncset.done $0x0  }
0x47: {  	s8 =	simm.s32 @!p0 $0x1;
	s28 =	rddreg [dreg:$0x16];
	[sflag:s24] =	ssyncadd.s32 $0xFFFFD800  }
0x48: {  	[hbm:s28@s13], [sflag:s0] =	dma.strided @!p0 [spmem:s4@s26], $0x500, s8, $0x10   }
0x49: {  	s0 =	simm.s32 @!p0 $0x6  }
0x4a: {  	_ =	swait.ge @!p0 [sflag:s0], $0x500  }
0x4b: {  	s25 =	sadd.s32 $0x1, s25;
	s31 =	rddreg [dreg:$0x17]  }
0x4c: {  	p1 =	sne.s32 s25, s31  }
.Ltmp1:
0x4d: {  	_ = 	snop;
	(pc) =	sbr.rel @!p1 .LBB2_10-.Ltmp1, $3  }
0x4e: {  	_ =	sdelay $0x1  }
0x4f: {  	[sflag:s0] =	ssyncset.done @!p0 $0x0  }
0x50: {  	[sflag:s0] =	ssyncadd.s32 @!p0 $0xFFFFFB00  }
.LBB2_1:
0x51: {  	s26 =	simm.s32 $0x0;
	s28 =	simm.s32 $0x200  }
.LBB2_2:
0x52: {  	p1 =	sne.s32 s28, $0x9E00;
	[tilespmem:s26+$0x14870] =	vst v0  }
0x53: {  	[tilespmem:s26+$0x14800] =	vst v0  }
0x54: {  	[tilespmem:s26+$0x14810] =	vst v0  }
.Ltmp2:
0x55: {  	[tilespmem:s26+$0x14820] =	vst v0;
	(pc) =	sbr.rel @p1 .LBB2_2-.Ltmp2, $4  }
0x56: {  	[tilespmem:s26+$0x14830] =	vst v0  }
0x57: {  	[tilespmem:s26+$0x14840] =	vst v0  }
0x58: {  	[tilespmem:s26+$0x14850] =	vst v0  }
0x59: {  	[tilespmem:s26+$0x14860] =	vst v0;
	s26 =	sshra.s32 s28, $0x2;
	s28 =	sadd.s32 $0x200, s28  }
0x5a: {  	[tilespmem:s26+$0x14870] =	vst v0  }
0x5b: {  	[tilespmem:s26+$0x14800] =	vst v0  }
0x5c: {  	[tilespmem:s26+$0x14810] =	vst v0  }
0x5d: {  	[tilespmem:s26+$0x14820] =	vst v0  }
0x5e: {  	[tilespmem:s26+$0x14830] =	vst v0  }
0x5f: {  	[tilespmem:s26+$0x14840] =	vst v0  }
0x60: {  	[tilespmem:s26+$0x14850] =	vst v0  }
0x61: {  	[tilespmem:s26+$0x14860] =	vst v0  }
0x62: {  	[tilespmem:$0x1EA80] =	vst v0  }
0x63: {  	[tilespmem:$0x1EA90] =	vst v0  }
0x64: {  	[tilespmem:$0x1EAA0] =	vst v0  }
0x65: {  	[tilespmem:$0x1EAB0] =	vst v0  }
0x66: {  	[tilespmem:$0x1EAC0] =	vst v0  }
0x67: {  	[spmem:s7] =	stream.linear.scatter [tilespmem:s11], [sflag:$0x3], $0x2800, $0x38;
	[tilespmem:$0x1EC80] =	vst v63  }
0x68: {  	s0 =	rddreg [dreg:$0x10]  }
0x69: {  	[spmem:s0] =	stream.linear.scatter [tilespmem:s12], [sflag:$0x4], $0x50, $0x38;
	[tilespmem:$0x1EC80] =	vst v63  }
0x6a: {  	s13 =	rddreg [dreg:$0x4]  }
0x6b: {  	[spmem:s13] =	stream.linear.scatter [tilespmem:s11], [sflag:$0x3], $0x2800, $0x38;
	[tilespmem:$0x1EC80] =	vst v63  }
0x6c: {  	s26 =	rddreg [dreg:$0x5]  }
0x6d: {  	[spmem:s26] =	stream.linear.scatter [tilespmem:s12], [sflag:$0x4], $0x50, $0x38;
	[tilespmem:$0x1EC80] =	vst v63  }
0x6e: {  	s31 =	rddreg [dreg:$0x6]  }
0x6f: {  	[spmem:s31] =	stream.linear.scatter [tilespmem:s11], [sflag:$0x3], $0x2800, $0x38;
	[tilespmem:$0x1EC80] =	vst v63  }
0x70: {  	s4 =	rddreg [dreg:$0x7]  }
0x71: {  	[spmem:s4] =	stream.linear.scatter [tilespmem:s12], [sflag:$0x4], $0x50, $0x38;
	[tilespmem:$0x1EC80] =	vst v63  }
0x72: {  	s8 =	rddreg [dreg:$0x8]  }
0x73: {  	[spmem:s8] =	stream.linear.scatter [tilespmem:s11], [sflag:$0x3], $0x2800, $0x38;
	[tilespmem:$0x1EC80] =	vst v63  }
0x74: {  	s13 =	rddreg [dreg:$0x9]  }
0x75: {  	[spmem:s13] =	stream.linear.scatter [tilespmem:s12], [sflag:$0x4], $0x50, $0x38;
	[tilespmem:$0x1EC80] =	vst v63  }
0x76: {  	s26 =	rddreg [dreg:$0xa]  }
0x77: {  	[spmem:s26] =	stream.linear.scatter [tilespmem:s11], [sflag:$0x3], $0x2800, $0x38;
	[tilespmem:$0x1EC80] =	vst v63  }
0x78: {  	s31 =	rddreg [dreg:$0xb]  }
0x79: {  	[spmem:s31] =	stream.linear.scatter [tilespmem:s12], [sflag:$0x4], $0x50, $0x38;
	[tilespmem:$0x1EC80] =	vst v63  }
0x7a: {  	s4 =	rddreg [dreg:$0xc]  }
0x7b: {  	[spmem:s4] =	stream.linear.scatter [tilespmem:s11], [sflag:$0x3], $0x2800, $0x38;
	[tilespmem:$0x1EC80] =	vst v63  }
0x7c: {  	s8 =	rddreg [dreg:$0xd]  }
0x7d: {  	[spmem:s8] =	stream.linear.scatter [tilespmem:s12], [sflag:$0x4], $0x50, $0x38;
	[tilespmem:$0x1EC80] =	vst v63  }
0x7e: {  	s13 =	rddreg [dreg:$0x11]  }
0x7f: {  	[spmem:s13] =	stream.linear.scatter [tilespmem:s11], [sflag:$0x3], $0x2800, $0x38;
	[tilespmem:$0x1EC80] =	vst v63  }
0x80: {  	s26 =	rddreg [dreg:$0x12]  }
0x81: {  	[spmem:s26] =	stream.linear.scatter [tilespmem:s12], [sflag:$0x4], $0x50, $0x38;
	[tilespmem:$0x1EC80] =	vst v63  }
0x82: {  	s31 =	rddreg [dreg:$0x13]  }
0x83: {  	[spmem:s31] =	stream.linear.scatter [tilespmem:s11], [sflag:$0x3], $0x2800, $0x38;
	[tilespmem:$0x1EC80] =	vst v63  }
0x84: {  	s4 =	rddreg [dreg:$0x14]  }
0x85: {  	[spmem:s4] =	stream.linear.scatter [tilespmem:s12], [sflag:$0x4], $0x50, $0x38;
	[tilespmem:$0x1EC80] =	vst v63  }
0x86: {  	s4 =	simm.s32 $0x14400  }
0x87: {  	[tilespmem:s4], [sflag:$0x2] =	stream.linear.gather [hbm4b:s18+s3], $0x50, $0x38;
	[tilespmem:$0x1EC80] =	vst v63  }
0x88: {  	s8 =	rddreg [dreg:$0x18]  }
0x89: {  	[tilespmem:s14], [sflag:$0x2] =	stream.linear.gather [hbm4b:s8+s3], $0x50, $0x38;
	[tilespmem:$0x1EC80] =	vst v63  }
0x8a: {  	s13 =	rddreg [dreg:$0x19]  }
0x8b: {  	[tilespmem:s15], [sflag:$0x2] =	stream.linear.gather [hbm4b:s13+s3], $0x50, $0x38;
	[tilespmem:$0x1EC80] =	vst v63  }
0x8c: {  	s26 =	rddreg [dreg:$0x1a]  }
0x8d: {  	[tilespmem:s16], [sflag:$0x2] =	stream.linear.gather [hbm4b:s26+s3], $0x50, $0x38;
	[tilespmem:$0x1EC80] =	vst v63  }
0x8e: {  	s31 =	rddreg [dreg:$0x1b];
	s8 =	simm.s32 $0x14500  }
0x8f: {  	[tilespmem:s8], [sflag:$0x2] =	stream.linear.gather [hbm4b:s31+s3], $0x50, $0x38;
	[tilespmem:$0x1EC80] =	vst v63  }
0x90: {  	s13 =	rddreg [dreg:$0x1c];
	s26 =	simm.s32 $0x14100  }
0x91: {  	[tilespmem:s26], [sflag:$0x2] =	stream.linear.gather [hbm4b:s13+s3], $0x50, $0x38;
	[tilespmem:$0x1EC80] =	vst v63  }
0x92: {  	s31 =	simm.s32 $0x14580  }
0x93: {  	[tilespmem:s31], [sflag:$0x2] =	stream.linear.gather [hbm4b:s9+s3], $0x50, $0x38;
	[tilespmem:$0x1EC80] =	vst v63  }
0x94: {  	s8 =	simm.s32 $0x14180  }
0x95: {  	[tilespmem:s8], [sflag:$0x2] =	stream.linear.gather [hbm4b:s10+s3], $0x50, $0x38;
	[tilespmem:$0x1EC80] =	vst v63  }
0x96: {  	_ =	swait.ge [sflag:s17], $0x2800  }
0x97: {  	[sflag:s17] =	ssyncset.done $0x0  }
0x98: {  	[sflag:s17] =	ssyncadd.s32 $0xFFFFD800  }
0x99: {  	_ =	swait.ge [sflag:s21], $0x50  }
0x9a: {  	[sflag:s21] =	ssyncset.done $0x0  }
0x9b: {  	[sflag:s21] =	ssyncadd.s32 $0xFFFFFFB0  }
0x9c: {  	_ =	swait.ge [sflag:s17], $0x2800  }
0x9d: {  	[sflag:s17] =	ssyncset.done $0x0  }
0x9e: {  	[sflag:s17] =	ssyncadd.s32 $0xFFFFD800  }
0x9f: {  	_ =	swait.ge [sflag:s21], $0x50  }
0xa0: {  	[sflag:s21] =	ssyncset.done $0x0  }
0xa1: {  	[sflag:s21] =	ssyncadd.s32 $0xFFFFFFB0  }
0xa2: {  	_ =	swait.ge [sflag:s17], $0x2800  }
0xa3: {  	[sflag:s17] =	ssyncset.done $0x0  }
0xa4: {  	[sflag:s17] =	ssyncadd.s32 $0xFFFFD800  }
0xa5: {  	_ =	swait.ge [sflag:s21], $0x50  }
0xa6: {  	[sflag:s21] =	ssyncset.done $0x0  }
0xa7: {  	[sflag:s21] =	ssyncadd.s32 $0xFFFFFFB0  }
0xa8: {  	_ =	swait.ge [sflag:s17], $0x2800  }
0xa9: {  	[sflag:s17] =	ssyncset.done $0x0  }
0xaa: {  	[sflag:s17] =	ssyncadd.s32 $0xFFFFD800  }
0xab: {  	_ =	swait.ge [sflag:s21], $0x50  }
0xac: {  	[sflag:s21] =	ssyncset.done $0x0  }
0xad: {  	[sflag:s21] =	ssyncadd.s32 $0xFFFFFFB0  }
0xae: {  	_ =	swait.ge [sflag:s17], $0x2800  }
0xaf: {  	[sflag:s17] =	ssyncset.done $0x0  }
0xb0: {  	[sflag:s17] =	ssyncadd.s32 $0xFFFFD800  }
0xb1: {  	_ =	swait.ge [sflag:s21], $0x50  }
0xb2: {  	[sflag:s21] =	ssyncset.done $0x0  }
0xb3: {  	[sflag:s21] =	ssyncadd.s32 $0xFFFFFFB0  }
0xb4: {  	_ =	swait.ge [sflag:s17], $0x2800  }
0xb5: {  	[sflag:s17] =	ssyncset.done $0x0  }
0xb6: {  	[sflag:s17] =	ssyncadd.s32 $0xFFFFD800  }
0xb7: {  	_ =	swait.ge [sflag:s21], $0x50  }
0xb8: {  	[sflag:s21] =	ssyncset.done $0x0  }
0xb9: {  	[sflag:s21] =	ssyncadd.s32 $0xFFFFFFB0  }
0xba: {  	_ =	swait.ge [sflag:s17], $0x2800  }
0xbb: {  	[sflag:s17] =	ssyncset.done $0x0  }
0xbc: {  	[sflag:s17] =	ssyncadd.s32 $0xFFFFD800  }
0xbd: {  	_ =	swait.ge [sflag:s21], $0x50  }
0xbe: {  	[sflag:s21] =	ssyncset.done $0x0  }
0xbf: {  	[sflag:s21] =	ssyncadd.s32 $0xFFFFFFB0  }
0xc0: {  	_ =	swait.ge [sflag:s17], $0x2800  }
0xc1: {  	[sflag:s17] =	ssyncset.done $0x0  }
0xc2: {  	[sflag:s17] =	ssyncadd.s32 $0xFFFFD800  }
0xc3: {  	_ =	swait.ge [sflag:s21], $0x50  }
0xc4: {  	[sflag:s21] =	ssyncset.done $0x0  }
0xc5: {  	[sflag:s21] =	ssyncadd.s32 $0xFFFFFFB0  }
0xc6: {  	s26 =	simm.s32 $0x2;
	[bflag:$0x0] =	sbarrier.arrive $0xFFFF  }
0xc7: {  	_ =	swait.ge [sflag:s26], $0x50  }
0xc8: {  	[sflag:s26] =	ssyncset.done $0x0  }
0xc9: {  	[sflag:s26] =	ssyncadd.s32 $0xFFFFFFB0  }
0xca: {  	_ =	swait.ge [sflag:s26], $0x50  }
0xcb: {  	[sflag:s26] =	ssyncset.done $0x0  }
0xcc: {  	[sflag:s26] =	ssyncadd.s32 $0xFFFFFFB0  }
0xcd: {  	[tilespmem:s11], [sflag:$0x1] =	stream.indirect.gather [hbm4b:s5+s19], $0x80, s4, s19, $0xb8;
	[tilespmem:$0x1EC80] =	vst v63  }
0xce: {  	_ = 	snop  }
0xcf: {  	[tilespmem:s12], [sflag:$0x5] =	stream.indirect.gather [hbm4b:s6+s19], $0x1, s14, s19, $0xb8;
	[tilespmem:$0x1EC80] =	vst v63  }
0xd0: {  	_ =	swait.ge [sflag:s26], $0x50  }
0xd1: {  	[sflag:s26] =	ssyncset.done $0x0  }
0xd2: {  	[sflag:s26] =	ssyncadd.s32 $0xFFFFFFB0  }
0xd3: {  	_ =	swait.ge [sflag:s26], $0x50  }
.Ltmp3:
0xd4: {  	[sflag:s26] =	ssyncset.done $0x0;
	(pc) =	sbr.rel .LBB2_4-.Ltmp3, $4  }
0xd5: {  	s13 =	simm.s32 $0x17000;
	s29 =	rddreg [dreg:$0xf];
	[sflag:s26] =	ssyncadd.s32 $0xFFFFFFB0  }
0xd6: {  	[tilespmem:s13], [sflag:$0x1] =	stream.indirect.gather [hbm4b:s5+s19], $0x80, s15, s19, $0xb8;
	[tilespmem:$0x1EC80] =	vst v63  }
0xd7: {  	s28 =	simm.s32 $0x200;
	s31 =	simm.s32 $0x1EB00;
	s30 =	rddreg [dreg:$0xe]  }
0xd8: {  	[tilespmem:s31], [sflag:$0x5] =	stream.indirect.gather [hbm4b:s6+s19], $0x1, s16, s19, $0xb8;
	[tilespmem:$0x1EC80] =	vst v63  }
.LBB2_5:
0xd9: {  	_ =	swait.ge [sflag:s17], $0x2800  }
0xda: {  	[sflag:s17] =	ssyncset.done $0x0  }
0xdb: {  	[sflag:s17] =	ssyncadd.s32 $0xFFFFD800  }
0xdc: {  	_ =	swait.ge [sflag:s21], $0x50  }
0xdd: {  	[sflag:s21] =	ssyncset.done $0x0  }
0xde: {  	[sflag:s21] =	ssyncadd.s32 $0xFFFFFFB0  }
.LBB2_7:
0xdf: {  	_ =	swait.ge [sflag:s23], $0x50  }
0xe0: {  	s0 =	sand.u32 $0x3, s26;
	[sflag:s23] =	ssyncset.done $0x0  }
0xe1: {  	s8 =	sadd.s32 $0xFFFFFF00, s28;
	s4 =	smul.u32 $0xA000, s0;
	[sflag:s23] =	ssyncadd.s32 $0xFFFFFFB0  }
0xe2: {  	s8 =	sand.u32 $0x380, s8;
	_ =	swait.ge [sflag:s23], $0x50  }
0xe3: {  	s0 =	sshll.u32 s0, $0x7;
	s4 =	sshrl.u32 s4, $0x2;
	[sflag:s23] =	ssyncset.done $0x0  }
0xe4: {  	s13 =	sor.u32 $0x14400, s8;
	s4 =	sadd.s32 $0x14800, s4;
	[sflag:s23] =	ssyncadd.s32 $0xFFFFFFB0  }
0xe5: {  	[tilespmem:s4], [sflag:$0x1] =	stream.indirect.gather [hbm4b:s5+s19], $0x80, s13, s19, $0xb8;
	[tilespmem:$0x1EC80] =	vst v63  }
0xe6: {  	s31 =	sor.u32 $0x14000, s8;
	s0 =	sadd.s32 $0x1EA80, s0  }
0xe7: {  	[tilespmem:s0], [sflag:$0x5] =	stream.indirect.gather [hbm4b:s6+s19], $0x1, s31, s19, $0xb8;
	[tilespmem:$0x1EC80] =	vst v63  }
.LBB2_8:
0xe8: {  	s28 =	sadd.s32 $0x80, s28  }
0xe9: {  	p1 =	sne.s32 s28, $0x4080  }
.Ltmp4:
0xea: {  	_ = 	snop;
	(pc) =	sbr.rel @!p1 .LBB2_9-.Ltmp4, $2  }
0xeb: {  	_ =	sdelay $0x2  }
0xec: {  	s30 =	sadd.s32 $0xA, s30;
	s29 =	sadd.s32 $0xA, s29;
	s26 =	sadd.s32 $0x1, s26  }
.LBB2_4:
0xed: {  	s31 =	sadd.s32 $0xFFFFFFFE, s26;
	_ =	swait.ge [sflag:s20], $0x2800  }
0xee: {  	s0 =	sand.u32 $0x3, s31;
	[sflag:s20] =	ssyncset.done $0x0  }
0xef: {  	s8 =	sadd.s32 $0xFFFFFE00, s28;
	s4 =	smul.u32 $0xA000, s0;
	[sflag:s20] =	ssyncadd.s32 $0xFFFFD800  }
0xf0: {  	s8 =	sand.u32 $0x380, s8;
	_ =	swait.ge [sflag:s22], $0x50  }
0xf1: {  	s0 =	sshll.u32 s0, $0x7;
	s4 =	sshrl.u32 s4, $0x2;
	[sflag:s22] =	ssyncset.done $0x0  }
0xf2: {  	s13 =	sor.u32 $0x14000, s8;
	s4 =	sadd.s32 $0x14800, s4;
	[sflag:s22] =	ssyncadd.s32 $0xFFFFFFB0  }
0xf3: {  	[spmem:s1] =	stream.indirect.scatter.add.f32 [tilespmem:s4], [sflag:$0x3], $0x80, s13, s19, $0xb8;
	[tilespmem:$0x1EC80] =	vst v63  }
0xf4: {  	p1 =	sgt.u32 s31, $0x78;
	s8 =	sor.u32 $0x14400, s8;
	s0 =	sadd.s32 $0x1EA80, s0  }
0xf5: {  	[spmem:s2] =	stream.indirect.scatter.add.f32 [tilespmem:s0], [sflag:$0x4], $0x1, s8, s19, $0xb8;
	[tilespmem:$0x1EC80] =	vst v63  }
0xf6: {  	s0 =	sand.u32 @!p1 $0x380, s28  }
0xf7: {  	s8 =	simm.s32 @!p1 $0x0;
	s4 =	sor.u32 @!p1 $0x14400, s0  }
0xf8: {  	[tilespmem:s4], [sflag:$0x2] =	stream.linear.gather @!p1 [hbm4b:s29+s8], $0x50, $0x38;
	[tilespmem:$0x1EC80] =	vst v63  }
0xf9: {  	s13 =	sadd.s32 $0xFFFFFFFC, s26;
	s0 =	sor.u32 @!p1 $0x14000, s0  }
0xfa: {  	[tilespmem:s0], [sflag:$0x2] =	stream.linear.gather @!p1 [hbm4b:s30+s8], $0x50, $0x38;
	[tilespmem:$0x1EC80] =	vst v63  }
0xfb: {  	p1 =	sgt.u32 s13, $0x78  }
.Ltmp5:
0xfc: {  	_ = 	snop;
	(pc) =	sbr.rel @!p1 .LBB2_5-.Ltmp5, $1  }
0xfd: {  	_ =	sdelay $0x3  }
0xfe: {  	p1 =	sgt.u32 s31, $0x7A  }
.Ltmp6:
0xff: {  	_ = 	snop;
	(pc) =	sbr.rel @p1 .LBB2_8-.Ltmp6, $4  }
.Ltmp7:
0x100: {  	_ = 	snop;
	(pc) =	sbr.rel @!p1 .LBB2_7-.Ltmp7, $4  }
0x101: {  	_ = 	snop  }
0x102: {  	_ = 	snop  }
0x103: {  	_ = 	snop  }
0x104: {  	_ = 	snop  }
.LBB2_10:
0x105: {  	_ =	sfence.sel $0x180000  }
0x106: {  	[bflag:$0x0] =	sbarrier.arrive $0xFFFF  }
0x107: {  	_ =	strace $0x9000004A  }
0x108: {  	[bflag:$0x2] =	sbarrier.arrive $0xFFFF  }
0x109: {  	s0 =	rddreg [dreg:$0x3]  }
0x10a: {  	s0 =	sadd.s32 @!p0 $0x100000, s0  }
0x10b: {  	[sflag:s0] =	ssyncadd.tile.s32 @!p0 $0x1;
	_ =	shalt  }
.Lfunc_end2:
_tile_overlayer_lowered:
.L_overlay_start_2:
0x10c: {  	(tag) =	ssettag $0x2  }
0x10d: {  	s0 =	rddreg [dreg:$0x0];
	s2 =	stileid.u32  }
0x10e: {  	s1 =	rddreg [dreg:$0x1];
	p0 =	sne.s32 s2, $0x0  }
0x10f: {  	s3 =	rddreg [dreg:$0x2];
	[bflag:$0x3] =	sbarrier.arrive $0xFFFF;
	s2 =	simm.s32 @!p0 $0x1C06  }
0x110: {  	[timem:s3], [sflag:s2] =	dma.local @!p0 [hbm:s0], s1  }
0x111: {  	s0 =	simm.s32 @!p0 $0x6  }
0x112: {  	_ =	swait.ge @!p0 [sflag:s0], s1  }
0x113: {  	s1 =	ssub.s32 @!p0 $0x0, s1;
	[sflag:s0] =	ssyncset.done @!p0 $0x0  }
0x114: {  	[sflag:s0] =	ssyncadd.s32 @!p0 s1  }
0x115: {  	[bflag:$0x3] =	sbarrier.arrive $0xFFFF  }
0x116: {  	_ =	shalt  }

</sc_bundles>
